<compile_context>
chip_gen: v7x
topology: tpu7x:2x2x1
jax: 0.10.2.dev20260603
libtpu: 0.0.44.dev20260713+nightly
codegen_flags: <defaults>
</compile_context>

<pallas_src>
import functools

import jax
import jax.numpy as jnp
from jax import lax
from jax.experimental import pallas as pl
from jax.experimental.pallas import tpu as pltpu
from jax.experimental.pallas import tpu_sc as plsc

F32 = jnp.float32

N = 10000
NPAD = 10240
E = 320000
ROWS_PER_SUB = NPAD // 16

NC, NS = 2, 16
NW = NC * NS

CH = 512
CR = CH // 128
NCHUNK = E // CH
KMAX = (NCHUNK + NW - 1) // NW

CHS = 256
CRS = CHS // 128
NCHUNKS = E // CHS
KMAXS = (NCHUNKS + NW - 1) // NW

_SC_MESH = plsc.VectorSubcoreMesh(
    core_axis_name="c", subcore_axis_name="s", num_cores=NC, num_subcores=NS)


def _sds(shape, dtype=F32):
    return jax.ShapeDtypeStruct(shape, dtype)


@functools.partial(
    pl.kernel,
    out_type=(_sds((E, 64)), _sds((E, 64))),
    mesh=_SC_MESH,
    scratch_types=[
        pltpu.VMEM((CR, 128), jnp.int32),
        pltpu.VMEM((CR, 128), jnp.int32),
        pltpu.VMEM((CH, 64), F32),
        pltpu.VMEM((CH, 64), F32),
        pltpu.SemaphoreType.DMA,
    ],
    compiler_params=pltpu.CompilerParams(use_tc_tiling_on_sc=False),
)
def _sc_gather(src2d, dst2d, atab, btab, ago, bgo, idx_s, idx_d, rowsa, rowsb,
               sem):
    w = lax.axis_index("s") * NC + lax.axis_index("c")

    def body(k, carry):
        cid = w + k * NW

        @pl.when(cid < NCHUNK)
        def _():
            roff = pl.multiple_of(cid * CR, CR)
            eoff = pl.multiple_of(cid * CH, CH)
            pltpu.sync_copy(src2d.at[pl.ds(roff, CR)], idx_s)
            pltpu.sync_copy(dst2d.at[pl.ds(roff, CR)], idx_d)
            cps = []
            for j in range(CR):
                cps.append(pltpu.async_copy(
                    atab.at[idx_s.at[j]], rowsa.at[pl.ds(j * 128, 128)], sem))
                cps.append(pltpu.async_copy(
                    btab.at[idx_d.at[j]], rowsb.at[pl.ds(j * 128, 128)], sem))
            for cp in cps:
                cp.wait()
            pltpu.sync_copy(rowsa, ago.at[pl.ds(eoff, CH)])
            pltpu.sync_copy(rowsb, bgo.at[pl.ds(eoff, CH)])

        return carry

    lax.fori_loop(0, KMAX, body, 0)


@functools.partial(
    pl.kernel,
    out_type=(_sds((NC, NPAD, 128)), _sds((NC, NPAD, 16))),
    mesh=_SC_MESH,
    scratch_types=[
        pltpu.VMEM((CRS, 128), jnp.int32),
        pltpu.VMEM((CHS, 128), F32),
        pltpu.VMEM((128, 16), F32),
        pltpu.VMEM_SHARED((NPAD, 128), F32),
        pltpu.VMEM_SHARED((NPAD, 16), F32),
        pltpu.SemaphoreType.DMA,
    ],
    compiler_params=pltpu.CompilerParams(use_tc_tiling_on_sc=False),
)
def _sc_scatter(msg, dst2d, zrows, zcnt, ones, pout, cout, idx_d, rows, ones_v,
                acc, acc_cnt, sem):
    c = lax.axis_index("c")
    s = lax.axis_index("s")
    w = s * NC + c
    srow = pl.multiple_of(s * ROWS_PER_SUB, ROWS_PER_SUB)

    pltpu.sync_copy(zrows, acc.at[pl.ds(srow, ROWS_PER_SUB)])
    pltpu.sync_copy(zcnt, acc_cnt.at[pl.ds(srow, ROWS_PER_SUB)])
    pltpu.sync_copy(ones, ones_v)
    plsc.subcore_barrier()

    def body(k, carry):
        cid = w + k * NW

        @pl.when(cid < NCHUNKS)
        def _():
            roff = pl.multiple_of(cid * CRS, CRS)
            eoff = pl.multiple_of(cid * CHS, CHS)
            pltpu.sync_copy(dst2d.at[pl.ds(roff, CRS)], idx_d)
            pltpu.sync_copy(msg.at[pl.ds(eoff, CHS)], rows)
            cps = []
            for j in range(CRS):
                cps.append(pltpu.async_copy(
                    rows.at[pl.ds(j * 128, 128)], acc.at[idx_d.at[j]], sem,
                    add=True))
                cps.append(pltpu.async_copy(
                    ones_v, acc_cnt.at[idx_d.at[j]], sem, add=True))
            for cp in cps:
                cp.wait()

        return carry

    lax.fori_loop(0, KMAXS, body, 0)
    plsc.subcore_barrier()

    pltpu.sync_copy(acc.at[pl.ds(srow, ROWS_PER_SUB)],
                    pout.at[c, pl.ds(srow, ROWS_PER_SUB)])
    pltpu.sync_copy(acc_cnt.at[pl.ds(srow, ROWS_PER_SUB)],
                    cout.at[c, pl.ds(srow, ROWS_PER_SUB)])


_BEC = 8000


def _edgec_body(ea_ref, w_ref, b_ref, o0_ref, o1_ref, o2_ref):
    o = (jnp.dot(ea_ref[...], w_ref[...], preferred_element_type=F32)
         + b_ref[...])
    o0_ref[...] = o[:, 0:64]
    o1_ref[...] = o[:, 64:128]
    o2_ref[...] = o[:, 128:192]


def _edgec(edge_attr, w_all, b_all):
    out_spec = pl.BlockSpec((_BEC, 64), lambda i: (i, 0))
    return pl.pallas_call(
        _edgec_body,
        grid=(E // _BEC,),
        in_specs=[
            pl.BlockSpec((_BEC, 16), lambda i: (i, 0)),
            pl.BlockSpec((16, 192), lambda i: (0, 0)),
            pl.BlockSpec((1, 192), lambda i: (0, 0)),
        ],
        out_specs=(out_spec, out_spec, out_spec),
        out_shape=(_sds((E, 64)), _sds((E, 64)), _sds((E, 64))),
        compiler_params=pltpu.CompilerParams(
            dimension_semantics=("parallel",)),
    )(edge_attr, w_all, b_all)


_BE = 4000


def _mlp_body(ag_ref, bg_ref, c_ref, w2_ref, b2_ref, w3_ref, b3_ref, w4_ref,
              b4_ref, o_ref):
    h = jnp.maximum(ag_ref[...] + bg_ref[...] + c_ref[...], 0.0)
    h = jnp.maximum(
        jnp.dot(h, w2_ref[...], preferred_element_type=F32) + b2_ref[...], 0.0)
    h = jnp.maximum(
        jnp.dot(h, w3_ref[...], preferred_element_type=F32) + b3_ref[...], 0.0)
    o_ref[...] = (
        jnp.dot(h, w4_ref[...], preferred_element_type=F32) + b4_ref[...])


def _edge_mlp(ag, bg, c_l, w2, b2, w3, b3, w4, b4):
    small = lambda shape: pl.BlockSpec(shape, lambda i: (0, 0))
    return pl.pallas_call(
        _mlp_body,
        grid=(E // _BE,),
        in_specs=[
            pl.BlockSpec((_BE, 64), lambda i: (i, 0)),
            pl.BlockSpec((_BE, 64), lambda i: (i, 0)),
            pl.BlockSpec((_BE, 64), lambda i: (i, 0)),
            small((64, 64)), small((1, 64)),
            small((64, 64)), small((1, 64)),
            small((64, 128)), small((1, 128)),
        ],
        out_specs=pl.BlockSpec((_BE, 128), lambda i: (i, 0)),
        out_shape=_sds((E, 128)),
        compiler_params=pltpu.CompilerParams(
            dimension_semantics=("parallel",)),
    )(ag, bg, c_l, w2, b2, w3, b3, w4, b4)


def _np0_body(x_ref, wa_ref, wb_ref, a_ref, b_ref):
    x = x_ref[...]
    a_ref[...] = jnp.dot(x, wa_ref[...], preferred_element_type=F32)
    b_ref[...] = jnp.dot(x, wb_ref[...], preferred_element_type=F32)


def _np0(xpad, wa, wb):
    return pl.pallas_call(
        _np0_body,
        out_shape=(_sds((NPAD, 64)), _sds((NPAD, 64))),
    )(xpad, wa, wb)


def _inv_from_counts(cp_ref):
    cnt = cp_ref[0, :, 0:1] + cp_ref[1, :, 0:1]
    return 1.0 / jnp.maximum(cnt, 1.0)


def _comb0_body(p_ref, cp_ref, x_ref, wsh_ref, wsx_ref, wdh_ref, wdx_ref,
                h0_ref, a1_ref, b1_ref):
    h0 = (p_ref[0] + p_ref[1]) * _inv_from_counts(cp_ref)
    h0_ref[...] = h0
    x = x_ref[...]
    a1_ref[...] = (
        jnp.dot(h0, wsh_ref[...], preferred_element_type=F32)
        + jnp.dot(x, wsx_ref[...], preferred_element_type=F32))
    b1_ref[...] = (
        jnp.dot(h0, wdh_ref[...], preferred_element_type=F32)
        + jnp.dot(x, wdx_ref[...], preferred_element_type=F32))


def _comb0(p, cp, xpad, wsh, wsx, wdh, wdx):
    return pl.pallas_call(
        _comb0_body,
        out_shape=(_sds((NPAD, 128)), _sds((NPAD, 64)), _sds((NPAD, 64))),
    )(p, cp, xpad, wsh, wsx, wdh, wdx)


def _comb1_body(p_ref, cp_ref, h0_ref, wa_ref, wb_ref, an_ref, bn_ref):
    h1 = (p_ref[0] + p_ref[1]) * _inv_from_counts(cp_ref) + h0_ref[...]
    an_ref[...] = jnp.dot(h1, wa_ref[...], preferred_element_type=F32)
    bn_ref[...] = jnp.dot(h1, wb_ref[...], preferred_element_type=F32)


def _comb1(p, cp, h0, wa, wb):
    return pl.pallas_call(
        _comb1_body,
        out_shape=(_sds((NPAD, 64)), _sds((NPAD, 64))),
    )(p, cp, h0, wa, wb)


def _combn_body(p_ref, cp_ref, o_ref):
    o_ref[...] = (p_ref[0] + p_ref[1]) * _inv_from_counts(cp_ref)


def _combn(p, cp):
    return pl.pallas_call(
        _combn_body,
        out_shape=_sds((NPAD, 128)),
    )(p, cp)


def kernel(x, edge_attr, params, edge_index):
    src2d = edge_index[0].reshape(E // 128, 128)
    dst2d = edge_index[1].reshape(E // 128, 128)
    xpad = jnp.pad(x, ((0, NPAD - N), (0, 0)))

    p0, p1, pn = params["layer0"], params["layer1"], params["layern"]
    w0, b0 = p0[0]
    w1, b1 = p1[0]
    wn, bn = pn[0]

    w0a, w0b, w0c = w0[:128], w0[128:256], w0[256:272]
    w1sh, w1sx = w1[:128], w1[128:256]
    w1dh, w1dx = w1[256:384], w1[384:512]
    w1c = w1[512:528]
    wna, wnb, wnc = wn[:128], wn[128:256], wn[256:272]

    wc_all = jnp.concatenate([w0c, w1c, wnc], axis=1)
    b_all = jnp.concatenate([b0, b1, bn]).reshape(1, 192)

    mlp_tail = lambda p: sum(((w, b.reshape(1, -1)) for w, b in p[1:]), ())

    zrows = jnp.zeros((ROWS_PER_SUB, 128), F32)
    zcnt = jnp.zeros((ROWS_PER_SUB, 16), F32)
    ones = jnp.ones((128, 16), F32)

    c0, c1, cn = _edgec(edge_attr, wc_all, b_all)

    a0, bb0 = _np0(xpad, w0a, w0b)
    ag, bg = _sc_gather(src2d, dst2d, a0, bb0)
    msg = _edge_mlp(ag, bg, c0, *mlp_tail(p0))
    pp0, cp = _sc_scatter(msg, dst2d, zrows, zcnt, ones)

    h0, a1, b1t = _comb0(pp0, cp, xpad, w1sh, w1sx, w1dh, w1dx)
    ag, bg = _sc_gather(src2d, dst2d, a1, b1t)
    msg = _edge_mlp(ag, bg, c1, *mlp_tail(p1))
    pp1, _ = _sc_scatter(msg, dst2d, zrows, zcnt, ones)

    an, bn_t = _comb1(pp1, cp, h0, wna, wnb)
    ag, bg = _sc_gather(src2d, dst2d, an, bn_t)
    msg = _edge_mlp(ag, bg, cn, *mlp_tail(pn))
    ppn, _ = _sc_scatter(msg, dst2d, zrows, zcnt, ones)

    out = _combn(ppn, cp)
    return out[:N]

# --- scband reference (transcript-rebuilt; emitter-appended) ---
"""Pipeline reference for scband-deep-gcniidecoder-89644557402624 (READ-ONLY COPY).

The authoritative reference and input builder live on the scoring server;
editing this copy changes nothing except your own understanding.
"""

import jax, jax.numpy as jnp
import numpy as np

N = 10000
E = 320000
IN_DIM = 128
EDGE_DIM = 16
HIDDEN = 128
OUT = 128


def _mk_mlp(key, dims):
    params = []
    for i in range(len(dims) - 1):
        key, k1 = jax.random.split(key)
        W = jax.random.normal(k1, (dims[i], dims[i + 1]), dtype=jnp.float32) / np.sqrt(dims[i]).astype(np.float32)
        b = jnp.zeros((dims[i + 1],), dtype=jnp.float32)
        params.append((W, b))
    return params, key


def setup_inputs(seed: int = 0):
    key = jax.random.key(seed)
    k1, k2, k3, key = jax.random.split(key, 4)
    x = jax.random.normal(k1, (N, IN_DIM), dtype=jnp.float32)
    edge_index = jax.random.randint(k2, (2, E), 0, N, dtype=jnp.int32)
    edge_attr = jax.random.normal(k3, (E, EDGE_DIM), dtype=jnp.float32)
    p0, key = _mk_mlp(key, [2 * IN_DIM + EDGE_DIM, 64, 64, 64, HIDDEN])
    p1, key = _mk_mlp(key, [2 * (IN_DIM + HIDDEN) + EDGE_DIM, 64, 64, 64, HIDDEN])
    pn, key = _mk_mlp(key, [2 * HIDDEN + EDGE_DIM, 64, 64, 64, OUT])
    params = {"layer0": p0, "layer1": p1, "layern": pn}
    return {"x": x, "edge_attr": edge_attr, "params": params, "edge_index": edge_index}


def _mlp(params, h):
    for W, b in params[:-1]:
        h = jax.nn.relu(h @ W + b)
    W, b = params[-1]
    return h @ W + b


def _allconv(params, feat, edge_attr, src, dst, n):
    # edge_udf: cat(src_feat, dst_feat, edge_feat) -> MLP_msg
    m = jnp.concatenate([feat[src], feat[dst], edge_attr], axis=1)
    msg = _mlp(params, m)
    # update_all(copy_e, mean): mean of incoming messages per dst node (0 for isolated nodes)
    s = jax.ops.segment_sum(msg, dst, num_segments=n)
    cnt = jax.ops.segment_sum(jnp.ones((dst.shape[0], 1), jnp.float32), dst, num_segments=n)
    return s / jnp.maximum(cnt, 1.0)


def reference(x, edge_attr, params, edge_index):
    src = edge_index[0]
    dst = edge_index[1]
    n = x.shape[0]
    # DeepGCNIIDecoder.forward with num_layers=3, use_jk=False
    feat = x
    h = _allconv(params["layer0"], feat, edge_attr, src, dst, n)
    feat = jnp.concatenate([h, feat], axis=1)
    h = _allconv(params["layer1"], feat, edge_attr, src, dst, n) + h
    feat = h
    out = _allconv(params["layern"], feat, edge_attr, src, dst, n)
    return out

if __name__ == "__main__":
    import jax
    _d = setup_inputs()
    print(jax.jit(kernel)(*tuple(_d.values())))

</pallas_src>

<mosaic_0001>
#map = affine_map<(d0, d1) -> (0, 0)>
#map1 = affine_map<(d0, d1) -> (0, 0, 0)>
module attributes {stable_mosaic.version = 14 : i64} {
  func.func @_sc_scatter(%arg0: i32, %arg1: i32, %arg2: memref<320000x128xf32, #tpu.memory_space<hbm>>, %arg3: memref<2500x128xi32, #tpu.memory_space<hbm>>, %arg4: memref<640x128xf32, #tpu.memory_space<hbm>>, %arg5: memref<640x16xf32, #tpu.memory_space<hbm>>, %arg6: memref<128x16xf32, #tpu.memory_space<hbm>>, %arg7: memref<2x10240x128xf32, #tpu.memory_space<hbm>>, %arg8: memref<2x10240x16xf32, #tpu.memory_space<hbm>>, %arg9: memref<2x128xi32, #tpu.memory_space<vmem>>, %arg10: memref<256x128xf32, #tpu.memory_space<vmem>>, %arg11: memref<128x16xf32, #tpu.memory_space<vmem>>, %arg12: memref<10240x128xf32, #tpu.memory_space<vmem_shared>>, %arg13: memref<10240x16xf32, #tpu.memory_space<vmem_shared>>, %arg14: memref<!tpu.dma_semaphore, #tpu.memory_space<semaphore_mem>>) attributes {dimension_semantics = [#tpu.dimension_semantics<core_parallel>, #tpu.dimension_semantics<subcore_parallel>], iteration_bounds = array<i64: 2, 16>, scalar_prefetch = 0 : i64, scratch_operands = 6 : i64, tpu.core_type = #tpu.core_type<sc_vector_subcore>, window_params = [{transform_indices = #map}, {transform_indices = #map}, {transform_indices = #map}, {transform_indices = #map}, {transform_indices = #map}, {transform_indices = #map1}, {transform_indices = #map1}]} {
    %mul3A = arith.constant 2 : i32
    %mul3A_0 = arith.muli %arg1, %mul3A : i32
    %add3A = arith.addi %mul3A_0, %arg0 : i32
    %mul3A_1 = arith.constant 640 : i32
    %mul3A_2 = arith.muli %arg1, %mul3A_1 : i32
    %multiple_of3A = tpu.assume_multiple %mul3A_2, 640 : i32
    "tpu.region"() ({
      %run_scoped3A = tpu.sem_alloc : memref<!tpu.dma_semaphore, #tpu.memory_space<semaphore_mem>>
      %dma_start3A = arith.constant 0 : i32
      %dma_start3A_9 = tpu.memref_slice %arg12[%multiple_of3A, %dma_start3A] : memref<10240x128xf32, #tpu.memory_space<vmem_shared>> -> memref<640x128xf32, #tpu.memory_space<vmem_shared>>
      tpu.enqueue_dma source(%arg4 : memref<640x128xf32, #tpu.memory_space<hbm>>) target(%dma_start3A_9 : memref<640x128xf32, #tpu.memory_space<vmem_shared>>) target_semaphore(%run_scoped3A : memref<!tpu.dma_semaphore, #tpu.memory_space<semaphore_mem>>)
      %dma_wait3A = arith.constant 0 : i32
      %dma_wait3A_10 = tpu.memref_slice %arg12[%multiple_of3A, %dma_wait3A] : memref<10240x128xf32, #tpu.memory_space<vmem_shared>> -> memref<640x128xf32, #tpu.memory_space<vmem_shared>>
      tpu.wait_dma2 semaphore(%run_scoped3A : memref<!tpu.dma_semaphore, #tpu.memory_space<semaphore_mem>>) src(%arg4 : memref<640x128xf32, #tpu.memory_space<hbm>>) dst(%dma_wait3A_10 : memref<640x128xf32, #tpu.memory_space<vmem_shared>>)
      tpu.yield
    }) : () -> ()
    "tpu.region"() ({
      %run_scoped3A = tpu.sem_alloc : memref<!tpu.dma_semaphore, #tpu.memory_space<semaphore_mem>>
      %dma_start3A = arith.constant 0 : i32
      %dma_start3A_9 = tpu.memref_slice %arg13[%multiple_of3A, %dma_start3A] : memref<10240x16xf32, #tpu.memory_space<vmem_shared>> -> memref<640x16xf32, #tpu.memory_space<vmem_shared>>
      tpu.enqueue_dma source(%arg5 : memref<640x16xf32, #tpu.memory_space<hbm>>) target(%dma_start3A_9 : memref<640x16xf32, #tpu.memory_space<vmem_shared>>) target_semaphore(%run_scoped3A : memref<!tpu.dma_semaphore, #tpu.memory_space<semaphore_mem>>)
      %dma_wait3A = arith.constant 0 : i32
      %dma_wait3A_10 = tpu.memref_slice %arg13[%multiple_of3A, %dma_wait3A] : memref<10240x16xf32, #tpu.memory_space<vmem_shared>> -> memref<640x16xf32, #tpu.memory_space<vmem_shared>>
      tpu.wait_dma2 semaphore(%run_scoped3A : memref<!tpu.dma_semaphore, #tpu.memory_space<semaphore_mem>>) src(%arg5 : memref<640x16xf32, #tpu.memory_space<hbm>>) dst(%dma_wait3A_10 : memref<640x16xf32, #tpu.memory_space<vmem_shared>>)
      tpu.yield
    }) : () -> ()
    "tpu.region"() ({
      %run_scoped3A = tpu.sem_alloc : memref<!tpu.dma_semaphore, #tpu.memory_space<semaphore_mem>>
      tpu.enqueue_dma source(%arg6 : memref<128x16xf32, #tpu.memory_space<hbm>>) target(%arg11 : memref<128x16xf32, #tpu.memory_space<vmem>>) target_semaphore(%run_scoped3A : memref<!tpu.dma_semaphore, #tpu.memory_space<semaphore_mem>>)
      tpu.wait_dma2 semaphore(%run_scoped3A : memref<!tpu.dma_semaphore, #tpu.memory_space<semaphore_mem>>) src(%arg6 : memref<128x16xf32, #tpu.memory_space<hbm>>) dst(%arg11 : memref<128x16xf32, #tpu.memory_space<vmem>>)
      tpu.yield
    }) : () -> ()
    %barrier3A = arith.constant 0 : index
    tpu.barrier barrier_id(%barrier3A)
    %scan3A = arith.constant 0 : i32
    %scan3A_3 = arith.constant 0 : i32
    %scan3A_4 = arith.constant 40 : i32
    %scan3A_5 = arith.addi %scan3A_3, %scan3A_4 : i32
    %scan3A_6 = arith.constant 1 : i32
    scf.for %scan3A_9 = %scan3A_3 to %scan3A_5 step %scan3A_6  : i32 {
      %mul3A_10 = arith.constant 32 : i32
      %mul3A_11 = arith.muli %scan3A_9, %mul3A_10 : i32
      %add3A_12 = arith.addi %add3A, %mul3A_11 : i32
      %lt3A = arith.constant 1250 : i32
      %lt3A_13 = arith.cmpi slt, %add3A_12, %lt3A : i32
      %convert_element_type3A = arith.extui %lt3A_13 : i1 to i32
      %cond3A = arith.constant 0 : i32
      %cond3A_14 = arith.cmpi ne, %convert_element_type3A, %cond3A : i32
      scf.if %cond3A_14 {
        %mul3A_15 = arith.constant 2 : i32
        %mul3A_16 = arith.muli %add3A_12, %mul3A_15 : i32
        %multiple_of3A_17 = tpu.assume_multiple %mul3A_16, 2 : i32
        %mul3A_18 = arith.constant 256 : i32
        %mul3A_19 = arith.muli %add3A_12, %mul3A_18 : i32
        %multiple_of3A_20 = tpu.assume_multiple %mul3A_19, 256 : i32
        "tpu.region"() ({
          %run_scoped3A = tpu.sem_alloc : memref<!tpu.dma_semaphore, #tpu.memory_space<semaphore_mem>>
          %dma_start3A_87 = arith.constant 0 : i32
          %dma_start3A_88 = tpu.memref_slice %arg3[%multiple_of3A_17, %dma_start3A_87] : memref<2500x128xi32, #tpu.memory_space<hbm>> -> memref<2x128xi32, #tpu.memory_space<hbm>>
          %dma_start3A_89 = arith.constant 0 : i32
          %dma_start3A_90 = tpu.memref_slice %arg3[%multiple_of3A_17, %dma_start3A_89] : memref<2500x128xi32, #tpu.memory_space<hbm>> -> memref<2x128xi32, #tpu.memory_space<hbm>>
          tpu.enqueue_dma source(%dma_start3A_90 : memref<2x128xi32, #tpu.memory_space<hbm>>) target(%arg9 : memref<2x128xi32, #tpu.memory_space<vmem>>) target_semaphore(%run_scoped3A : memref<!tpu.dma_semaphore, #tpu.memory_space<semaphore_mem>>)
          %dma_wait3A_91 = arith.constant 0 : i32
          %dma_wait3A_92 = tpu.memref_slice %arg3[%multiple_of3A_17, %dma_wait3A_91] : memref<2500x128xi32, #tpu.memory_space<hbm>> -> memref<2x128xi32, #tpu.memory_space<hbm>>
          %dma_wait3A_93 = arith.constant 0 : i32
          %dma_wait3A_94 = tpu.memref_slice %arg3[%multiple_of3A_17, %dma_wait3A_93] : memref<2500x128xi32, #tpu.memory_space<hbm>> -> memref<2x128xi32, #tpu.memory_space<hbm>>
          tpu.wait_dma2 semaphore(%run_scoped3A : memref<!tpu.dma_semaphore, #tpu.memory_space<semaphore_mem>>) src(%dma_wait3A_94 : memref<2x128xi32, #tpu.memory_space<hbm>>) dst(%arg9 : memref<2x128xi32, #tpu.memory_space<vmem>>)
          tpu.yield
        }) : () -> ()
        "tpu.region"() ({
          %run_scoped3A = tpu.sem_alloc : memref<!tpu.dma_semaphore, #tpu.memory_space<semaphore_mem>>
          %dma_start3A_87 = arith.constant 0 : i32
          %dma_start3A_88 = tpu.memref_slice %arg2[%multiple_of3A_20, %dma_start3A_87] : memref<320000x128xf32, #tpu.memory_space<hbm>> -> memref<256x128xf32, #tpu.memory_space<hbm>>
          %dma_start3A_89 = arith.constant 0 : i32
          %dma_start3A_90 = tpu.memref_slice %arg2[%multiple_of3A_20, %dma_start3A_89] : memref<320000x128xf32, #tpu.memory_space<hbm>> -> memref<256x128xf32, #tpu.memory_space<hbm>>
          tpu.enqueue_dma source(%dma_start3A_90 : memref<256x128xf32, #tpu.memory_space<hbm>>) target(%arg10 : memref<256x128xf32, #tpu.memory_space<vmem>>) target_semaphore(%run_scoped3A : memref<!tpu.dma_semaphore, #tpu.memory_space<semaphore_mem>>)
          %dma_wait3A_91 = arith.constant 0 : i32
          %dma_wait3A_92 = tpu.memref_slice %arg2[%multiple_of3A_20, %dma_wait3A_91] : memref<320000x128xf32, #tpu.memory_space<hbm>> -> memref<256x128xf32, #tpu.memory_space<hbm>>
          %dma_wait3A_93 = arith.constant 0 : i32
          %dma_wait3A_94 = tpu.memref_slice %arg2[%multiple_of3A_20, %dma_wait3A_93] : memref<320000x128xf32, #tpu.memory_space<hbm>> -> memref<256x128xf32, #tpu.memory_space<hbm>>
          tpu.wait_dma2 semaphore(%run_scoped3A : memref<!tpu.dma_semaphore, #tpu.memory_space<semaphore_mem>>) src(%dma_wait3A_94 : memref<256x128xf32, #tpu.memory_space<hbm>>) dst(%arg10 : memref<256x128xf32, #tpu.memory_space<vmem>>)
          tpu.yield
        }) : () -> ()
        %dma_start3A = arith.constant 0 : i32
        %dma_start3A_21 = arith.constant 0 : i32
        %dma_start3A_22 = arith.constant 0 : i32
        %dma_start3A_23 = tpu.memref_slice %arg10[%dma_start3A_21, %dma_start3A_22] : memref<256x128xf32, #tpu.memory_space<vmem>> -> memref<128x128xf32, #tpu.memory_space<vmem>>
        %dma_start3A_24 = arith.constant 0 : i32
        %dma_start3A_25 = tpu.memref_slice %arg9[%dma_start3A, %dma_start3A_24] : memref<2x128xi32, #tpu.memory_space<vmem>> -> memref<1x128xi32, #tpu.memory_space<vmem>>
        %dma_start3A_26 = tpu.memref_squeeze %dma_start3A_25 : memref<1x128xi32, #tpu.memory_space<vmem>> -> memref<128xi32, #tpu.memory_space<vmem>>
        %dma_start3A_27 = arith.constant 0 : i32
        %dma_start3A_28 = arith.constant 0 : i32
        %dma_start3A_29 = tpu.memref_slice %arg12[%dma_start3A_27, %dma_start3A_28] : memref<10240x128xf32, #tpu.memory_space<vmem_shared>> -> memref<10240x128xf32, #tpu.memory_space<vmem_shared>>
        tpu.enqueue_indirect_dma source(%dma_start3A_23 : memref<128x128xf32, #tpu.memory_space<vmem>>) target(%dma_start3A_29 : memref<10240x128xf32, #tpu.memory_space<vmem_shared>>) offsets(%dma_start3A_26 : memref<128xi32, #tpu.memory_space<vmem>>) semaphore(%arg14 : memref<!tpu.dma_semaphore, #tpu.memory_space<semaphore_mem>>) {add = true}
        %dma_start3A_30 = arith.constant 0 : i32
        %dma_start3A_31 = arith.constant 0 : i32
        %dma_start3A_32 = tpu.memref_slice %arg9[%dma_start3A_30, %dma_start3A_31] : memref<2x128xi32, #tpu.memory_space<vmem>> -> memref<1x128xi32, #tpu.memory_space<vmem>>
        %dma_start3A_33 = tpu.memref_squeeze %dma_start3A_32 : memref<1x128xi32, #tpu.memory_space<vmem>> -> memref<128xi32, #tpu.memory_space<vmem>>
        %dma_start3A_34 = arith.constant 0 : i32
        %dma_start3A_35 = arith.constant 0 : i32
        %dma_start3A_36 = tpu.memref_slice %arg13[%dma_start3A_34, %dma_start3A_35] : memref<10240x16xf32, #tpu.memory_space<vmem_shared>> -> memref<10240x16xf32, #tpu.memory_space<vmem_shared>>
        tpu.enqueue_indirect_dma source(%arg11 : memref<128x16xf32, #tpu.memory_space<vmem>>) target(%dma_start3A_36 : memref<10240x16xf32, #tpu.memory_space<vmem_shared>>) offsets(%dma_start3A_33 : memref<128xi32, #tpu.memory_space<vmem>>) semaphore(%arg14 : memref<!tpu.dma_semaphore, #tpu.memory_space<semaphore_mem>>) {add = true}
        %dma_start3A_37 = arith.constant 1 : i32
        %dma_start3A_38 = arith.constant 128 : i32
        %dma_start3A_39 = arith.constant 0 : i32
        %dma_start3A_40 = tpu.memref_slice %arg10[%dma_start3A_38, %dma_start3A_39] : memref<256x128xf32, #tpu.memory_space<vmem>> -> memref<128x128xf32, #tpu.memory_space<vmem>>
        %dma_start3A_41 = arith.constant 0 : i32
        %dma_start3A_42 = tpu.memref_slice %arg9[%dma_start3A_37, %dma_start3A_41] : memref<2x128xi32, #tpu.memory_space<vmem>> -> memref<1x128xi32, #tpu.memory_space<vmem>>
        %dma_start3A_43 = tpu.memref_squeeze %dma_start3A_42 : memref<1x128xi32, #tpu.memory_space<vmem>> -> memref<128xi32, #tpu.memory_space<vmem>>
        %dma_start3A_44 = arith.constant 0 : i32
        %dma_start3A_45 = arith.constant 0 : i32
        %dma_start3A_46 = tpu.memref_slice %arg12[%dma_start3A_44, %dma_start3A_45] : memref<10240x128xf32, #tpu.memory_space<vmem_shared>> -> memref<10240x128xf32, #tpu.memory_space<vmem_shared>>
        tpu.enqueue_indirect_dma source(%dma_start3A_40 : memref<128x128xf32, #tpu.memory_space<vmem>>) target(%dma_start3A_46 : memref<10240x128xf32, #tpu.memory_space<vmem_shared>>) offsets(%dma_start3A_43 : memref<128xi32, #tpu.memory_space<vmem>>) semaphore(%arg14 : memref<!tpu.dma_semaphore, #tpu.memory_space<semaphore_mem>>) {add = true}
        %dma_start3A_47 = arith.constant 1 : i32
        %dma_start3A_48 = arith.constant 0 : i32
        %dma_start3A_49 = tpu.memref_slice %arg9[%dma_start3A_47, %dma_start3A_48] : memref<2x128xi32, #tpu.memory_space<vmem>> -> memref<1x128xi32, #tpu.memory_space<vmem>>
        %dma_start3A_50 = tpu.memref_squeeze %dma_start3A_49 : memref<1x128xi32, #tpu.memory_space<vmem>> -> memref<128xi32, #tpu.memory_space<vmem>>
        %dma_start3A_51 = arith.constant 0 : i32
        %dma_start3A_52 = arith.constant 0 : i32
        %dma_start3A_53 = tpu.memref_slice %arg13[%dma_start3A_51, %dma_start3A_52] : memref<10240x16xf32, #tpu.memory_space<vmem_shared>> -> memref<10240x16xf32, #tpu.memory_space<vmem_shared>>
        tpu.enqueue_indirect_dma source(%arg11 : memref<128x16xf32, #tpu.memory_space<vmem>>) target(%dma_start3A_53 : memref<10240x16xf32, #tpu.memory_space<vmem_shared>>) offsets(%dma_start3A_50 : memref<128xi32, #tpu.memory_space<vmem>>) semaphore(%arg14 : memref<!tpu.dma_semaphore, #tpu.memory_space<semaphore_mem>>) {add = true}
        %dma_wait3A = arith.constant 0 : i32
        %dma_wait3A_54 = arith.constant 0 : i32
        %dma_wait3A_55 = arith.constant 0 : i32
        %dma_wait3A_56 = tpu.memref_slice %arg10[%dma_wait3A_54, %dma_wait3A_55] : memref<256x128xf32, #tpu.memory_space<vmem>> -> memref<128x128xf32, #tpu.memory_space<vmem>>
        %dma_wait3A_57 = arith.constant 0 : i32
        %dma_wait3A_58 = tpu.memref_slice %arg9[%dma_wait3A, %dma_wait3A_57] : memref<2x128xi32, #tpu.memory_space<vmem>> -> memref<1x128xi32, #tpu.memory_space<vmem>>
        %dma_wait3A_59 = tpu.memref_squeeze %dma_wait3A_58 : memref<1x128xi32, #tpu.memory_space<vmem>> -> memref<128xi32, #tpu.memory_space<vmem>>
        %dma_wait3A_60 = arith.constant 0 : i32
        %dma_wait3A_61 = arith.constant 0 : i32
        %dma_wait3A_62 = tpu.memref_slice %arg12[%dma_wait3A_60, %dma_wait3A_61] : memref<10240x128xf32, #tpu.memory_space<vmem_shared>> -> memref<10240x128xf32, #tpu.memory_space<vmem_shared>>
        tpu.wait_indirect_dma semaphore(%arg14 : memref<!tpu.dma_semaphore, #tpu.memory_space<semaphore_mem>>) src(%dma_wait3A_56 : memref<128x128xf32, #tpu.memory_space<vmem>>) dst(%dma_wait3A_62 : memref<10240x128xf32, #tpu.memory_space<vmem_shared>>)
        %dma_wait3A_63 = arith.constant 0 : i32
        %dma_wait3A_64 = arith.constant 0 : i32
        %dma_wait3A_65 = tpu.memref_slice %arg9[%dma_wait3A_63, %dma_wait3A_64] : memref<2x128xi32, #tpu.memory_space<vmem>> -> memref<1x128xi32, #tpu.memory_space<vmem>>
        %dma_wait3A_66 = tpu.memref_squeeze %dma_wait3A_65 : memref<1x128xi32, #tpu.memory_space<vmem>> -> memref<128xi32, #tpu.memory_space<vmem>>
        %dma_wait3A_67 = arith.constant 0 : i32
        %dma_wait3A_68 = arith.constant 0 : i32
        %dma_wait3A_69 = tpu.memref_slice %arg13[%dma_wait3A_67, %dma_wait3A_68] : memref<10240x16xf32, #tpu.memory_space<vmem_shared>> -> memref<10240x16xf32, #tpu.memory_space<vmem_shared>>
        tpu.wait_indirect_dma semaphore(%arg14 : memref<!tpu.dma_semaphore, #tpu.memory_space<semaphore_mem>>) src(%arg11 : memref<128x16xf32, #tpu.memory_space<vmem>>) dst(%dma_wait3A_69 : memref<10240x16xf32, #tpu.memory_space<vmem_shared>>)
        %dma_wait3A_70 = arith.constant 1 : i32
        %dma_wait3A_71 = arith.constant 128 : i32
        %dma_wait3A_72 = arith.constant 0 : i32
        %dma_wait3A_73 = tpu.memref_slice %arg10[%dma_wait3A_71, %dma_wait3A_72] : memref<256x128xf32, #tpu.memory_space<vmem>> -> memref<128x128xf32, #tpu.memory_space<vmem>>
        %dma_wait3A_74 = arith.constant 0 : i32
        %dma_wait3A_75 = tpu.memref_slice %arg9[%dma_wait3A_70, %dma_wait3A_74] : memref<2x128xi32, #tpu.memory_space<vmem>> -> memref<1x128xi32, #tpu.memory_space<vmem>>
        %dma_wait3A_76 = tpu.memref_squeeze %dma_wait3A_75 : memref<1x128xi32, #tpu.memory_space<vmem>> -> memref<128xi32, #tpu.memory_space<vmem>>
        %dma_wait3A_77 = arith.constant 0 : i32
        %dma_wait3A_78 = arith.constant 0 : i32
        %dma_wait3A_79 = tpu.memref_slice %arg12[%dma_wait3A_77, %dma_wait3A_78] : memref<10240x128xf32, #tpu.memory_space<vmem_shared>> -> memref<10240x128xf32, #tpu.memory_space<vmem_shared>>
        tpu.wait_indirect_dma semaphore(%arg14 : memref<!tpu.dma_semaphore, #tpu.memory_space<semaphore_mem>>) src(%dma_wait3A_73 : memref<128x128xf32, #tpu.memory_space<vmem>>) dst(%dma_wait3A_79 : memref<10240x128xf32, #tpu.memory_space<vmem_shared>>)
        %dma_wait3A_80 = arith.constant 1 : i32
        %dma_wait3A_81 = arith.constant 0 : i32
        %dma_wait3A_82 = tpu.memref_slice %arg9[%dma_wait3A_80, %dma_wait3A_81] : memref<2x128xi32, #tpu.memory_space<vmem>> -> memref<1x128xi32, #tpu.memory_space<vmem>>
        %dma_wait3A_83 = tpu.memref_squeeze %dma_wait3A_82 : memref<1x128xi32, #tpu.memory_space<vmem>> -> memref<128xi32, #tpu.memory_space<vmem>>
        %dma_wait3A_84 = arith.constant 0 : i32
        %dma_wait3A_85 = arith.constant 0 : i32
        %dma_wait3A_86 = tpu.memref_slice %arg13[%dma_wait3A_84, %dma_wait3A_85] : memref<10240x16xf32, #tpu.memory_space<vmem_shared>> -> memref<10240x16xf32, #tpu.memory_space<vmem_shared>>
        tpu.wait_indirect_dma semaphore(%arg14 : memref<!tpu.dma_semaphore, #tpu.memory_space<semaphore_mem>>) src(%arg11 : memref<128x16xf32, #tpu.memory_space<vmem>>) dst(%dma_wait3A_86 : memref<10240x16xf32, #tpu.memory_space<vmem_shared>>)
      } else {
      }
    }
    %scan3A_7 = arith.constant 40 : i32
    %barrier3A_8 = arith.constant 0 : index
    tpu.barrier barrier_id(%barrier3A_8)
    "tpu.region"() ({
      %run_scoped3A = tpu.sem_alloc : memref<!tpu.dma_semaphore, #tpu.memory_space<semaphore_mem>>
      %dma_start3A = arith.constant 0 : i32
      %dma_start3A_9 = tpu.memref_slice %arg7[%arg0, %multiple_of3A, %dma_start3A] : memref<2x10240x128xf32, #tpu.memory_space<hbm>> -> memref<1x640x128xf32, #tpu.memory_space<hbm>>
      %dma_start3A_10 = tpu.memref_squeeze %dma_start3A_9 : memref<1x640x128xf32, #tpu.memory_space<hbm>> -> memref<640x128xf32, #tpu.memory_space<hbm>>
      %dma_start3A_11 = arith.constant 0 : i32
      %dma_start3A_12 = tpu.memref_slice %arg12[%multiple_of3A, %dma_start3A_11] : memref<10240x128xf32, #tpu.memory_space<vmem_shared>> -> memref<640x128xf32, #tpu.memory_space<vmem_shared>>
      tpu.enqueue_dma source(%dma_start3A_12 : memref<640x128xf32, #tpu.memory_space<vmem_shared>>) target(%dma_start3A_10 : memref<640x128xf32, #tpu.memory_space<hbm>>) target_semaphore(%run_scoped3A : memref<!tpu.dma_semaphore, #tpu.memory_space<semaphore_mem>>)
      %dma_wait3A = arith.constant 0 : i32
      %dma_wait3A_13 = tpu.memref_slice %arg7[%arg0, %multiple_of3A, %dma_wait3A] : memref<2x10240x128xf32, #tpu.memory_space<hbm>> -> memref<1x640x128xf32, #tpu.memory_space<hbm>>
      %dma_wait3A_14 = tpu.memref_squeeze %dma_wait3A_13 : memref<1x640x128xf32, #tpu.memory_space<hbm>> -> memref<640x128xf32, #tpu.memory_space<hbm>>
      %dma_wait3A_15 = arith.constant 0 : i32
      %dma_wait3A_16 = tpu.memref_slice %arg12[%multiple_of3A, %dma_wait3A_15] : memref<10240x128xf32, #tpu.memory_space<vmem_shared>> -> memref<640x128xf32, #tpu.memory_space<vmem_shared>>
      tpu.wait_dma2 semaphore(%run_scoped3A : memref<!tpu.dma_semaphore, #tpu.memory_space<semaphore_mem>>) src(%dma_wait3A_16 : memref<640x128xf32, #tpu.memory_space<vmem_shared>>) dst(%dma_wait3A_14 : memref<640x128xf32, #tpu.memory_space<hbm>>)
      tpu.yield
    }) : () -> ()
    "tpu.region"() ({
      %run_scoped3A = tpu.sem_alloc : memref<!tpu.dma_semaphore, #tpu.memory_space<semaphore_mem>>
      %dma_start3A = arith.constant 0 : i32
      %dma_start3A_9 = tpu.memref_slice %arg8[%arg0, %multiple_of3A, %dma_start3A] : memref<2x10240x16xf32, #tpu.memory_space<hbm>> -> memref<1x640x16xf32, #tpu.memory_space<hbm>>
      %dma_start3A_10 = tpu.memref_squeeze %dma_start3A_9 : memref<1x640x16xf32, #tpu.memory_space<hbm>> -> memref<640x16xf32, #tpu.memory_space<hbm>>
      %dma_start3A_11 = arith.constant 0 : i32
      %dma_start3A_12 = tpu.memref_slice %arg13[%multiple_of3A, %dma_start3A_11] : memref<10240x16xf32, #tpu.memory_space<vmem_shared>> -> memref<640x16xf32, #tpu.memory_space<vmem_shared>>
      tpu.enqueue_dma source(%dma_start3A_12 : memref<640x16xf32, #tpu.memory_space<vmem_shared>>) target(%dma_start3A_10 : memref<640x16xf32, #tpu.memory_space<hbm>>) target_semaphore(%run_scoped3A : memref<!tpu.dma_semaphore, #tpu.memory_space<semaphore_mem>>)
      %dma_wait3A = arith.constant 0 : i32
      %dma_wait3A_13 = tpu.memref_slice %arg8[%arg0, %multiple_of3A, %dma_wait3A] : memref<2x10240x16xf32, #tpu.memory_space<hbm>> -> memref<1x640x16xf32, #tpu.memory_space<hbm>>
      %dma_wait3A_14 = tpu.memref_squeeze %dma_wait3A_13 : memref<1x640x16xf32, #tpu.memory_space<hbm>> -> memref<640x16xf32, #tpu.memory_space<hbm>>
      %dma_wait3A_15 = arith.constant 0 : i32
      %dma_wait3A_16 = tpu.memref_slice %arg13[%multiple_of3A, %dma_wait3A_15] : memref<10240x16xf32, #tpu.memory_space<vmem_shared>> -> memref<640x16xf32, #tpu.memory_space<vmem_shared>>
      tpu.wait_dma2 semaphore(%run_scoped3A : memref<!tpu.dma_semaphore, #tpu.memory_space<semaphore_mem>>) src(%dma_wait3A_16 : memref<640x16xf32, #tpu.memory_space<vmem_shared>>) dst(%dma_wait3A_14 : memref<640x16xf32, #tpu.memory_space<hbm>>)
      tpu.yield
    }) : () -> ()
    return
  }
}

#map = affine_map<(d0, d1) -> (0, 0)>
module attributes {stable_mosaic.version = 14 : i64} {
  func.func @_sc_gather(%arg0: i32, %arg1: i32, %arg2: memref<2500x128xi32, #tpu.memory_space<hbm>>, %arg3: memref<2500x128xi32, #tpu.memory_space<hbm>>, %arg4: memref<10240x64xf32, #tpu.memory_space<hbm>>, %arg5: memref<10240x64xf32, #tpu.memory_space<hbm>>, %arg6: memref<320000x64xf32, #tpu.memory_space<hbm>>, %arg7: memref<320000x64xf32, #tpu.memory_space<hbm>>, %arg8: memref<4x128xi32, #tpu.memory_space<vmem>>, %arg9: memref<4x128xi32, #tpu.memory_space<vmem>>, %arg10: memref<512x64xf32, #tpu.memory_space<vmem>>, %arg11: memref<512x64xf32, #tpu.memory_space<vmem>>, %arg12: memref<!tpu.dma_semaphore, #tpu.memory_space<semaphore_mem>>) attributes {dimension_semantics = [#tpu.dimension_semantics<core_parallel>, #tpu.dimension_semantics<subcore_parallel>], iteration_bounds = array<i64: 2, 16>, scalar_prefetch = 0 : i64, scratch_operands = 5 : i64, tpu.core_type = #tpu.core_type<sc_vector_subcore>, window_params = [{transform_indices = #map}, {transform_indices = #map}, {transform_indices = #map}, {transform_indices = #map}, {transform_indices = #map}, {transform_indices = #map}]} {
    %mul3A = arith.constant 2 : i32
    %mul3A_0 = arith.muli %arg1, %mul3A : i32
    %add3A = arith.addi %mul3A_0, %arg0 : i32
    %scan3A = arith.constant 0 : i32
    %scan3A_1 = arith.constant 0 : i32
    %scan3A_2 = arith.constant 20 : i32
    %scan3A_3 = arith.addi %scan3A_1, %scan3A_2 : i32
    %scan3A_4 = arith.constant 1 : i32
    scf.for %scan3A_6 = %scan3A_1 to %scan3A_3 step %scan3A_4  : i32 {
      %mul3A_7 = arith.constant 32 : i32
      %mul3A_8 = arith.muli %scan3A_6, %mul3A_7 : i32
      %add3A_9 = arith.addi %add3A, %mul3A_8 : i32
      %lt3A = arith.constant 625 : i32
      %lt3A_10 = arith.cmpi slt, %add3A_9, %lt3A : i32
      %convert_element_type3A = arith.extui %lt3A_10 : i1 to i32
      %cond3A = arith.constant 0 : i32
      %cond3A_11 = arith.cmpi ne, %convert_element_type3A, %cond3A : i32
      scf.if %cond3A_11 {
        %mul3A_12 = arith.constant 4 : i32
        %mul3A_13 = arith.muli %add3A_9, %mul3A_12 : i32
        %multiple_of3A = tpu.assume_multiple %mul3A_13, 4 : i32
        %mul3A_14 = arith.constant 512 : i32
        %mul3A_15 = arith.muli %add3A_9, %mul3A_14 : i32
        %multiple_of3A_16 = tpu.assume_multiple %mul3A_15, 512 : i32
        "tpu.region"() ({
          %run_scoped3A = tpu.sem_alloc : memref<!tpu.dma_semaphore, #tpu.memory_space<semaphore_mem>>
          %dma_start3A_175 = arith.constant 0 : i32
          %dma_start3A_176 = tpu.memref_slice %arg2[%multiple_of3A, %dma_start3A_175] : memref<2500x128xi32, #tpu.memory_space<hbm>> -> memref<4x128xi32, #tpu.memory_space<hbm>>
          %dma_start3A_177 = arith.constant 0 : i32
          %dma_start3A_178 = tpu.memref_slice %arg2[%multiple_of3A, %dma_start3A_177] : memref<2500x128xi32, #tpu.memory_space<hbm>> -> memref<4x128xi32, #tpu.memory_space<hbm>>
          tpu.enqueue_dma source(%dma_start3A_178 : memref<4x128xi32, #tpu.memory_space<hbm>>) target(%arg8 : memref<4x128xi32, #tpu.memory_space<vmem>>) target_semaphore(%run_scoped3A : memref<!tpu.dma_semaphore, #tpu.memory_space<semaphore_mem>>)
          %dma_wait3A_179 = arith.constant 0 : i32
          %dma_wait3A_180 = tpu.memref_slice %arg2[%multiple_of3A, %dma_wait3A_179] : memref<2500x128xi32, #tpu.memory_space<hbm>> -> memref<4x128xi32, #tpu.memory_space<hbm>>
          %dma_wait3A_181 = arith.constant 0 : i32
          %dma_wait3A_182 = tpu.memref_slice %arg2[%multiple_of3A, %dma_wait3A_181] : memref<2500x128xi32, #tpu.memory_space<hbm>> -> memref<4x128xi32, #tpu.memory_space<hbm>>
          tpu.wait_dma2 semaphore(%run_scoped3A : memref<!tpu.dma_semaphore, #tpu.memory_space<semaphore_mem>>) src(%dma_wait3A_182 : memref<4x128xi32, #tpu.memory_space<hbm>>) dst(%arg8 : memref<4x128xi32, #tpu.memory_space<vmem>>)
          tpu.yield
        }) : () -> ()
        "tpu.region"() ({
          %run_scoped3A = tpu.sem_alloc : memref<!tpu.dma_semaphore, #tpu.memory_space<semaphore_mem>>
          %dma_start3A_175 = arith.constant 0 : i32
          %dma_start3A_176 = tpu.memref_slice %arg3[%multiple_of3A, %dma_start3A_175] : memref<2500x128xi32, #tpu.memory_space<hbm>> -> memref<4x128xi32, #tpu.memory_space<hbm>>
          %dma_start3A_177 = arith.constant 0 : i32
          %dma_start3A_178 = tpu.memref_slice %arg3[%multiple_of3A, %dma_start3A_177] : memref<2500x128xi32, #tpu.memory_space<hbm>> -> memref<4x128xi32, #tpu.memory_space<hbm>>
          tpu.enqueue_dma source(%dma_start3A_178 : memref<4x128xi32, #tpu.memory_space<hbm>>) target(%arg9 : memref<4x128xi32, #tpu.memory_space<vmem>>) target_semaphore(%run_scoped3A : memref<!tpu.dma_semaphore, #tpu.memory_space<semaphore_mem>>)
          %dma_wait3A_179 = arith.constant 0 : i32
          %dma_wait3A_180 = tpu.memref_slice %arg3[%multiple_of3A, %dma_wait3A_179] : memref<2500x128xi32, #tpu.memory_space<hbm>> -> memref<4x128xi32, #tpu.memory_space<hbm>>
          %dma_wait3A_181 = arith.constant 0 : i32
          %dma_wait3A_182 = tpu.memref_slice %arg3[%multiple_of3A, %dma_wait3A_181] : memref<2500x128xi32, #tpu.memory_space<hbm>> -> memref<4x128xi32, #tpu.memory_space<hbm>>
          tpu.wait_dma2 semaphore(%run_scoped3A : memref<!tpu.dma_semaphore, #tpu.memory_space<semaphore_mem>>) src(%dma_wait3A_182 : memref<4x128xi32, #tpu.memory_space<hbm>>) dst(%arg9 : memref<4x128xi32, #tpu.memory_space<vmem>>)
          tpu.yield
        }) : () -> ()
        %dma_start3A = arith.constant 0 : i32
        %dma_start3A_17 = arith.constant 0 : i32
        %dma_start3A_18 = arith.constant 0 : i32
        %dma_start3A_19 = tpu.memref_slice %arg10[%dma_start3A_17, %dma_start3A_18] : memref<512x64xf32, #tpu.memory_space<vmem>> -> memref<128x64xf32, #tpu.memory_space<vmem>>
        %dma_start3A_20 = arith.constant 0 : i32
        %dma_start3A_21 = tpu.memref_slice %arg8[%dma_start3A, %dma_start3A_20] : memref<4x128xi32, #tpu.memory_space<vmem>> -> memref<1x128xi32, #tpu.memory_space<vmem>>
        %dma_start3A_22 = tpu.memref_squeeze %dma_start3A_21 : memref<1x128xi32, #tpu.memory_space<vmem>> -> memref<128xi32, #tpu.memory_space<vmem>>
        %dma_start3A_23 = arith.constant 0 : i32
        %dma_start3A_24 = arith.constant 0 : i32
        %dma_start3A_25 = tpu.memref_slice %arg4[%dma_start3A_23, %dma_start3A_24] : memref<10240x64xf32, #tpu.memory_space<hbm>> -> memref<10240x64xf32, #tpu.memory_space<hbm>>
        tpu.enqueue_indirect_dma source(%dma_start3A_25 : memref<10240x64xf32, #tpu.memory_space<hbm>>) target(%dma_start3A_19 : memref<128x64xf32, #tpu.memory_space<vmem>>) offsets(%dma_start3A_22 : memref<128xi32, #tpu.memory_space<vmem>>) semaphore(%arg12 : memref<!tpu.dma_semaphore, #tpu.memory_space<semaphore_mem>>)
        %dma_start3A_26 = arith.constant 0 : i32
        %dma_start3A_27 = arith.constant 0 : i32
        %dma_start3A_28 = arith.constant 0 : i32
        %dma_start3A_29 = tpu.memref_slice %arg11[%dma_start3A_27, %dma_start3A_28] : memref<512x64xf32, #tpu.memory_space<vmem>> -> memref<128x64xf32, #tpu.memory_space<vmem>>
        %dma_start3A_30 = arith.constant 0 : i32
        %dma_start3A_31 = tpu.memref_slice %arg9[%dma_start3A_26, %dma_start3A_30] : memref<4x128xi32, #tpu.memory_space<vmem>> -> memref<1x128xi32, #tpu.memory_space<vmem>>
        %dma_start3A_32 = tpu.memref_squeeze %dma_start3A_31 : memref<1x128xi32, #tpu.memory_space<vmem>> -> memref<128xi32, #tpu.memory_space<vmem>>
        %dma_start3A_33 = arith.constant 0 : i32
        %dma_start3A_34 = arith.constant 0 : i32
        %dma_start3A_35 = tpu.memref_slice %arg5[%dma_start3A_33, %dma_start3A_34] : memref<10240x64xf32, #tpu.memory_space<hbm>> -> memref<10240x64xf32, #tpu.memory_space<hbm>>
        tpu.enqueue_indirect_dma source(%dma_start3A_35 : memref<10240x64xf32, #tpu.memory_space<hbm>>) target(%dma_start3A_29 : memref<128x64xf32, #tpu.memory_space<vmem>>) offsets(%dma_start3A_32 : memref<128xi32, #tpu.memory_space<vmem>>) semaphore(%arg12 : memref<!tpu.dma_semaphore, #tpu.memory_space<semaphore_mem>>)
        %dma_start3A_36 = arith.constant 1 : i32
        %dma_start3A_37 = arith.constant 128 : i32
        %dma_start3A_38 = arith.constant 0 : i32
        %dma_start3A_39 = tpu.memref_slice %arg10[%dma_start3A_37, %dma_start3A_38] : memref<512x64xf32, #tpu.memory_space<vmem>> -> memref<128x64xf32, #tpu.memory_space<vmem>>
        %dma_start3A_40 = arith.constant 0 : i32
        %dma_start3A_41 = tpu.memref_slice %arg8[%dma_start3A_36, %dma_start3A_40] : memref<4x128xi32, #tpu.memory_space<vmem>> -> memref<1x128xi32, #tpu.memory_space<vmem>>
        %dma_start3A_42 = tpu.memref_squeeze %dma_start3A_41 : memref<1x128xi32, #tpu.memory_space<vmem>> -> memref<128xi32, #tpu.memory_space<vmem>>
        %dma_start3A_43 = arith.constant 0 : i32
        %dma_start3A_44 = arith.constant 0 : i32
        %dma_start3A_45 = tpu.memref_slice %arg4[%dma_start3A_43, %dma_start3A_44] : memref<10240x64xf32, #tpu.memory_space<hbm>> -> memref<10240x64xf32, #tpu.memory_space<hbm>>
        tpu.enqueue_indirect_dma source(%dma_start3A_45 : memref<10240x64xf32, #tpu.memory_space<hbm>>) target(%dma_start3A_39 : memref<128x64xf32, #tpu.memory_space<vmem>>) offsets(%dma_start3A_42 : memref<128xi32, #tpu.memory_space<vmem>>) semaphore(%arg12 : memref<!tpu.dma_semaphore, #tpu.memory_space<semaphore_mem>>)
        %dma_start3A_46 = arith.constant 1 : i32
        %dma_start3A_47 = arith.constant 128 : i32
        %dma_start3A_48 = arith.constant 0 : i32
        %dma_start3A_49 = tpu.memref_slice %arg11[%dma_start3A_47, %dma_start3A_48] : memref<512x64xf32, #tpu.memory_space<vmem>> -> memref<128x64xf32, #tpu.memory_space<vmem>>
        %dma_start3A_50 = arith.constant 0 : i32
        %dma_start3A_51 = tpu.memref_slice %arg9[%dma_start3A_46, %dma_start3A_50] : memref<4x128xi32, #tpu.memory_space<vmem>> -> memref<1x128xi32, #tpu.memory_space<vmem>>
        %dma_start3A_52 = tpu.memref_squeeze %dma_start3A_51 : memref<1x128xi32, #tpu.memory_space<vmem>> -> memref<128xi32, #tpu.memory_space<vmem>>
        %dma_start3A_53 = arith.constant 0 : i32
        %dma_start3A_54 = arith.constant 0 : i32
        %dma_start3A_55 = tpu.memref_slice %arg5[%dma_start3A_53, %dma_start3A_54] : memref<10240x64xf32, #tpu.memory_space<hbm>> -> memref<10240x64xf32, #tpu.memory_space<hbm>>
        tpu.enqueue_indirect_dma source(%dma_start3A_55 : memref<10240x64xf32, #tpu.memory_space<hbm>>) target(%dma_start3A_49 : memref<128x64xf32, #tpu.memory_space<vmem>>) offsets(%dma_start3A_52 : memref<128xi32, #tpu.memory_space<vmem>>) semaphore(%arg12 : memref<!tpu.dma_semaphore, #tpu.memory_space<semaphore_mem>>)
        %dma_start3A_56 = arith.constant 2 : i32
        %dma_start3A_57 = arith.constant 256 : i32
        %dma_start3A_58 = arith.constant 0 : i32
        %dma_start3A_59 = tpu.memref_slice %arg10[%dma_start3A_57, %dma_start3A_58] : memref<512x64xf32, #tpu.memory_space<vmem>> -> memref<128x64xf32, #tpu.memory_space<vmem>>
        %dma_start3A_60 = arith.constant 0 : i32
        %dma_start3A_61 = tpu.memref_slice %arg8[%dma_start3A_56, %dma_start3A_60] : memref<4x128xi32, #tpu.memory_space<vmem>> -> memref<1x128xi32, #tpu.memory_space<vmem>>
        %dma_start3A_62 = tpu.memref_squeeze %dma_start3A_61 : memref<1x128xi32, #tpu.memory_space<vmem>> -> memref<128xi32, #tpu.memory_space<vmem>>
        %dma_start3A_63 = arith.constant 0 : i32
        %dma_start3A_64 = arith.constant 0 : i32
        %dma_start3A_65 = tpu.memref_slice %arg4[%dma_start3A_63, %dma_start3A_64] : memref<10240x64xf32, #tpu.memory_space<hbm>> -> memref<10240x64xf32, #tpu.memory_space<hbm>>
        tpu.enqueue_indirect_dma source(%dma_start3A_65 : memref<10240x64xf32, #tpu.memory_space<hbm>>) target(%dma_start3A_59 : memref<128x64xf32, #tpu.memory_space<vmem>>) offsets(%dma_start3A_62 : memref<128xi32, #tpu.memory_space<vmem>>) semaphore(%arg12 : memref<!tpu.dma_semaphore, #tpu.memory_space<semaphore_mem>>)
        %dma_start3A_66 = arith.constant 2 : i32
        %dma_start3A_67 = arith.constant 256 : i32
        %dma_start3A_68 = arith.constant 0 : i32
        %dma_start3A_69 = tpu.memref_slice %arg11[%dma_start3A_67, %dma_start3A_68] : memref<512x64xf32, #tpu.memory_space<vmem>> -> memref<128x64xf32, #tpu.memory_space<vmem>>
        %dma_start3A_70 = arith.constant 0 : i32
        %dma_start3A_71 = tpu.memref_slice %arg9[%dma_start3A_66, %dma_start3A_70] : memref<4x128xi32, #tpu.memory_space<vmem>> -> memref<1x128xi32, #tpu.memory_space<vmem>>
        %dma_start3A_72 = tpu.memref_squeeze %dma_start3A_71 : memref<1x128xi32, #tpu.memory_space<vmem>> -> memref<128xi32, #tpu.memory_space<vmem>>
        %dma_start3A_73 = arith.constant 0 : i32
        %dma_start3A_74 = arith.constant 0 : i32
        %dma_start3A_75 = tpu.memref_slice %arg5[%dma_start3A_73, %dma_start3A_74] : memref<10240x64xf32, #tpu.memory_space<hbm>> -> memref<10240x64xf32, #tpu.memory_space<hbm>>
        tpu.enqueue_indirect_dma source(%dma_start3A_75 : memref<10240x64xf32, #tpu.memory_space<hbm>>) target(%dma_start3A_69 : memref<128x64xf32, #tpu.memory_space<vmem>>) offsets(%dma_start3A_72 : memref<128xi32, #tpu.memory_space<vmem>>) semaphore(%arg12 : memref<!tpu.dma_semaphore, #tpu.memory_space<semaphore_mem>>)
        %dma_start3A_76 = arith.constant 3 : i32
        %dma_start3A_77 = arith.constant 384 : i32
        %dma_start3A_78 = arith.constant 0 : i32
        %dma_start3A_79 = tpu.memref_slice %arg10[%dma_start3A_77, %dma_start3A_78] : memref<512x64xf32, #tpu.memory_space<vmem>> -> memref<128x64xf32, #tpu.memory_space<vmem>>
        %dma_start3A_80 = arith.constant 0 : i32
        %dma_start3A_81 = tpu.memref_slice %arg8[%dma_start3A_76, %dma_start3A_80] : memref<4x128xi32, #tpu.memory_space<vmem>> -> memref<1x128xi32, #tpu.memory_space<vmem>>
        %dma_start3A_82 = tpu.memref_squeeze %dma_start3A_81 : memref<1x128xi32, #tpu.memory_space<vmem>> -> memref<128xi32, #tpu.memory_space<vmem>>
        %dma_start3A_83 = arith.constant 0 : i32
        %dma_start3A_84 = arith.constant 0 : i32
        %dma_start3A_85 = tpu.memref_slice %arg4[%dma_start3A_83, %dma_start3A_84] : memref<10240x64xf32, #tpu.memory_space<hbm>> -> memref<10240x64xf32, #tpu.memory_space<hbm>>
        tpu.enqueue_indirect_dma source(%dma_start3A_85 : memref<10240x64xf32, #tpu.memory_space<hbm>>) target(%dma_start3A_79 : memref<128x64xf32, #tpu.memory_space<vmem>>) offsets(%dma_start3A_82 : memref<128xi32, #tpu.memory_space<vmem>>) semaphore(%arg12 : memref<!tpu.dma_semaphore, #tpu.memory_space<semaphore_mem>>)
        %dma_start3A_86 = arith.constant 3 : i32
        %dma_start3A_87 = arith.constant 384 : i32
        %dma_start3A_88 = arith.constant 0 : i32
        %dma_start3A_89 = tpu.memref_slice %arg11[%dma_start3A_87, %dma_start3A_88] : memref<512x64xf32, #tpu.memory_space<vmem>> -> memref<128x64xf32, #tpu.memory_space<vmem>>
        %dma_start3A_90 = arith.constant 0 : i32
        %dma_start3A_91 = tpu.memref_slice %arg9[%dma_start3A_86, %dma_start3A_90] : memref<4x128xi32, #tpu.memory_space<vmem>> -> memref<1x128xi32, #tpu.memory_space<vmem>>
        %dma_start3A_92 = tpu.memref_squeeze %dma_start3A_91 : memref<1x128xi32, #tpu.memory_space<vmem>> -> memref<128xi32, #tpu.memory_space<vmem>>
        %dma_start3A_93 = arith.constant 0 : i32
        %dma_start3A_94 = arith.constant 0 : i32
        %dma_start3A_95 = tpu.memref_slice %arg5[%dma_start3A_93, %dma_start3A_94] : memref<10240x64xf32, #tpu.memory_space<hbm>> -> memref<10240x64xf32, #tpu.memory_space<hbm>>
        tpu.enqueue_indirect_dma source(%dma_start3A_95 : memref<10240x64xf32, #tpu.memory_space<hbm>>) target(%dma_start3A_89 : memref<128x64xf32, #tpu.memory_space<vmem>>) offsets(%dma_start3A_92 : memref<128xi32, #tpu.memory_space<vmem>>) semaphore(%arg12 : memref<!tpu.dma_semaphore, #tpu.memory_space<semaphore_mem>>)
        %dma_wait3A = arith.constant 0 : i32
        %dma_wait3A_96 = arith.constant 0 : i32
        %dma_wait3A_97 = arith.constant 0 : i32
        %dma_wait3A_98 = tpu.memref_slice %arg10[%dma_wait3A_96, %dma_wait3A_97] : memref<512x64xf32, #tpu.memory_space<vmem>> -> memref<128x64xf32, #tpu.memory_space<vmem>>
        %dma_wait3A_99 = arith.constant 0 : i32
        %dma_wait3A_100 = tpu.memref_slice %arg8[%dma_wait3A, %dma_wait3A_99] : memref<4x128xi32, #tpu.memory_space<vmem>> -> memref<1x128xi32, #tpu.memory_space<vmem>>
        %dma_wait3A_101 = tpu.memref_squeeze %dma_wait3A_100 : memref<1x128xi32, #tpu.memory_space<vmem>> -> memref<128xi32, #tpu.memory_space<vmem>>
        %dma_wait3A_102 = arith.constant 0 : i32
        %dma_wait3A_103 = arith.constant 0 : i32
        %dma_wait3A_104 = tpu.memref_slice %arg4[%dma_wait3A_102, %dma_wait3A_103] : memref<10240x64xf32, #tpu.memory_space<hbm>> -> memref<10240x64xf32, #tpu.memory_space<hbm>>
        tpu.wait_indirect_dma semaphore(%arg12 : memref<!tpu.dma_semaphore, #tpu.memory_space<semaphore_mem>>) src(%dma_wait3A_104 : memref<10240x64xf32, #tpu.memory_space<hbm>>) dst(%dma_wait3A_98 : memref<128x64xf32, #tpu.memory_space<vmem>>)
        %dma_wait3A_105 = arith.constant 0 : i32
        %dma_wait3A_106 = arith.constant 0 : i32
        %dma_wait3A_107 = arith.constant 0 : i32
        %dma_wait3A_108 = tpu.memref_slice %arg11[%dma_wait3A_106, %dma_wait3A_107] : memref<512x64xf32, #tpu.memory_space<vmem>> -> memref<128x64xf32, #tpu.memory_space<vmem>>
        %dma_wait3A_109 = arith.constant 0 : i32
        %dma_wait3A_110 = tpu.memref_slice %arg9[%dma_wait3A_105, %dma_wait3A_109] : memref<4x128xi32, #tpu.memory_space<vmem>> -> memref<1x128xi32, #tpu.memory_space<vmem>>
        %dma_wait3A_111 = tpu.memref_squeeze %dma_wait3A_110 : memref<1x128xi32, #tpu.memory_space<vmem>> -> memref<128xi32, #tpu.memory_space<vmem>>
        %dma_wait3A_112 = arith.constant 0 : i32
        %dma_wait3A_113 = arith.constant 0 : i32
        %dma_wait3A_114 = tpu.memref_slice %arg5[%dma_wait3A_112, %dma_wait3A_113] : memref<10240x64xf32, #tpu.memory_space<hbm>> -> memref<10240x64xf32, #tpu.memory_space<hbm>>
        tpu.wait_indirect_dma semaphore(%arg12 : memref<!tpu.dma_semaphore, #tpu.memory_space<semaphore_mem>>) src(%dma_wait3A_114 : memref<10240x64xf32, #tpu.memory_space<hbm>>) dst(%dma_wait3A_108 : memref<128x64xf32, #tpu.memory_space<vmem>>)
        %dma_wait3A_115 = arith.constant 1 : i32
        %dma_wait3A_116 = arith.constant 128 : i32
        %dma_wait3A_117 = arith.constant 0 : i32
        %dma_wait3A_118 = tpu.memref_slice %arg10[%dma_wait3A_116, %dma_wait3A_117] : memref<512x64xf32, #tpu.memory_space<vmem>> -> memref<128x64xf32, #tpu.memory_space<vmem>>
        %dma_wait3A_119 = arith.constant 0 : i32
        %dma_wait3A_120 = tpu.memref_slice %arg8[%dma_wait3A_115, %dma_wait3A_119] : memref<4x128xi32, #tpu.memory_space<vmem>> -> memref<1x128xi32, #tpu.memory_space<vmem>>
        %dma_wait3A_121 = tpu.memref_squeeze %dma_wait3A_120 : memref<1x128xi32, #tpu.memory_space<vmem>> -> memref<128xi32, #tpu.memory_space<vmem>>
        %dma_wait3A_122 = arith.constant 0 : i32
        %dma_wait3A_123 = arith.constant 0 : i32
        %dma_wait3A_124 = tpu.memref_slice %arg4[%dma_wait3A_122, %dma_wait3A_123] : memref<10240x64xf32, #tpu.memory_space<hbm>> -> memref<10240x64xf32, #tpu.memory_space<hbm>>
        tpu.wait_indirect_dma semaphore(%arg12 : memref<!tpu.dma_semaphore, #tpu.memory_space<semaphore_mem>>) src(%dma_wait3A_124 : memref<10240x64xf32, #tpu.memory_space<hbm>>) dst(%dma_wait3A_118 : memref<128x64xf32, #tpu.memory_space<vmem>>)
        %dma_wait3A_125 = arith.constant 1 : i32
        %dma_wait3A_126 = arith.constant 128 : i32
        %dma_wait3A_127 = arith.constant 0 : i32
        %dma_wait3A_128 = tpu.memref_slice %arg11[%dma_wait3A_126, %dma_wait3A_127] : memref<512x64xf32, #tpu.memory_space<vmem>> -> memref<128x64xf32, #tpu.memory_space<vmem>>
        %dma_wait3A_129 = arith.constant 0 : i32
        %dma_wait3A_130 = tpu.memref_slice %arg9[%dma_wait3A_125, %dma_wait3A_129] : memref<4x128xi32, #tpu.memory_space<vmem>> -> memref<1x128xi32, #tpu.memory_space<vmem>>
        %dma_wait3A_131 = tpu.memref_squeeze %dma_wait3A_130 : memref<1x128xi32, #tpu.memory_space<vmem>> -> memref<128xi32, #tpu.memory_space<vmem>>
        %dma_wait3A_132 = arith.constant 0 : i32
        %dma_wait3A_133 = arith.constant 0 : i32
        %dma_wait3A_134 = tpu.memref_slice %arg5[%dma_wait3A_132, %dma_wait3A_133] : memref<10240x64xf32, #tpu.memory_space<hbm>> -> memref<10240x64xf32, #tpu.memory_space<hbm>>
        tpu.wait_indirect_dma semaphore(%arg12 : memref<!tpu.dma_semaphore, #tpu.memory_space<semaphore_mem>>) src(%dma_wait3A_134 : memref<10240x64xf32, #tpu.memory_space<hbm>>) dst(%dma_wait3A_128 : memref<128x64xf32, #tpu.memory_space<vmem>>)
        %dma_wait3A_135 = arith.constant 2 : i32
        %dma_wait3A_136 = arith.constant 256 : i32
        %dma_wait3A_137 = arith.constant 0 : i32
        %dma_wait3A_138 = tpu.memref_slice %arg10[%dma_wait3A_136, %dma_wait3A_137] : memref<512x64xf32, #tpu.memory_space<vmem>> -> memref<128x64xf32, #tpu.memory_space<vmem>>
        %dma_wait3A_139 = arith.constant 0 : i32
        %dma_wait3A_140 = tpu.memref_slice %arg8[%dma_wait3A_135, %dma_wait3A_139] : memref<4x128xi32, #tpu.memory_space<vmem>> -> memref<1x128xi32, #tpu.memory_space<vmem>>
        %dma_wait3A_141 = tpu.memref_squeeze %dma_wait3A_140 : memref<1x128xi32, #tpu.memory_space<vmem>> -> memref<128xi32, #tpu.memory_space<vmem>>
        %dma_wait3A_142 = arith.constant 0 : i32
        %dma_wait3A_143 = arith.constant 0 : i32
        %dma_wait3A_144 = tpu.memref_slice %arg4[%dma_wait3A_142, %dma_wait3A_143] : memref<10240x64xf32, #tpu.memory_space<hbm>> -> memref<10240x64xf32, #tpu.memory_space<hbm>>
        tpu.wait_indirect_dma semaphore(%arg12 : memref<!tpu.dma_semaphore, #tpu.memory_space<semaphore_mem>>) src(%dma_wait3A_144 : memref<10240x64xf32, #tpu.memory_space<hbm>>) dst(%dma_wait3A_138 : memref<128x64xf32, #tpu.memory_space<vmem>>)
        %dma_wait3A_145 = arith.constant 2 : i32
        %dma_wait3A_146 = arith.constant 256 : i32
        %dma_wait3A_147 = arith.constant 0 : i32
        %dma_wait3A_148 = tpu.memref_slice %arg11[%dma_wait3A_146, %dma_wait3A_147] : memref<512x64xf32, #tpu.memory_space<vmem>> -> memref<128x64xf32, #tpu.memory_space<vmem>>
        %dma_wait3A_149 = arith.constant 0 : i32
        %dma_wait3A_150 = tpu.memref_slice %arg9[%dma_wait3A_145, %dma_wait3A_149] : memref<4x128xi32, #tpu.memory_space<vmem>> -> memref<1x128xi32, #tpu.memory_space<vmem>>
        %dma_wait3A_151 = tpu.memref_squeeze %dma_wait3A_150 : memref<1x128xi32, #tpu.memory_space<vmem>> -> memref<128xi32, #tpu.memory_space<vmem>>
        %dma_wait3A_152 = arith.constant 0 : i32
        %dma_wait3A_153 = arith.constant 0 : i32
        %dma_wait3A_154 = tpu.memref_slice %arg5[%dma_wait3A_152, %dma_wait3A_153] : memref<10240x64xf32, #tpu.memory_space<hbm>> -> memref<10240x64xf32, #tpu.memory_space<hbm>>
        tpu.wait_indirect_dma semaphore(%arg12 : memref<!tpu.dma_semaphore, #tpu.memory_space<semaphore_mem>>) src(%dma_wait3A_154 : memref<10240x64xf32, #tpu.memory_space<hbm>>) dst(%dma_wait3A_148 : memref<128x64xf32, #tpu.memory_space<vmem>>)
        %dma_wait3A_155 = arith.constant 3 : i32
        %dma_wait3A_156 = arith.constant 384 : i32
        %dma_wait3A_157 = arith.constant 0 : i32
        %dma_wait3A_158 = tpu.memref_slice %arg10[%dma_wait3A_156, %dma_wait3A_157] : memref<512x64xf32, #tpu.memory_space<vmem>> -> memref<128x64xf32, #tpu.memory_space<vmem>>
        %dma_wait3A_159 = arith.constant 0 : i32
        %dma_wait3A_160 = tpu.memref_slice %arg8[%dma_wait3A_155, %dma_wait3A_159] : memref<4x128xi32, #tpu.memory_space<vmem>> -> memref<1x128xi32, #tpu.memory_space<vmem>>
        %dma_wait3A_161 = tpu.memref_squeeze %dma_wait3A_160 : memref<1x128xi32, #tpu.memory_space<vmem>> -> memref<128xi32, #tpu.memory_space<vmem>>
        %dma_wait3A_162 = arith.constant 0 : i32
        %dma_wait3A_163 = arith.constant 0 : i32
        %dma_wait3A_164 = tpu.memref_slice %arg4[%dma_wait3A_162, %dma_wait3A_163] : memref<10240x64xf32, #tpu.memory_space<hbm>> -> memref<10240x64xf32, #tpu.memory_space<hbm>>
        tpu.wait_indirect_dma semaphore(%arg12 : memref<!tpu.dma_semaphore, #tpu.memory_space<semaphore_mem>>) src(%dma_wait3A_164 : memref<10240x64xf32, #tpu.memory_space<hbm>>) dst(%dma_wait3A_158 : memref<128x64xf32, #tpu.memory_space<vmem>>)
        %dma_wait3A_165 = arith.constant 3 : i32
        %dma_wait3A_166 = arith.constant 384 : i32
        %dma_wait3A_167 = arith.constant 0 : i32
        %dma_wait3A_168 = tpu.memref_slice %arg11[%dma_wait3A_166, %dma_wait3A_167] : memref<512x64xf32, #tpu.memory_space<vmem>> -> memref<128x64xf32, #tpu.memory_space<vmem>>
        %dma_wait3A_169 = arith.constant 0 : i32
        %dma_wait3A_170 = tpu.memref_slice %arg9[%dma_wait3A_165, %dma_wait3A_169] : memref<4x128xi32, #tpu.memory_space<vmem>> -> memref<1x128xi32, #tpu.memory_space<vmem>>
        %dma_wait3A_171 = tpu.memref_squeeze %dma_wait3A_170 : memref<1x128xi32, #tpu.memory_space<vmem>> -> memref<128xi32, #tpu.memory_space<vmem>>
        %dma_wait3A_172 = arith.constant 0 : i32
        %dma_wait3A_173 = arith.constant 0 : i32
        %dma_wait3A_174 = tpu.memref_slice %arg5[%dma_wait3A_172, %dma_wait3A_173] : memref<10240x64xf32, #tpu.memory_space<hbm>> -> memref<10240x64xf32, #tpu.memory_space<hbm>>
        tpu.wait_indirect_dma semaphore(%arg12 : memref<!tpu.dma_semaphore, #tpu.memory_space<semaphore_mem>>) src(%dma_wait3A_174 : memref<10240x64xf32, #tpu.memory_space<hbm>>) dst(%dma_wait3A_168 : memref<128x64xf32, #tpu.memory_space<vmem>>)
        "tpu.region"() ({
          %run_scoped3A = tpu.sem_alloc : memref<!tpu.dma_semaphore, #tpu.memory_space<semaphore_mem>>
          %dma_start3A_175 = arith.constant 0 : i32
          %dma_start3A_176 = tpu.memref_slice %arg6[%multiple_of3A_16, %dma_start3A_175] : memref<320000x64xf32, #tpu.memory_space<hbm>> -> memref<512x64xf32, #tpu.memory_space<hbm>>
          %dma_start3A_177 = arith.constant 0 : i32
          %dma_start3A_178 = tpu.memref_slice %arg6[%multiple_of3A_16, %dma_start3A_177] : memref<320000x64xf32, #tpu.memory_space<hbm>> -> memref<512x64xf32, #tpu.memory_space<hbm>>
          tpu.enqueue_dma source(%arg10 : memref<512x64xf32, #tpu.memory_space<vmem>>) target(%dma_start3A_178 : memref<512x64xf32, #tpu.memory_space<hbm>>) target_semaphore(%run_scoped3A : memref<!tpu.dma_semaphore, #tpu.memory_space<semaphore_mem>>)
          %dma_wait3A_179 = arith.constant 0 : i32
          %dma_wait3A_180 = tpu.memref_slice %arg6[%multiple_of3A_16, %dma_wait3A_179] : memref<320000x64xf32, #tpu.memory_space<hbm>> -> memref<512x64xf32, #tpu.memory_space<hbm>>
          %dma_wait3A_181 = arith.constant 0 : i32
          %dma_wait3A_182 = tpu.memref_slice %arg6[%multiple_of3A_16, %dma_wait3A_181] : memref<320000x64xf32, #tpu.memory_space<hbm>> -> memref<512x64xf32, #tpu.memory_space<hbm>>
          tpu.wait_dma2 semaphore(%run_scoped3A : memref<!tpu.dma_semaphore, #tpu.memory_space<semaphore_mem>>) src(%arg10 : memref<512x64xf32, #tpu.memory_space<vmem>>) dst(%dma_wait3A_182 : memref<512x64xf32, #tpu.memory_space<hbm>>)
          tpu.yield
        }) : () -> ()
        "tpu.region"() ({
          %run_scoped3A = tpu.sem_alloc : memref<!tpu.dma_semaphore, #tpu.memory_space<semaphore_mem>>
          %dma_start3A_175 = arith.constant 0 : i32
          %dma_start3A_176 = tpu.memref_slice %arg7[%multiple_of3A_16, %dma_start3A_175] : memref<320000x64xf32, #tpu.memory_space<hbm>> -> memref<512x64xf32, #tpu.memory_space<hbm>>
          %dma_start3A_177 = arith.constant 0 : i32
          %dma_start3A_178 = tpu.memref_slice %arg7[%multiple_of3A_16, %dma_start3A_177] : memref<320000x64xf32, #tpu.memory_space<hbm>> -> memref<512x64xf32, #tpu.memory_space<hbm>>
          tpu.enqueue_dma source(%arg11 : memref<512x64xf32, #tpu.memory_space<vmem>>) target(%dma_start3A_178 : memref<512x64xf32, #tpu.memory_space<hbm>>) target_semaphore(%run_scoped3A : memref<!tpu.dma_semaphore, #tpu.memory_space<semaphore_mem>>)
          %dma_wait3A_179 = arith.constant 0 : i32
          %dma_wait3A_180 = tpu.memref_slice %arg7[%multiple_of3A_16, %dma_wait3A_179] : memref<320000x64xf32, #tpu.memory_space<hbm>> -> memref<512x64xf32, #tpu.memory_space<hbm>>
          %dma_wait3A_181 = arith.constant 0 : i32
          %dma_wait3A_182 = tpu.memref_slice %arg7[%multiple_of3A_16, %dma_wait3A_181] : memref<320000x64xf32, #tpu.memory_space<hbm>> -> memref<512x64xf32, #tpu.memory_space<hbm>>
          tpu.wait_dma2 semaphore(%run_scoped3A : memref<!tpu.dma_semaphore, #tpu.memory_space<semaphore_mem>>) src(%arg11 : memref<512x64xf32, #tpu.memory_space<vmem>>) dst(%dma_wait3A_182 : memref<512x64xf32, #tpu.memory_space<hbm>>)
          tpu.yield
        }) : () -> ()
      } else {
      }
    }
    %scan3A_5 = arith.constant 20 : i32
    return
  }
}

#map = affine_map<(d0, d1) -> (0, 0)>
module attributes {stable_mosaic.version = 14 : i64} {
  func.func @_sc_gather(%arg0: i32, %arg1: i32, %arg2: memref<2500x128xi32, #tpu.memory_space<hbm>>, %arg3: memref<2500x128xi32, #tpu.memory_space<hbm>>, %arg4: memref<10240x64xf32, #tpu.memory_space<hbm>>, %arg5: memref<10240x64xf32, #tpu.memory_space<hbm>>, %arg6: memref<320000x64xf32, #tpu.memory_space<hbm>>, %arg7: memref<320000x64xf32, #tpu.memory_space<hbm>>, %arg8: memref<4x128xi32, #tpu.memory_space<vmem>>, %arg9: memref<4x128xi32, #tpu.memory_space<vmem>>, %arg10: memref<512x64xf32, #tpu.memory_space<vmem>>, %arg11: memref<512x64xf32, #tpu.memory_space<vmem>>, %arg12: memref<!tpu.dma_semaphore, #tpu.memory_space<semaphore_mem>>) attributes {dimension_semantics = [#tpu.dimension_semantics<core_parallel>, #tpu.dimension_semantics<subcore_parallel>], iteration_bounds = array<i64: 2, 16>, scalar_prefetch = 0 : i64, scratch_operands = 5 : i64, tpu.core_type = #tpu.core_type<sc_vector_subcore>, window_params = [{transform_indices = #map}, {transform_indices = #map}, {transform_indices = #map}, {transform_indices = #map}, {transform_indices = #map}, {transform_indices = #map}]} {
    %mul3A = arith.constant 2 : i32
    %mul3A_0 = arith.muli %arg1, %mul3A : i32
    %add3A = arith.addi %mul3A_0, %arg0 : i32
    %scan3A = arith.constant 0 : i32
    %scan3A_1 = arith.constant 0 : i32
    %scan3A_2 = arith.constant 20 : i32
    %scan3A_3 = arith.addi %scan3A_1, %scan3A_2 : i32
    %scan3A_4 = arith.constant 1 : i32
    scf.for %scan3A_6 = %scan3A_1 to %scan3A_3 step %scan3A_4  : i32 {
      %mul3A_7 = arith.constant 32 : i32
      %mul3A_8 = arith.muli %scan3A_6, %mul3A_7 : i32
      %add3A_9 = arith.addi %add3A, %mul3A_8 : i32
      %lt3A = arith.constant 625 : i32
      %lt3A_10 = arith.cmpi slt, %add3A_9, %lt3A : i32
      %convert_element_type3A = arith.extui %lt3A_10 : i1 to i32
      %cond3A = arith.constant 0 : i32
      %cond3A_11 = arith.cmpi ne, %convert_element_type3A, %cond3A : i32
      scf.if %cond3A_11 {
        %mul3A_12 = arith.constant 4 : i32
        %mul3A_13 = arith.muli %add3A_9, %mul3A_12 : i32
        %multiple_of3A = tpu.assume_multiple %mul3A_13, 4 : i32
        %mul3A_14 = arith.constant 512 : i32
        %mul3A_15 = arith.muli %add3A_9, %mul3A_14 : i32
        %multiple_of3A_16 = tpu.assume_multiple %mul3A_15, 512 : i32
        "tpu.region"() ({
          %run_scoped3A = tpu.sem_alloc : memref<!tpu.dma_semaphore, #tpu.memory_space<semaphore_mem>>
          %dma_start3A_175 = arith.constant 0 : i32
          %dma_start3A_176 = tpu.memref_slice %arg2[%multiple_of3A, %dma_start3A_175] : memref<2500x128xi32, #tpu.memory_space<hbm>> -> memref<4x128xi32, #tpu.memory_space<hbm>>
          %dma_start3A_177 = arith.constant 0 : i32
          %dma_start3A_178 = tpu.memref_slice %arg2[%multiple_of3A, %dma_start3A_177] : memref<2500x128xi32, #tpu.memory_space<hbm>> -> memref<4x128xi32, #tpu.memory_space<hbm>>
          tpu.enqueue_dma source(%dma_start3A_178 : memref<4x128xi32, #tpu.memory_space<hbm>>) target(%arg8 : memref<4x128xi32, #tpu.memory_space<vmem>>) target_semaphore(%run_scoped3A : memref<!tpu.dma_semaphore, #tpu.memory_space<semaphore_mem>>)
          %dma_wait3A_179 = arith.constant 0 : i32
          %dma_wait3A_180 = tpu.memref_slice %arg2[%multiple_of3A, %dma_wait3A_179] : memref<2500x128xi32, #tpu.memory_space<hbm>> -> memref<4x128xi32, #tpu.memory_space<hbm>>
          %dma_wait3A_181 = arith.constant 0 : i32
          %dma_wait3A_182 = tpu.memref_slice %arg2[%multiple_of3A, %dma_wait3A_181] : memref<2500x128xi32, #tpu.memory_space<hbm>> -> memref<4x128xi32, #tpu.memory_space<hbm>>
          tpu.wait_dma2 semaphore(%run_scoped3A : memref<!tpu.dma_semaphore, #tpu.memory_space<semaphore_mem>>) src(%dma_wait3A_182 : memref<4x128xi32, #tpu.memory_space<hbm>>) dst(%arg8 : memref<4x128xi32, #tpu.memory_space<vmem>>)
          tpu.yield
        }) : () -> ()
        "tpu.region"() ({
          %run_scoped3A = tpu.sem_alloc : memref<!tpu.dma_semaphore, #tpu.memory_space<semaphore_mem>>
          %dma_start3A_175 = arith.constant 0 : i32
          %dma_start3A_176 = tpu.memref_slice %arg3[%multiple_of3A, %dma_start3A_175] : memref<2500x128xi32, #tpu.memory_space<hbm>> -> memref<4x128xi32, #tpu.memory_space<hbm>>
          %dma_start3A_177 = arith.constant 0 : i32
          %dma_start3A_178 = tpu.memref_slice %arg3[%multiple_of3A, %dma_start3A_177] : memref<2500x128xi32, #tpu.memory_space<hbm>> -> memref<4x128xi32, #tpu.memory_space<hbm>>
          tpu.enqueue_dma source(%dma_start3A_178 : memref<4x128xi32, #tpu.memory_space<hbm>>) target(%arg9 : memref<4x128xi32, #tpu.memory_space<vmem>>) target_semaphore(%run_scoped3A : memref<!tpu.dma_semaphore, #tpu.memory_space<semaphore_mem>>)
          %dma_wait3A_179 = arith.constant 0 : i32
          %dma_wait3A_180 = tpu.memref_slice %arg3[%multiple_of3A, %dma_wait3A_179] : memref<2500x128xi32, #tpu.memory_space<hbm>> -> memref<4x128xi32, #tpu.memory_space<hbm>>
          %dma_wait3A_181 = arith.constant 0 : i32
          %dma_wait3A_182 = tpu.memref_slice %arg3[%multiple_of3A, %dma_wait3A_181] : memref<2500x128xi32, #tpu.memory_space<hbm>> -> memref<4x128xi32, #tpu.memory_space<hbm>>
          tpu.wait_dma2 semaphore(%run_scoped3A : memref<!tpu.dma_semaphore, #tpu.memory_space<semaphore_mem>>) src(%dma_wait3A_182 : memref<4x128xi32, #tpu.memory_space<hbm>>) dst(%arg9 : memref<4x128xi32, #tpu.memory_space<vmem>>)
          tpu.yield
        }) : () -> ()
        %dma_start3A = arith.constant 0 : i32
        %dma_start3A_17 = arith.constant 0 : i32
        %dma_start3A_18 = arith.constant 0 : i32
        %dma_start3A_19 = tpu.memref_slice %arg10[%dma_start3A_17, %dma_start3A_18] : memref<512x64xf32, #tpu.memory_space<vmem>> -> memref<128x64xf32, #tpu.memory_space<vmem>>
        %dma_start3A_20 = arith.constant 0 : i32
        %dma_start3A_21 = tpu.memref_slice %arg8[%dma_start3A, %dma_start3A_20] : memref<4x128xi32, #tpu.memory_space<vmem>> -> memref<1x128xi32, #tpu.memory_space<vmem>>
        %dma_start3A_22 = tpu.memref_squeeze %dma_start3A_21 : memref<1x128xi32, #tpu.memory_space<vmem>> -> memref<128xi32, #tpu.memory_space<vmem>>
        %dma_start3A_23 = arith.constant 0 : i32
        %dma_start3A_24 = arith.constant 0 : i32
        %dma_start3A_25 = tpu.memref_slice %arg4[%dma_start3A_23, %dma_start3A_24] : memref<10240x64xf32, #tpu.memory_space<hbm>> -> memref<10240x64xf32, #tpu.memory_space<hbm>>
        tpu.enqueue_indirect_dma source(%dma_start3A_25 : memref<10240x64xf32, #tpu.memory_space<hbm>>) target(%dma_start3A_19 : memref<128x64xf32, #tpu.memory_space<vmem>>) offsets(%dma_start3A_22 : memref<128xi32, #tpu.memory_space<vmem>>) semaphore(%arg12 : memref<!tpu.dma_semaphore, #tpu.memory_space<semaphore_mem>>)
        %dma_start3A_26 = arith.constant 0 : i32
        %dma_start3A_27 = arith.constant 0 : i32
        %dma_start3A_28 = arith.constant 0 : i32
        %dma_start3A_29 = tpu.memref_slice %arg11[%dma_start3A_27, %dma_start3A_28] : memref<512x64xf32, #tpu.memory_space<vmem>> -> memref<128x64xf32, #tpu.memory_space<vmem>>
        %dma_start3A_30 = arith.constant 0 : i32
        %dma_start3A_31 = tpu.memref_slice %arg9[%dma_start3A_26, %dma_start3A_30] : memref<4x128xi32, #tpu.memory_space<vmem>> -> memref<1x128xi32, #tpu.memory_space<vmem>>
        %dma_start3A_32 = tpu.memref_squeeze %dma_start3A_31 : memref<1x128xi32, #tpu.memory_space<vmem>> -> memref<128xi32, #tpu.memory_space<vmem>>
        %dma_start3A_33 = arith.constant 0 : i32
        %dma_start3A_34 = arith.constant 0 : i32
        %dma_start3A_35 = tpu.memref_slice %arg5[%dma_start3A_33, %dma_start3A_34] : memref<10240x64xf32, #tpu.memory_space<hbm>> -> memref<10240x64xf32, #tpu.memory_space<hbm>>
        tpu.enqueue_indirect_dma source(%dma_start3A_35 : memref<10240x64xf32, #tpu.memory_space<hbm>>) target(%dma_start3A_29 : memref<128x64xf32, #tpu.memory_space<vmem>>) offsets(%dma_start3A_32 : memref<128xi32, #tpu.memory_space<vmem>>) semaphore(%arg12 : memref<!tpu.dma_semaphore, #tpu.memory_space<semaphore_mem>>)
        %dma_start3A_36 = arith.constant 1 : i32
        %dma_start3A_37 = arith.constant 128 : i32
        %dma_start3A_38 = arith.constant 0 : i32
        %dma_start3A_39 = tpu.memref_slice %arg10[%dma_start3A_37, %dma_start3A_38] : memref<512x64xf32, #tpu.memory_space<vmem>> -> memref<128x64xf32, #tpu.memory_space<vmem>>
        %dma_start3A_40 = arith.constant 0 : i32
        %dma_start3A_41 = tpu.memref_slice %arg8[%dma_start3A_36, %dma_start3A_40] : memref<4x128xi32, #tpu.memory_space<vmem>> -> memref<1x128xi32, #tpu.memory_space<vmem>>
        %dma_start3A_42 = tpu.memref_squeeze %dma_start3A_41 : memref<1x128xi32, #tpu.memory_space<vmem>> -> memref<128xi32, #tpu.memory_space<vmem>>
        %dma_start3A_43 = arith.constant 0 : i32
        %dma_start3A_44 = arith.constant 0 : i32
        %dma_start3A_45 = tpu.memref_slice %arg4[%dma_start3A_43, %dma_start3A_44] : memref<10240x64xf32, #tpu.memory_space<hbm>> -> memref<10240x64xf32, #tpu.memory_space<hbm>>
        tpu.enqueue_indirect_dma source(%dma_start3A_45 : memref<10240x64xf32, #tpu.memory_space<hbm>>) target(%dma_start3A_39 : memref<128x64xf32, #tpu.memory_space<vmem>>) offsets(%dma_start3A_42 : memref<128xi32, #tpu.memory_space<vmem>>) semaphore(%arg12 : memref<!tpu.dma_semaphore, #tpu.memory_space<semaphore_mem>>)
        %dma_start3A_46 = arith.constant 1 : i32
        %dma_start3A_47 = arith.constant 128 : i32
        %dma_start3A_48 = arith.constant 0 : i32
        %dma_start3A_49 = tpu.memref_slice %arg11[%dma_start3A_47, %dma_start3A_48] : memref<512x64xf32, #tpu.memory_space<vmem>> -> memref<128x64xf32, #tpu.memory_space<vmem>>
        %dma_start3A_50 = arith.constant 0 : i32
        %dma_start3A_51 = tpu.memref_slice %arg9[%dma_start3A_46, %dma_start3A_50] : memref<4x128xi32, #tpu.memory_space<vmem>> -> memref<1x128xi32, #tpu.memory_space<vmem>>
        %dma_start3A_52 = tpu.memref_squeeze %dma_start3A_51 : memref<1x128xi32, #tpu.memory_space<vmem>> -> memref<128xi32, #tpu.memory_space<vmem>>
        %dma_start3A_53 = arith.constant 0 : i32
        %dma_start3A_54 = arith.constant 0 : i32
        %dma_start3A_55 = tpu.memref_slice %arg5[%dma_start3A_53, %dma_start3A_54] : memref<10240x64xf32, #tpu.memory_space<hbm>> -> memref<10240x64xf32, #tpu.memory_space<hbm>>
        tpu.enqueue_indirect_dma source(%dma_start3A_55 : memref<10240x64xf32, #tpu.memory_space<hbm>>) target(%dma_start3A_49 : memref<128x64xf32, #tpu.memory_space<vmem>>) offsets(%dma_start3A_52 : memref<128xi32, #tpu.memory_space<vmem>>) semaphore(%arg12 : memref<!tpu.dma_semaphore, #tpu.memory_space<semaphore_mem>>)
        %dma_start3A_56 = arith.constant 2 : i32
        %dma_start3A_57 = arith.constant 256 : i32
        %dma_start3A_58 = arith.constant 0 : i32
        %dma_start3A_59 = tpu.memref_slice %arg10[%dma_start3A_57, %dma_start3A_58] : memref<512x64xf32, #tpu.memory_space<vmem>> -> memref<128x64xf32, #tpu.memory_space<vmem>>
        %dma_start3A_60 = arith.constant 0 : i32
        %dma_start3A_61 = tpu.memref_slice %arg8[%dma_start3A_56, %dma_start3A_60] : memref<4x128xi32, #tpu.memory_space<vmem>> -> memref<1x128xi32, #tpu.memory_space<vmem>>
        %dma_start3A_62 = tpu.memref_squeeze %dma_start3A_61 : memref<1x128xi32, #tpu.memory_space<vmem>> -> memref<128xi32, #tpu.memory_space<vmem>>
        %dma_start3A_63 = arith.constant 0 : i32
        %dma_start3A_64 = arith.constant 0 : i32
        %dma_start3A_65 = tpu.memref_slice %arg4[%dma_start3A_63, %dma_start3A_64] : memref<10240x64xf32, #tpu.memory_space<hbm>> -> memref<10240x64xf32, #tpu.memory_space<hbm>>
        tpu.enqueue_indirect_dma source(%dma_start3A_65 : memref<10240x64xf32, #tpu.memory_space<hbm>>) target(%dma_start3A_59 : memref<128x64xf32, #tpu.memory_space<vmem>>) offsets(%dma_start3A_62 : memref<128xi32, #tpu.memory_space<vmem>>) semaphore(%arg12 : memref<!tpu.dma_semaphore, #tpu.memory_space<semaphore_mem>>)
        %dma_start3A_66 = arith.constant 2 : i32
        %dma_start3A_67 = arith.constant 256 : i32
        %dma_start3A_68 = arith.constant 0 : i32
        %dma_start3A_69 = tpu.memref_slice %arg11[%dma_start3A_67, %dma_start3A_68] : memref<512x64xf32, #tpu.memory_space<vmem>> -> memref<128x64xf32, #tpu.memory_space<vmem>>
        %dma_start3A_70 = arith.constant 0 : i32
        %dma_start3A_71 = tpu.memref_slice %arg9[%dma_start3A_66, %dma_start3A_70] : memref<4x128xi32, #tpu.memory_space<vmem>> -> memref<1x128xi32, #tpu.memory_space<vmem>>
        %dma_start3A_72 = tpu.memref_squeeze %dma_start3A_71 : memref<1x128xi32, #tpu.memory_space<vmem>> -> memref<128xi32, #tpu.memory_space<vmem>>
        %dma_start3A_73 = arith.constant 0 : i32
        %dma_start3A_74 = arith.constant 0 : i32
        %dma_start3A_75 = tpu.memref_slice %arg5[%dma_start3A_73, %dma_start3A_74] : memref<10240x64xf32, #tpu.memory_space<hbm>> -> memref<10240x64xf32, #tpu.memory_space<hbm>>
        tpu.enqueue_indirect_dma source(%dma_start3A_75 : memref<10240x64xf32, #tpu.memory_space<hbm>>) target(%dma_start3A_69 : memref<128x64xf32, #tpu.memory_space<vmem>>) offsets(%dma_start3A_72 : memref<128xi32, #tpu.memory_space<vmem>>) semaphore(%arg12 : memref<!tpu.dma_semaphore, #tpu.memory_space<semaphore_mem>>)
        %dma_start3A_76 = arith.constant 3 : i32
        %dma_start3A_77 = arith.constant 384 : i32
        %dma_start3A_78 = arith.constant 0 : i32
        %dma_start3A_79 = tpu.memref_slice %arg10[%dma_start3A_77, %dma_start3A_78] : memref<512x64xf32, #tpu.memory_space<vmem>> -> memref<128x64xf32, #tpu.memory_space<vmem>>
        %dma_start3A_80 = arith.constant 0 : i32
        %dma_start3A_81 = tpu.memref_slice %arg8[%dma_start3A_76, %dma_start3A_80] : memref<4x128xi32, #tpu.memory_space<vmem>> -> memref<1x128xi32, #tpu.memory_space<vmem>>
        %dma_start3A_82 = tpu.memref_squeeze %dma_start3A_81 : memref<1x128xi32, #tpu.memory_space<vmem>> -> memref<128xi32, #tpu.memory_space<vmem>>
        %dma_start3A_83 = arith.constant 0 : i32
        %dma_start3A_84 = arith.constant 0 : i32
        %dma_start3A_85 = tpu.memref_slice %arg4[%dma_start3A_83, %dma_start3A_84] : memref<10240x64xf32, #tpu.memory_space<hbm>> -> memref<10240x64xf32, #tpu.memory_space<hbm>>
        tpu.enqueue_indirect_dma source(%dma_start3A_85 : memref<10240x64xf32, #tpu.memory_space<hbm>>) target(%dma_start3A_79 : memref<128x64xf32, #tpu.memory_space<vmem>>) offsets(%dma_start3A_82 : memref<128xi32, #tpu.memory_space<vmem>>) semaphore(%arg12 : memref<!tpu.dma_semaphore, #tpu.memory_space<semaphore_mem>>)
        %dma_start3A_86 = arith.constant 3 : i32
        %dma_start3A_87 = arith.constant 384 : i32
        %dma_start3A_88 = arith.constant 0 : i32
        %dma_start3A_89 = tpu.memref_slice %arg11[%dma_start3A_87, %dma_start3A_88] : memref<512x64xf32, #tpu.memory_space<vmem>> -> memref<128x64xf32, #tpu.memory_space<vmem>>
        %dma_start3A_90 = arith.constant 0 : i32
        %dma_start3A_91 = tpu.memref_slice %arg9[%dma_start3A_86, %dma_start3A_90] : memref<4x128xi32, #tpu.memory_space<vmem>> -> memref<1x128xi32, #tpu.memory_space<vmem>>
        %dma_start3A_92 = tpu.memref_squeeze %dma_start3A_91 : memref<1x128xi32, #tpu.memory_space<vmem>> -> memref<128xi32, #tpu.memory_space<vmem>>
        %dma_start3A_93 = arith.constant 0 : i32
        %dma_start3A_94 = arith.constant 0 : i32
        %dma_start3A_95 = tpu.memref_slice %arg5[%dma_start3A_93, %dma_start3A_94] : memref<10240x64xf32, #tpu.memory_space<hbm>> -> memref<10240x64xf32, #tpu.memory_space<hbm>>
        tpu.enqueue_indirect_dma source(%dma_start3A_95 : memref<10240x64xf32, #tpu.memory_space<hbm>>) target(%dma_start3A_89 : memref<128x64xf32, #tpu.memory_space<vmem>>) offsets(%dma_start3A_92 : memref<128xi32, #tpu.memory_space<vmem>>) semaphore(%arg12 : memref<!tpu.dma_semaphore, #tpu.memory_space<semaphore_mem>>)
        %dma_wait3A = arith.constant 0 : i32
        %dma_wait3A_96 = arith.constant 0 : i32
        %dma_wait3A_97 = arith.constant 0 : i32
        %dma_wait3A_98 = tpu.memref_slice %arg10[%dma_wait3A_96, %dma_wait3A_97] : memref<512x64xf32, #tpu.memory_space<vmem>> -> memref<128x64xf32, #tpu.memory_space<vmem>>
        %dma_wait3A_99 = arith.constant 0 : i32
        %dma_wait3A_100 = tpu.memref_slice %arg8[%dma_wait3A, %dma_wait3A_99] : memref<4x128xi32, #tpu.memory_space<vmem>> -> memref<1x128xi32, #tpu.memory_space<vmem>>
        %dma_wait3A_101 = tpu.memref_squeeze %dma_wait3A_100 : memref<1x128xi32, #tpu.memory_space<vmem>> -> memref<128xi32, #tpu.memory_space<vmem>>
        %dma_wait3A_102 = arith.constant 0 : i32
        %dma_wait3A_103 = arith.constant 0 : i32
        %dma_wait3A_104 = tpu.memref_slice %arg4[%dma_wait3A_102, %dma_wait3A_103] : memref<10240x64xf32, #tpu.memory_space<hbm>> -> memref<10240x64xf32, #tpu.memory_space<hbm>>
        tpu.wait_indirect_dma semaphore(%arg12 : memref<!tpu.dma_semaphore, #tpu.memory_space<semaphore_mem>>) src(%dma_wait3A_104 : memref<10240x64xf32, #tpu.memory_space<hbm>>) dst(%dma_wait3A_98 : memref<128x64xf32, #tpu.memory_space<vmem>>)
        %dma_wait3A_105 = arith.constant 0 : i32
        %dma_wait3A_106 = arith.constant 0 : i32
        %dma_wait3A_107 = arith.constant 0 : i32
        %dma_wait3A_108 = tpu.memref_slice %arg11[%dma_wait3A_106, %dma_wait3A_107] : memref<512x64xf32, #tpu.memory_space<vmem>> -> memref<128x64xf32, #tpu.memory_space<vmem>>
        %dma_wait3A_109 = arith.constant 0 : i32
        %dma_wait3A_110 = tpu.memref_slice %arg9[%dma_wait3A_105, %dma_wait3A_109] : memref<4x128xi32, #tpu.memory_space<vmem>> -> memref<1x128xi32, #tpu.memory_space<vmem>>
        %dma_wait3A_111 = tpu.memref_squeeze %dma_wait3A_110 : memref<1x128xi32, #tpu.memory_space<vmem>> -> memref<128xi32, #tpu.memory_space<vmem>>
        %dma_wait3A_112 = arith.constant 0 : i32
        %dma_wait3A_113 = arith.constant 0 : i32
        %dma_wait3A_114 = tpu.memref_slice %arg5[%dma_wait3A_112, %dma_wait3A_113] : memref<10240x64xf32, #tpu.memory_space<hbm>> -> memref<10240x64xf32, #tpu.memory_space<hbm>>
        tpu.wait_indirect_dma semaphore(%arg12 : memref<!tpu.dma_semaphore, #tpu.memory_space<semaphore_mem>>) src(%dma_wait3A_114 : memref<10240x64xf32, #tpu.memory_space<hbm>>) dst(%dma_wait3A_108 : memref<128x64xf32, #tpu.memory_space<vmem>>)
        %dma_wait3A_115 = arith.constant 1 : i32
        %dma_wait3A_116 = arith.constant 128 : i32
        %dma_wait3A_117 = arith.constant 0 : i32
        %dma_wait3A_118 = tpu.memref_slice %arg10[%dma_wait3A_116, %dma_wait3A_117] : memref<512x64xf32, #tpu.memory_space<vmem>> -> memref<128x64xf32, #tpu.memory_space<vmem>>
        %dma_wait3A_119 = arith.constant 0 : i32
        %dma_wait3A_120 = tpu.memref_slice %arg8[%dma_wait3A_115, %dma_wait3A_119] : memref<4x128xi32, #tpu.memory_space<vmem>> -> memref<1x128xi32, #tpu.memory_space<vmem>>
        %dma_wait3A_121 = tpu.memref_squeeze %dma_wait3A_120 : memref<1x128xi32, #tpu.memory_space<vmem>> -> memref<128xi32, #tpu.memory_space<vmem>>
        %dma_wait3A_122 = arith.constant 0 : i32
        %dma_wait3A_123 = arith.constant 0 : i32
        %dma_wait3A_124 = tpu.memref_slice %arg4[%dma_wait3A_122, %dma_wait3A_123] : memref<10240x64xf32, #tpu.memory_space<hbm>> -> memref<10240x64xf32, #tpu.memory_space<hbm>>
        tpu.wait_indirect_dma semaphore(%arg12 : memref<!tpu.dma_semaphore, #tpu.memory_space<semaphore_mem>>) src(%dma_wait3A_124 : memref<10240x64xf32, #tpu.memory_space<hbm>>) dst(%dma_wait3A_118 : memref<128x64xf32, #tpu.memory_space<vmem>>)
        %dma_wait3A_125 = arith.constant 1 : i32
        %dma_wait3A_126 = arith.constant 128 : i32
        %dma_wait3A_127 = arith.constant 0 : i32
        %dma_wait3A_128 = tpu.memref_slice %arg11[%dma_wait3A_126, %dma_wait3A_127] : memref<512x64xf32, #tpu.memory_space<vmem>> -> memref<128x64xf32, #tpu.memory_space<vmem>>
        %dma_wait3A_129 = arith.constant 0 : i32
        %dma_wait3A_130 = tpu.memref_slice %arg9[%dma_wait3A_125, %dma_wait3A_129] : memref<4x128xi32, #tpu.memory_space<vmem>> -> memref<1x128xi32, #tpu.memory_space<vmem>>
        %dma_wait3A_131 = tpu.memref_squeeze %dma_wait3A_130 : memref<1x128xi32, #tpu.memory_space<vmem>> -> memref<128xi32, #tpu.memory_space<vmem>>
        %dma_wait3A_132 = arith.constant 0 : i32
        %dma_wait3A_133 = arith.constant 0 : i32
        %dma_wait3A_134 = tpu.memref_slice %arg5[%dma_wait3A_132, %dma_wait3A_133] : memref<10240x64xf32, #tpu.memory_space<hbm>> -> memref<10240x64xf32, #tpu.memory_space<hbm>>
        tpu.wait_indirect_dma semaphore(%arg12 : memref<!tpu.dma_semaphore, #tpu.memory_space<semaphore_mem>>) src(%dma_wait3A_134 : memref<10240x64xf32, #tpu.memory_space<hbm>>) dst(%dma_wait3A_128 : memref<128x64xf32, #tpu.memory_space<vmem>>)
        %dma_wait3A_135 = arith.constant 2 : i32
        %dma_wait3A_136 = arith.constant 256 : i32
        %dma_wait3A_137 = arith.constant 0 : i32
        %dma_wait3A_138 = tpu.memref_slice %arg10[%dma_wait3A_136, %dma_wait3A_137] : memref<512x64xf32, #tpu.memory_space<vmem>> -> memref<128x64xf32, #tpu.memory_space<vmem>>
        %dma_wait3A_139 = arith.constant 0 : i32
        %dma_wait3A_140 = tpu.memref_slice %arg8[%dma_wait3A_135, %dma_wait3A_139] : memref<4x128xi32, #tpu.memory_space<vmem>> -> memref<1x128xi32, #tpu.memory_space<vmem>>
        %dma_wait3A_141 = tpu.memref_squeeze %dma_wait3A_140 : memref<1x128xi32, #tpu.memory_space<vmem>> -> memref<128xi32, #tpu.memory_space<vmem>>
        %dma_wait3A_142 = arith.constant 0 : i32
        %dma_wait3A_143 = arith.constant 0 : i32
        %dma_wait3A_144 = tpu.memref_slice %arg4[%dma_wait3A_142, %dma_wait3A_143] : memref<10240x64xf32, #tpu.memory_space<hbm>> -> memref<10240x64xf32, #tpu.memory_space<hbm>>
        tpu.wait_indirect_dma semaphore(%arg12 : memref<!tpu.dma_semaphore, #tpu.memory_space<semaphore_mem>>) src(%dma_wait3A_144 : memref<10240x64xf32, #tpu.memory_space<hbm>>) dst(%dma_wait3A_138 : memref<128x64xf32, #tpu.memory_space<vmem>>)
        %dma_wait3A_145 = arith.constant 2 : i32
        %dma_wait3A_146 = arith.constant 256 : i32
        %dma_wait3A_147 = arith.constant 0 : i32
        %dma_wait3A_148 = tpu.memref_slice %arg11[%dma_wait3A_146, %dma_wait3A_147] : memref<512x64xf32, #tpu.memory_space<vmem>> -> memref<128x64xf32, #tpu.memory_space<vmem>>
        %dma_wait3A_149 = arith.constant 0 : i32
        %dma_wait3A_150 = tpu.memref_slice %arg9[%dma_wait3A_145, %dma_wait3A_149] : memref<4x128xi32, #tpu.memory_space<vmem>> -> memref<1x128xi32, #tpu.memory_space<vmem>>
        %dma_wait3A_151 = tpu.memref_squeeze %dma_wait3A_150 : memref<1x128xi32, #tpu.memory_space<vmem>> -> memref<128xi32, #tpu.memory_space<vmem>>
        %dma_wait3A_152 = arith.constant 0 : i32
        %dma_wait3A_153 = arith.constant 0 : i32
        %dma_wait3A_154 = tpu.memref_slice %arg5[%dma_wait3A_152, %dma_wait3A_153] : memref<10240x64xf32, #tpu.memory_space<hbm>> -> memref<10240x64xf32, #tpu.memory_space<hbm>>
        tpu.wait_indirect_dma semaphore(%arg12 : memref<!tpu.dma_semaphore, #tpu.memory_space<semaphore_mem>>) src(%dma_wait3A_154 : memref<10240x64xf32, #tpu.memory_space<hbm>>) dst(%dma_wait3A_148 : memref<128x64xf32, #tpu.memory_space<vmem>>)
        %dma_wait3A_155 = arith.constant 3 : i32
        %dma_wait3A_156 = arith.constant 384 : i32
        %dma_wait3A_157 = arith.constant 0 : i32
        %dma_wait3A_158 = tpu.memref_slice %arg10[%dma_wait3A_156, %dma_wait3A_157] : memref<512x64xf32, #tpu.memory_space<vmem>> -> memref<128x64xf32, #tpu.memory_space<vmem>>
        %dma_wait3A_159 = arith.constant 0 : i32
        %dma_wait3A_160 = tpu.memref_slice %arg8[%dma_wait3A_155, %dma_wait3A_159] : memref<4x128xi32, #tpu.memory_space<vmem>> -> memref<1x128xi32, #tpu.memory_space<vmem>>
        %dma_wait3A_161 = tpu.memref_squeeze %dma_wait3A_160 : memref<1x128xi32, #tpu.memory_space<vmem>> -> memref<128xi32, #tpu.memory_space<vmem>>
        %dma_wait3A_162 = arith.constant 0 : i32
        %dma_wait3A_163 = arith.constant 0 : i32
        %dma_wait3A_164 = tpu.memref_slice %arg4[%dma_wait3A_162, %dma_wait3A_163] : memref<10240x64xf32, #tpu.memory_space<hbm>> -> memref<10240x64xf32, #tpu.memory_space<hbm>>
        tpu.wait_indirect_dma semaphore(%arg12 : memref<!tpu.dma_semaphore, #tpu.memory_space<semaphore_mem>>) src(%dma_wait3A_164 : memref<10240x64xf32, #tpu.memory_space<hbm>>) dst(%dma_wait3A_158 : memref<128x64xf32, #tpu.memory_space<vmem>>)
        %dma_wait3A_165 = arith.constant 3 : i32
        %dma_wait3A_166 = arith.constant 384 : i32
        %dma_wait3A_167 = arith.constant 0 : i32
        %dma_wait3A_168 = tpu.memref_slice %arg11[%dma_wait3A_166, %dma_wait3A_167] : memref<512x64xf32, #tpu.memory_space<vmem>> -> memref<128x64xf32, #tpu.memory_space<vmem>>
        %dma_wait3A_169 = arith.constant 0 : i32
        %dma_wait3A_170 = tpu.memref_slice %arg9[%dma_wait3A_165, %dma_wait3A_169] : memref<4x128xi32, #tpu.memory_space<vmem>> -> memref<1x128xi32, #tpu.memory_space<vmem>>
        %dma_wait3A_171 = tpu.memref_squeeze %dma_wait3A_170 : memref<1x128xi32, #tpu.memory_space<vmem>> -> memref<128xi32, #tpu.memory_space<vmem>>
        %dma_wait3A_172 = arith.constant 0 : i32
        %dma_wait3A_173 = arith.constant 0 : i32
        %dma_wait3A_174 = tpu.memref_slice %arg5[%dma_wait3A_172, %dma_wait3A_173] : memref<10240x64xf32, #tpu.memory_space<hbm>> -> memref<10240x64xf32, #tpu.memory_space<hbm>>
        tpu.wait_indirect_dma semaphore(%arg12 : memref<!tpu.dma_semaphore, #tpu.memory_space<semaphore_mem>>) src(%dma_wait3A_174 : memref<10240x64xf32, #tpu.memory_space<hbm>>) dst(%dma_wait3A_168 : memref<128x64xf32, #tpu.memory_space<vmem>>)
        "tpu.region"() ({
          %run_scoped3A = tpu.sem_alloc : memref<!tpu.dma_semaphore, #tpu.memory_space<semaphore_mem>>
          %dma_start3A_175 = arith.constant 0 : i32
          %dma_start3A_176 = tpu.memref_slice %arg6[%multiple_of3A_16, %dma_start3A_175] : memref<320000x64xf32, #tpu.memory_space<hbm>> -> memref<512x64xf32, #tpu.memory_space<hbm>>
          %dma_start3A_177 = arith.constant 0 : i32
          %dma_start3A_178 = tpu.memref_slice %arg6[%multiple_of3A_16, %dma_start3A_177] : memref<320000x64xf32, #tpu.memory_space<hbm>> -> memref<512x64xf32, #tpu.memory_space<hbm>>
          tpu.enqueue_dma source(%arg10 : memref<512x64xf32, #tpu.memory_space<vmem>>) target(%dma_start3A_178 : memref<512x64xf32, #tpu.memory_space<hbm>>) target_semaphore(%run_scoped3A : memref<!tpu.dma_semaphore, #tpu.memory_space<semaphore_mem>>)
          %dma_wait3A_179 = arith.constant 0 : i32
          %dma_wait3A_180 = tpu.memref_slice %arg6[%multiple_of3A_16, %dma_wait3A_179] : memref<320000x64xf32, #tpu.memory_space<hbm>> -> memref<512x64xf32, #tpu.memory_space<hbm>>
          %dma_wait3A_181 = arith.constant 0 : i32
          %dma_wait3A_182 = tpu.memref_slice %arg6[%multiple_of3A_16, %dma_wait3A_181] : memref<320000x64xf32, #tpu.memory_space<hbm>> -> memref<512x64xf32, #tpu.memory_space<hbm>>
          tpu.wait_dma2 semaphore(%run_scoped3A : memref<!tpu.dma_semaphore, #tpu.memory_space<semaphore_mem>>) src(%arg10 : memref<512x64xf32, #tpu.memory_space<vmem>>) dst(%dma_wait3A_182 : memref<512x64xf32, #tpu.memory_space<hbm>>)
          tpu.yield
        }) : () -> ()
        "tpu.region"() ({
          %run_scoped3A = tpu.sem_alloc : memref<!tpu.dma_semaphore, #tpu.memory_space<semaphore_mem>>
          %dma_start3A_175 = arith.constant 0 : i32
          %dma_start3A_176 = tpu.memref_slice %arg7[%multiple_of3A_16, %dma_start3A_175] : memref<320000x64xf32, #tpu.memory_space<hbm>> -> memref<512x64xf32, #tpu.memory_space<hbm>>
          %dma_start3A_177 = arith.constant 0 : i32
          %dma_start3A_178 = tpu.memref_slice %arg7[%multiple_of3A_16, %dma_start3A_177] : memref<320000x64xf32, #tpu.memory_space<hbm>> -> memref<512x64xf32, #tpu.memory_space<hbm>>
          tpu.enqueue_dma source(%arg11 : memref<512x64xf32, #tpu.memory_space<vmem>>) target(%dma_start3A_178 : memref<512x64xf32, #tpu.memory_space<hbm>>) target_semaphore(%run_scoped3A : memref<!tpu.dma_semaphore, #tpu.memory_space<semaphore_mem>>)
          %dma_wait3A_179 = arith.constant 0 : i32
          %dma_wait3A_180 = tpu.memref_slice %arg7[%multiple_of3A_16, %dma_wait3A_179] : memref<320000x64xf32, #tpu.memory_space<hbm>> -> memref<512x64xf32, #tpu.memory_space<hbm>>
          %dma_wait3A_181 = arith.constant 0 : i32
          %dma_wait3A_182 = tpu.memref_slice %arg7[%multiple_of3A_16, %dma_wait3A_181] : memref<320000x64xf32, #tpu.memory_space<hbm>> -> memref<512x64xf32, #tpu.memory_space<hbm>>
          tpu.wait_dma2 semaphore(%run_scoped3A : memref<!tpu.dma_semaphore, #tpu.memory_space<semaphore_mem>>) src(%arg11 : memref<512x64xf32, #tpu.memory_space<vmem>>) dst(%dma_wait3A_182 : memref<512x64xf32, #tpu.memory_space<hbm>>)
          tpu.yield
        }) : () -> ()
      } else {
      }
    }
    %scan3A_5 = arith.constant 20 : i32
    return
  }
}

#map = affine_map<(d0, d1) -> (0, 0)>
#map1 = affine_map<(d0, d1) -> (0, 0, 0)>
module attributes {stable_mosaic.version = 14 : i64} {
  func.func @_sc_scatter(%arg0: i32, %arg1: i32, %arg2: memref<320000x128xf32, #tpu.memory_space<hbm>>, %arg3: memref<2500x128xi32, #tpu.memory_space<hbm>>, %arg4: memref<640x128xf32, #tpu.memory_space<hbm>>, %arg5: memref<640x16xf32, #tpu.memory_space<hbm>>, %arg6: memref<128x16xf32, #tpu.memory_space<hbm>>, %arg7: memref<2x10240x128xf32, #tpu.memory_space<hbm>>, %arg8: memref<2x10240x16xf32, #tpu.memory_space<hbm>>, %arg9: memref<2x128xi32, #tpu.memory_space<vmem>>, %arg10: memref<256x128xf32, #tpu.memory_space<vmem>>, %arg11: memref<128x16xf32, #tpu.memory_space<vmem>>, %arg12: memref<10240x128xf32, #tpu.memory_space<vmem_shared>>, %arg13: memref<10240x16xf32, #tpu.memory_space<vmem_shared>>, %arg14: memref<!tpu.dma_semaphore, #tpu.memory_space<semaphore_mem>>) attributes {dimension_semantics = [#tpu.dimension_semantics<core_parallel>, #tpu.dimension_semantics<subcore_parallel>], iteration_bounds = array<i64: 2, 16>, scalar_prefetch = 0 : i64, scratch_operands = 6 : i64, tpu.core_type = #tpu.core_type<sc_vector_subcore>, window_params = [{transform_indices = #map}, {transform_indices = #map}, {transform_indices = #map}, {transform_indices = #map}, {transform_indices = #map}, {transform_indices = #map1}, {transform_indices = #map1}]} {
    %mul3A = arith.constant 2 : i32
    %mul3A_0 = arith.muli %arg1, %mul3A : i32
    %add3A = arith.addi %mul3A_0, %arg0 : i32
    %mul3A_1 = arith.constant 640 : i32
    %mul3A_2 = arith.muli %arg1, %mul3A_1 : i32
    %multiple_of3A = tpu.assume_multiple %mul3A_2, 640 : i32
    "tpu.region"() ({
      %run_scoped3A = tpu.sem_alloc : memref<!tpu.dma_semaphore, #tpu.memory_space<semaphore_mem>>
      %dma_start3A = arith.constant 0 : i32
      %dma_start3A_9 = tpu.memref_slice %arg12[%multiple_of3A, %dma_start3A] : memref<10240x128xf32, #tpu.memory_space<vmem_shared>> -> memref<640x128xf32, #tpu.memory_space<vmem_shared>>
      tpu.enqueue_dma source(%arg4 : memref<640x128xf32, #tpu.memory_space<hbm>>) target(%dma_start3A_9 : memref<640x128xf32, #tpu.memory_space<vmem_shared>>) target_semaphore(%run_scoped3A : memref<!tpu.dma_semaphore, #tpu.memory_space<semaphore_mem>>)
      %dma_wait3A = arith.constant 0 : i32
      %dma_wait3A_10 = tpu.memref_slice %arg12[%multiple_of3A, %dma_wait3A] : memref<10240x128xf32, #tpu.memory_space<vmem_shared>> -> memref<640x128xf32, #tpu.memory_space<vmem_shared>>
      tpu.wait_dma2 semaphore(%run_scoped3A : memref<!tpu.dma_semaphore, #tpu.memory_space<semaphore_mem>>) src(%arg4 : memref<640x128xf32, #tpu.memory_space<hbm>>) dst(%dma_wait3A_10 : memref<640x128xf32, #tpu.memory_space<vmem_shared>>)
      tpu.yield
    }) : () -> ()
    "tpu.region"() ({
      %run_scoped3A = tpu.sem_alloc : memref<!tpu.dma_semaphore, #tpu.memory_space<semaphore_mem>>
      %dma_start3A = arith.constant 0 : i32
      %dma_start3A_9 = tpu.memref_slice %arg13[%multiple_of3A, %dma_start3A] : memref<10240x16xf32, #tpu.memory_space<vmem_shared>> -> memref<640x16xf32, #tpu.memory_space<vmem_shared>>
      tpu.enqueue_dma source(%arg5 : memref<640x16xf32, #tpu.memory_space<hbm>>) target(%dma_start3A_9 : memref<640x16xf32, #tpu.memory_space<vmem_shared>>) target_semaphore(%run_scoped3A : memref<!tpu.dma_semaphore, #tpu.memory_space<semaphore_mem>>)
      %dma_wait3A = arith.constant 0 : i32
      %dma_wait3A_10 = tpu.memref_slice %arg13[%multiple_of3A, %dma_wait3A] : memref<10240x16xf32, #tpu.memory_space<vmem_shared>> -> memref<640x16xf32, #tpu.memory_space<vmem_shared>>
      tpu.wait_dma2 semaphore(%run_scoped3A : memref<!tpu.dma_semaphore, #tpu.memory_space<semaphore_mem>>) src(%arg5 : memref<640x16xf32, #tpu.memory_space<hbm>>) dst(%dma_wait3A_10 : memref<640x16xf32, #tpu.memory_space<vmem_shared>>)
      tpu.yield
    }) : () -> ()
    "tpu.region"() ({
      %run_scoped3A = tpu.sem_alloc : memref<!tpu.dma_semaphore, #tpu.memory_space<semaphore_mem>>
      tpu.enqueue_dma source(%arg6 : memref<128x16xf32, #tpu.memory_space<hbm>>) target(%arg11 : memref<128x16xf32, #tpu.memory_space<vmem>>) target_semaphore(%run_scoped3A : memref<!tpu.dma_semaphore, #tpu.memory_space<semaphore_mem>>)
      tpu.wait_dma2 semaphore(%run_scoped3A : memref<!tpu.dma_semaphore, #tpu.memory_space<semaphore_mem>>) src(%arg6 : memref<128x16xf32, #tpu.memory_space<hbm>>) dst(%arg11 : memref<128x16xf32, #tpu.memory_space<vmem>>)
      tpu.yield
    }) : () -> ()
    %barrier3A = arith.constant 0 : index
    tpu.barrier barrier_id(%barrier3A)
    %scan3A = arith.constant 0 : i32
    %scan3A_3 = arith.constant 0 : i32
    %scan3A_4 = arith.constant 40 : i32
    %scan3A_5 = arith.addi %scan3A_3, %scan3A_4 : i32
    %scan3A_6 = arith.constant 1 : i32
    scf.for %scan3A_9 = %scan3A_3 to %scan3A_5 step %scan3A_6  : i32 {
      %mul3A_10 = arith.constant 32 : i32
      %mul3A_11 = arith.muli %scan3A_9, %mul3A_10 : i32
      %add3A_12 = arith.addi %add3A, %mul3A_11 : i32
      %lt3A = arith.constant 1250 : i32
      %lt3A_13 = arith.cmpi slt, %add3A_12, %lt3A : i32
      %convert_element_type3A = arith.extui %lt3A_13 : i1 to i32
      %cond3A = arith.constant 0 : i32
      %cond3A_14 = arith.cmpi ne, %convert_element_type3A, %cond3A : i32
      scf.if %cond3A_14 {
        %mul3A_15 = arith.constant 2 : i32
        %mul3A_16 = arith.muli %add3A_12, %mul3A_15 : i32
        %multiple_of3A_17 = tpu.assume_multiple %mul3A_16, 2 : i32
        %mul3A_18 = arith.constant 256 : i32
        %mul3A_19 = arith.muli %add3A_12, %mul3A_18 : i32
        %multiple_of3A_20 = tpu.assume_multiple %mul3A_19, 256 : i32
        "tpu.region"() ({
          %run_scoped3A = tpu.sem_alloc : memref<!tpu.dma_semaphore, #tpu.memory_space<semaphore_mem>>
          %dma_start3A_87 = arith.constant 0 : i32
          %dma_start3A_88 = tpu.memref_slice %arg3[%multiple_of3A_17, %dma_start3A_87] : memref<2500x128xi32, #tpu.memory_space<hbm>> -> memref<2x128xi32, #tpu.memory_space<hbm>>
          %dma_start3A_89 = arith.constant 0 : i32
          %dma_start3A_90 = tpu.memref_slice %arg3[%multiple_of3A_17, %dma_start3A_89] : memref<2500x128xi32, #tpu.memory_space<hbm>> -> memref<2x128xi32, #tpu.memory_space<hbm>>
          tpu.enqueue_dma source(%dma_start3A_90 : memref<2x128xi32, #tpu.memory_space<hbm>>) target(%arg9 : memref<2x128xi32, #tpu.memory_space<vmem>>) target_semaphore(%run_scoped3A : memref<!tpu.dma_semaphore, #tpu.memory_space<semaphore_mem>>)
          %dma_wait3A_91 = arith.constant 0 : i32
          %dma_wait3A_92 = tpu.memref_slice %arg3[%multiple_of3A_17, %dma_wait3A_91] : memref<2500x128xi32, #tpu.memory_space<hbm>> -> memref<2x128xi32, #tpu.memory_space<hbm>>
          %dma_wait3A_93 = arith.constant 0 : i32
          %dma_wait3A_94 = tpu.memref_slice %arg3[%multiple_of3A_17, %dma_wait3A_93] : memref<2500x128xi32, #tpu.memory_space<hbm>> -> memref<2x128xi32, #tpu.memory_space<hbm>>
          tpu.wait_dma2 semaphore(%run_scoped3A : memref<!tpu.dma_semaphore, #tpu.memory_space<semaphore_mem>>) src(%dma_wait3A_94 : memref<2x128xi32, #tpu.memory_space<hbm>>) dst(%arg9 : memref<2x128xi32, #tpu.memory_space<vmem>>)
          tpu.yield
        }) : () -> ()
        "tpu.region"() ({
          %run_scoped3A = tpu.sem_alloc : memref<!tpu.dma_semaphore, #tpu.memory_space<semaphore_mem>>
          %dma_start3A_87 = arith.constant 0 : i32
          %dma_start3A_88 = tpu.memref_slice %arg2[%multiple_of3A_20, %dma_start3A_87] : memref<320000x128xf32, #tpu.memory_space<hbm>> -> memref<256x128xf32, #tpu.memory_space<hbm>>
          %dma_start3A_89 = arith.constant 0 : i32
          %dma_start3A_90 = tpu.memref_slice %arg2[%multiple_of3A_20, %dma_start3A_89] : memref<320000x128xf32, #tpu.memory_space<hbm>> -> memref<256x128xf32, #tpu.memory_space<hbm>>
          tpu.enqueue_dma source(%dma_start3A_90 : memref<256x128xf32, #tpu.memory_space<hbm>>) target(%arg10 : memref<256x128xf32, #tpu.memory_space<vmem>>) target_semaphore(%run_scoped3A : memref<!tpu.dma_semaphore, #tpu.memory_space<semaphore_mem>>)
          %dma_wait3A_91 = arith.constant 0 : i32
          %dma_wait3A_92 = tpu.memref_slice %arg2[%multiple_of3A_20, %dma_wait3A_91] : memref<320000x128xf32, #tpu.memory_space<hbm>> -> memref<256x128xf32, #tpu.memory_space<hbm>>
          %dma_wait3A_93 = arith.constant 0 : i32
          %dma_wait3A_94 = tpu.memref_slice %arg2[%multiple_of3A_20, %dma_wait3A_93] : memref<320000x128xf32, #tpu.memory_space<hbm>> -> memref<256x128xf32, #tpu.memory_space<hbm>>
          tpu.wait_dma2 semaphore(%run_scoped3A : memref<!tpu.dma_semaphore, #tpu.memory_space<semaphore_mem>>) src(%dma_wait3A_94 : memref<256x128xf32, #tpu.memory_space<hbm>>) dst(%arg10 : memref<256x128xf32, #tpu.memory_space<vmem>>)
          tpu.yield
        }) : () -> ()
        %dma_start3A = arith.constant 0 : i32
        %dma_start3A_21 = arith.constant 0 : i32
        %dma_start3A_22 = arith.constant 0 : i32
        %dma_start3A_23 = tpu.memref_slice %arg10[%dma_start3A_21, %dma_start3A_22] : memref<256x128xf32, #tpu.memory_space<vmem>> -> memref<128x128xf32, #tpu.memory_space<vmem>>
        %dma_start3A_24 = arith.constant 0 : i32
        %dma_start3A_25 = tpu.memref_slice %arg9[%dma_start3A, %dma_start3A_24] : memref<2x128xi32, #tpu.memory_space<vmem>> -> memref<1x128xi32, #tpu.memory_space<vmem>>
        %dma_start3A_26 = tpu.memref_squeeze %dma_start3A_25 : memref<1x128xi32, #tpu.memory_space<vmem>> -> memref<128xi32, #tpu.memory_space<vmem>>
        %dma_start3A_27 = arith.constant 0 : i32
        %dma_start3A_28 = arith.constant 0 : i32
        %dma_start3A_29 = tpu.memref_slice %arg12[%dma_start3A_27, %dma_start3A_28] : memref<10240x128xf32, #tpu.memory_space<vmem_shared>> -> memref<10240x128xf32, #tpu.memory_space<vmem_shared>>
        tpu.enqueue_indirect_dma source(%dma_start3A_23 : memref<128x128xf32, #tpu.memory_space<vmem>>) target(%dma_start3A_29 : memref<10240x128xf32, #tpu.memory_space<vmem_shared>>) offsets(%dma_start3A_26 : memref<128xi32, #tpu.memory_space<vmem>>) semaphore(%arg14 : memref<!tpu.dma_semaphore, #tpu.memory_space<semaphore_mem>>) {add = true}
        %dma_start3A_30 = arith.constant 0 : i32
        %dma_start3A_31 = arith.constant 0 : i32
        %dma_start3A_32 = tpu.memref_slice %arg9[%dma_start3A_30, %dma_start3A_31] : memref<2x128xi32, #tpu.memory_space<vmem>> -> memref<1x128xi32, #tpu.memory_space<vmem>>
        %dma_start3A_33 = tpu.memref_squeeze %dma_start3A_32 : memref<1x128xi32, #tpu.memory_space<vmem>> -> memref<128xi32, #tpu.memory_space<vmem>>
        %dma_start3A_34 = arith.constant 0 : i32
        %dma_start3A_35 = arith.constant 0 : i32
        %dma_start3A_36 = tpu.memref_slice %arg13[%dma_start3A_34, %dma_start3A_35] : memref<10240x16xf32, #tpu.memory_space<vmem_shared>> -> memref<10240x16xf32, #tpu.memory_space<vmem_shared>>
        tpu.enqueue_indirect_dma source(%arg11 : memref<128x16xf32, #tpu.memory_space<vmem>>) target(%dma_start3A_36 : memref<10240x16xf32, #tpu.memory_space<vmem_shared>>) offsets(%dma_start3A_33 : memref<128xi32, #tpu.memory_space<vmem>>) semaphore(%arg14 : memref<!tpu.dma_semaphore, #tpu.memory_space<semaphore_mem>>) {add = true}
        %dma_start3A_37 = arith.constant 1 : i32
        %dma_start3A_38 = arith.constant 128 : i32
        %dma_start3A_39 = arith.constant 0 : i32
        %dma_start3A_40 = tpu.memref_slice %arg10[%dma_start3A_38, %dma_start3A_39] : memref<256x128xf32, #tpu.memory_space<vmem>> -> memref<128x128xf32, #tpu.memory_space<vmem>>
        %dma_start3A_41 = arith.constant 0 : i32
        %dma_start3A_42 = tpu.memref_slice %arg9[%dma_start3A_37, %dma_start3A_41] : memref<2x128xi32, #tpu.memory_space<vmem>> -> memref<1x128xi32, #tpu.memory_space<vmem>>
        %dma_start3A_43 = tpu.memref_squeeze %dma_start3A_42 : memref<1x128xi32, #tpu.memory_space<vmem>> -> memref<128xi32, #tpu.memory_space<vmem>>
        %dma_start3A_44 = arith.constant 0 : i32
        %dma_start3A_45 = arith.constant 0 : i32
        %dma_start3A_46 = tpu.memref_slice %arg12[%dma_start3A_44, %dma_start3A_45] : memref<10240x128xf32, #tpu.memory_space<vmem_shared>> -> memref<10240x128xf32, #tpu.memory_space<vmem_shared>>
        tpu.enqueue_indirect_dma source(%dma_start3A_40 : memref<128x128xf32, #tpu.memory_space<vmem>>) target(%dma_start3A_46 : memref<10240x128xf32, #tpu.memory_space<vmem_shared>>) offsets(%dma_start3A_43 : memref<128xi32, #tpu.memory_space<vmem>>) semaphore(%arg14 : memref<!tpu.dma_semaphore, #tpu.memory_space<semaphore_mem>>) {add = true}
        %dma_start3A_47 = arith.constant 1 : i32
        %dma_start3A_48 = arith.constant 0 : i32
        %dma_start3A_49 = tpu.memref_slice %arg9[%dma_start3A_47, %dma_start3A_48] : memref<2x128xi32, #tpu.memory_space<vmem>> -> memref<1x128xi32, #tpu.memory_space<vmem>>
        %dma_start3A_50 = tpu.memref_squeeze %dma_start3A_49 : memref<1x128xi32, #tpu.memory_space<vmem>> -> memref<128xi32, #tpu.memory_space<vmem>>
        %dma_start3A_51 = arith.constant 0 : i32
        %dma_start3A_52 = arith.constant 0 : i32
        %dma_start3A_53 = tpu.memref_slice %arg13[%dma_start3A_51, %dma_start3A_52] : memref<10240x16xf32, #tpu.memory_space<vmem_shared>> -> memref<10240x16xf32, #tpu.memory_space<vmem_shared>>
        tpu.enqueue_indirect_dma source(%arg11 : memref<128x16xf32, #tpu.memory_space<vmem>>) target(%dma_start3A_53 : memref<10240x16xf32, #tpu.memory_space<vmem_shared>>) offsets(%dma_start3A_50 : memref<128xi32, #tpu.memory_space<vmem>>) semaphore(%arg14 : memref<!tpu.dma_semaphore, #tpu.memory_space<semaphore_mem>>) {add = true}
        %dma_wait3A = arith.constant 0 : i32
        %dma_wait3A_54 = arith.constant 0 : i32
        %dma_wait3A_55 = arith.constant 0 : i32
        %dma_wait3A_56 = tpu.memref_slice %arg10[%dma_wait3A_54, %dma_wait3A_55] : memref<256x128xf32, #tpu.memory_space<vmem>> -> memref<128x128xf32, #tpu.memory_space<vmem>>
        %dma_wait3A_57 = arith.constant 0 : i32
        %dma_wait3A_58 = tpu.memref_slice %arg9[%dma_wait3A, %dma_wait3A_57] : memref<2x128xi32, #tpu.memory_space<vmem>> -> memref<1x128xi32, #tpu.memory_space<vmem>>
        %dma_wait3A_59 = tpu.memref_squeeze %dma_wait3A_58 : memref<1x128xi32, #tpu.memory_space<vmem>> -> memref<128xi32, #tpu.memory_space<vmem>>
        %dma_wait3A_60 = arith.constant 0 : i32
        %dma_wait3A_61 = arith.constant 0 : i32
        %dma_wait3A_62 = tpu.memref_slice %arg12[%dma_wait3A_60, %dma_wait3A_61] : memref<10240x128xf32, #tpu.memory_space<vmem_shared>> -> memref<10240x128xf32, #tpu.memory_space<vmem_shared>>
        tpu.wait_indirect_dma semaphore(%arg14 : memref<!tpu.dma_semaphore, #tpu.memory_space<semaphore_mem>>) src(%dma_wait3A_56 : memref<128x128xf32, #tpu.memory_space<vmem>>) dst(%dma_wait3A_62 : memref<10240x128xf32, #tpu.memory_space<vmem_shared>>)
        %dma_wait3A_63 = arith.constant 0 : i32
        %dma_wait3A_64 = arith.constant 0 : i32
        %dma_wait3A_65 = tpu.memref_slice %arg9[%dma_wait3A_63, %dma_wait3A_64] : memref<2x128xi32, #tpu.memory_space<vmem>> -> memref<1x128xi32, #tpu.memory_space<vmem>>
        %dma_wait3A_66 = tpu.memref_squeeze %dma_wait3A_65 : memref<1x128xi32, #tpu.memory_space<vmem>> -> memref<128xi32, #tpu.memory_space<vmem>>
        %dma_wait3A_67 = arith.constant 0 : i32
        %dma_wait3A_68 = arith.constant 0 : i32
        %dma_wait3A_69 = tpu.memref_slice %arg13[%dma_wait3A_67, %dma_wait3A_68] : memref<10240x16xf32, #tpu.memory_space<vmem_shared>> -> memref<10240x16xf32, #tpu.memory_space<vmem_shared>>
        tpu.wait_indirect_dma semaphore(%arg14 : memref<!tpu.dma_semaphore, #tpu.memory_space<semaphore_mem>>) src(%arg11 : memref<128x16xf32, #tpu.memory_space<vmem>>) dst(%dma_wait3A_69 : memref<10240x16xf32, #tpu.memory_space<vmem_shared>>)
        %dma_wait3A_70 = arith.constant 1 : i32
        %dma_wait3A_71 = arith.constant 128 : i32
        %dma_wait3A_72 = arith.constant 0 : i32
        %dma_wait3A_73 = tpu.memref_slice %arg10[%dma_wait3A_71, %dma_wait3A_72] : memref<256x128xf32, #tpu.memory_space<vmem>> -> memref<128x128xf32, #tpu.memory_space<vmem>>
        %dma_wait3A_74 = arith.constant 0 : i32
        %dma_wait3A_75 = tpu.memref_slice %arg9[%dma_wait3A_70, %dma_wait3A_74] : memref<2x128xi32, #tpu.memory_space<vmem>> -> memref<1x128xi32, #tpu.memory_space<vmem>>
        %dma_wait3A_76 = tpu.memref_squeeze %dma_wait3A_75 : memref<1x128xi32, #tpu.memory_space<vmem>> -> memref<128xi32, #tpu.memory_space<vmem>>
        %dma_wait3A_77 = arith.constant 0 : i32
        %dma_wait3A_78 = arith.constant 0 : i32
        %dma_wait3A_79 = tpu.memref_slice %arg12[%dma_wait3A_77, %dma_wait3A_78] : memref<10240x128xf32, #tpu.memory_space<vmem_shared>> -> memref<10240x128xf32, #tpu.memory_space<vmem_shared>>
        tpu.wait_indirect_dma semaphore(%arg14 : memref<!tpu.dma_semaphore, #tpu.memory_space<semaphore_mem>>) src(%dma_wait3A_73 : memref<128x128xf32, #tpu.memory_space<vmem>>) dst(%dma_wait3A_79 : memref<10240x128xf32, #tpu.memory_space<vmem_shared>>)
        %dma_wait3A_80 = arith.constant 1 : i32
        %dma_wait3A_81 = arith.constant 0 : i32
        %dma_wait3A_82 = tpu.memref_slice %arg9[%dma_wait3A_80, %dma_wait3A_81] : memref<2x128xi32, #tpu.memory_space<vmem>> -> memref<1x128xi32, #tpu.memory_space<vmem>>
        %dma_wait3A_83 = tpu.memref_squeeze %dma_wait3A_82 : memref<1x128xi32, #tpu.memory_space<vmem>> -> memref<128xi32, #tpu.memory_space<vmem>>
        %dma_wait3A_84 = arith.constant 0 : i32
        %dma_wait3A_85 = arith.constant 0 : i32
        %dma_wait3A_86 = tpu.memref_slice %arg13[%dma_wait3A_84, %dma_wait3A_85] : memref<10240x16xf32, #tpu.memory_space<vmem_shared>> -> memref<10240x16xf32, #tpu.memory_space<vmem_shared>>
        tpu.wait_indirect_dma semaphore(%arg14 : memref<!tpu.dma_semaphore, #tpu.memory_space<semaphore_mem>>) src(%arg11 : memref<128x16xf32, #tpu.memory_space<vmem>>) dst(%dma_wait3A_86 : memref<10240x16xf32, #tpu.memory_space<vmem_shared>>)
      } else {
      }
    }
    %scan3A_7 = arith.constant 40 : i32
    %barrier3A_8 = arith.constant 0 : index
    tpu.barrier barrier_id(%barrier3A_8)
    "tpu.region"() ({
      %run_scoped3A = tpu.sem_alloc : memref<!tpu.dma_semaphore, #tpu.memory_space<semaphore_mem>>
      %dma_start3A = arith.constant 0 : i32
      %dma_start3A_9 = tpu.memref_slice %arg7[%arg0, %multiple_of3A, %dma_start3A] : memref<2x10240x128xf32, #tpu.memory_space<hbm>> -> memref<1x640x128xf32, #tpu.memory_space<hbm>>
      %dma_start3A_10 = tpu.memref_squeeze %dma_start3A_9 : memref<1x640x128xf32, #tpu.memory_space<hbm>> -> memref<640x128xf32, #tpu.memory_space<hbm>>
      %dma_start3A_11 = arith.constant 0 : i32
      %dma_start3A_12 = tpu.memref_slice %arg12[%multiple_of3A, %dma_start3A_11] : memref<10240x128xf32, #tpu.memory_space<vmem_shared>> -> memref<640x128xf32, #tpu.memory_space<vmem_shared>>
      tpu.enqueue_dma source(%dma_start3A_12 : memref<640x128xf32, #tpu.memory_space<vmem_shared>>) target(%dma_start3A_10 : memref<640x128xf32, #tpu.memory_space<hbm>>) target_semaphore(%run_scoped3A : memref<!tpu.dma_semaphore, #tpu.memory_space<semaphore_mem>>)
      %dma_wait3A = arith.constant 0 : i32
      %dma_wait3A_13 = tpu.memref_slice %arg7[%arg0, %multiple_of3A, %dma_wait3A] : memref<2x10240x128xf32, #tpu.memory_space<hbm>> -> memref<1x640x128xf32, #tpu.memory_space<hbm>>
      %dma_wait3A_14 = tpu.memref_squeeze %dma_wait3A_13 : memref<1x640x128xf32, #tpu.memory_space<hbm>> -> memref<640x128xf32, #tpu.memory_space<hbm>>
      %dma_wait3A_15 = arith.constant 0 : i32
      %dma_wait3A_16 = tpu.memref_slice %arg12[%multiple_of3A, %dma_wait3A_15] : memref<10240x128xf32, #tpu.memory_space<vmem_shared>> -> memref<640x128xf32, #tpu.memory_space<vmem_shared>>
      tpu.wait_dma2 semaphore(%run_scoped3A : memref<!tpu.dma_semaphore, #tpu.memory_space<semaphore_mem>>) src(%dma_wait3A_16 : memref<640x128xf32, #tpu.memory_space<vmem_shared>>) dst(%dma_wait3A_14 : memref<640x128xf32, #tpu.memory_space<hbm>>)
      tpu.yield
    }) : () -> ()
    "tpu.region"() ({
      %run_scoped3A = tpu.sem_alloc : memref<!tpu.dma_semaphore, #tpu.memory_space<semaphore_mem>>
      %dma_start3A = arith.constant 0 : i32
      %dma_start3A_9 = tpu.memref_slice %arg8[%arg0, %multiple_of3A, %dma_start3A] : memref<2x10240x16xf32, #tpu.memory_space<hbm>> -> memref<1x640x16xf32, #tpu.memory_space<hbm>>
      %dma_start3A_10 = tpu.memref_squeeze %dma_start3A_9 : memref<1x640x16xf32, #tpu.memory_space<hbm>> -> memref<640x16xf32, #tpu.memory_space<hbm>>
      %dma_start3A_11 = arith.constant 0 : i32
      %dma_start3A_12 = tpu.memref_slice %arg13[%multiple_of3A, %dma_start3A_11] : memref<10240x16xf32, #tpu.memory_space<vmem_shared>> -> memref<640x16xf32, #tpu.memory_space<vmem_shared>>
      tpu.enqueue_dma source(%dma_start3A_12 : memref<640x16xf32, #tpu.memory_space<vmem_shared>>) target(%dma_start3A_10 : memref<640x16xf32, #tpu.memory_space<hbm>>) target_semaphore(%run_scoped3A : memref<!tpu.dma_semaphore, #tpu.memory_space<semaphore_mem>>)
      %dma_wait3A = arith.constant 0 : i32
      %dma_wait3A_13 = tpu.memref_slice %arg8[%arg0, %multiple_of3A, %dma_wait3A] : memref<2x10240x16xf32, #tpu.memory_space<hbm>> -> memref<1x640x16xf32, #tpu.memory_space<hbm>>
      %dma_wait3A_14 = tpu.memref_squeeze %dma_wait3A_13 : memref<1x640x16xf32, #tpu.memory_space<hbm>> -> memref<640x16xf32, #tpu.memory_space<hbm>>
      %dma_wait3A_15 = arith.constant 0 : i32
      %dma_wait3A_16 = tpu.memref_slice %arg13[%multiple_of3A, %dma_wait3A_15] : memref<10240x16xf32, #tpu.memory_space<vmem_shared>> -> memref<640x16xf32, #tpu.memory_space<vmem_shared>>
      tpu.wait_dma2 semaphore(%run_scoped3A : memref<!tpu.dma_semaphore, #tpu.memory_space<semaphore_mem>>) src(%dma_wait3A_16 : memref<640x16xf32, #tpu.memory_space<vmem_shared>>) dst(%dma_wait3A_14 : memref<640x16xf32, #tpu.memory_space<hbm>>)
      tpu.yield
    }) : () -> ()
    return
  }
}

#map = affine_map<(d0, d1) -> (0, 0)>
module attributes {stable_mosaic.version = 14 : i64} {
  func.func @_sc_gather(%arg0: i32, %arg1: i32, %arg2: memref<2500x128xi32, #tpu.memory_space<hbm>>, %arg3: memref<2500x128xi32, #tpu.memory_space<hbm>>, %arg4: memref<10240x64xf32, #tpu.memory_space<hbm>>, %arg5: memref<10240x64xf32, #tpu.memory_space<hbm>>, %arg6: memref<320000x64xf32, #tpu.memory_space<hbm>>, %arg7: memref<320000x64xf32, #tpu.memory_space<hbm>>, %arg8: memref<4x128xi32, #tpu.memory_space<vmem>>, %arg9: memref<4x128xi32, #tpu.memory_space<vmem>>, %arg10: memref<512x64xf32, #tpu.memory_space<vmem>>, %arg11: memref<512x64xf32, #tpu.memory_space<vmem>>, %arg12: memref<!tpu.dma_semaphore, #tpu.memory_space<semaphore_mem>>) attributes {dimension_semantics = [#tpu.dimension_semantics<core_parallel>, #tpu.dimension_semantics<subcore_parallel>], iteration_bounds = array<i64: 2, 16>, scalar_prefetch = 0 : i64, scratch_operands = 5 : i64, tpu.core_type = #tpu.core_type<sc_vector_subcore>, window_params = [{transform_indices = #map}, {transform_indices = #map}, {transform_indices = #map}, {transform_indices = #map}, {transform_indices = #map}, {transform_indices = #map}]} {
    %mul3A = arith.constant 2 : i32
    %mul3A_0 = arith.muli %arg1, %mul3A : i32
    %add3A = arith.addi %mul3A_0, %arg0 : i32
    %scan3A = arith.constant 0 : i32
    %scan3A_1 = arith.constant 0 : i32
    %scan3A_2 = arith.constant 20 : i32
    %scan3A_3 = arith.addi %scan3A_1, %scan3A_2 : i32
    %scan3A_4 = arith.constant 1 : i32
    scf.for %scan3A_6 = %scan3A_1 to %scan3A_3 step %scan3A_4  : i32 {
      %mul3A_7 = arith.constant 32 : i32
      %mul3A_8 = arith.muli %scan3A_6, %mul3A_7 : i32
      %add3A_9 = arith.addi %add3A, %mul3A_8 : i32
      %lt3A = arith.constant 625 : i32
      %lt3A_10 = arith.cmpi slt, %add3A_9, %lt3A : i32
      %convert_element_type3A = arith.extui %lt3A_10 : i1 to i32
      %cond3A = arith.constant 0 : i32
      %cond3A_11 = arith.cmpi ne, %convert_element_type3A, %cond3A : i32
      scf.if %cond3A_11 {
        %mul3A_12 = arith.constant 4 : i32
        %mul3A_13 = arith.muli %add3A_9, %mul3A_12 : i32
        %multiple_of3A = tpu.assume_multiple %mul3A_13, 4 : i32
        %mul3A_14 = arith.constant 512 : i32
        %mul3A_15 = arith.muli %add3A_9, %mul3A_14 : i32
        %multiple_of3A_16 = tpu.assume_multiple %mul3A_15, 512 : i32
        "tpu.region"() ({
          %run_scoped3A = tpu.sem_alloc : memref<!tpu.dma_semaphore, #tpu.memory_space<semaphore_mem>>
          %dma_start3A_175 = arith.constant 0 : i32
          %dma_start3A_176 = tpu.memref_slice %arg2[%multiple_of3A, %dma_start3A_175] : memref<2500x128xi32, #tpu.memory_space<hbm>> -> memref<4x128xi32, #tpu.memory_space<hbm>>
          %dma_start3A_177 = arith.constant 0 : i32
          %dma_start3A_178 = tpu.memref_slice %arg2[%multiple_of3A, %dma_start3A_177] : memref<2500x128xi32, #tpu.memory_space<hbm>> -> memref<4x128xi32, #tpu.memory_space<hbm>>
          tpu.enqueue_dma source(%dma_start3A_178 : memref<4x128xi32, #tpu.memory_space<hbm>>) target(%arg8 : memref<4x128xi32, #tpu.memory_space<vmem>>) target_semaphore(%run_scoped3A : memref<!tpu.dma_semaphore, #tpu.memory_space<semaphore_mem>>)
          %dma_wait3A_179 = arith.constant 0 : i32
          %dma_wait3A_180 = tpu.memref_slice %arg2[%multiple_of3A, %dma_wait3A_179] : memref<2500x128xi32, #tpu.memory_space<hbm>> -> memref<4x128xi32, #tpu.memory_space<hbm>>
          %dma_wait3A_181 = arith.constant 0 : i32
          %dma_wait3A_182 = tpu.memref_slice %arg2[%multiple_of3A, %dma_wait3A_181] : memref<2500x128xi32, #tpu.memory_space<hbm>> -> memref<4x128xi32, #tpu.memory_space<hbm>>
          tpu.wait_dma2 semaphore(%run_scoped3A : memref<!tpu.dma_semaphore, #tpu.memory_space<semaphore_mem>>) src(%dma_wait3A_182 : memref<4x128xi32, #tpu.memory_space<hbm>>) dst(%arg8 : memref<4x128xi32, #tpu.memory_space<vmem>>)
          tpu.yield
        }) : () -> ()
        "tpu.region"() ({
          %run_scoped3A = tpu.sem_alloc : memref<!tpu.dma_semaphore, #tpu.memory_space<semaphore_mem>>
          %dma_start3A_175 = arith.constant 0 : i32
          %dma_start3A_176 = tpu.memref_slice %arg3[%multiple_of3A, %dma_start3A_175] : memref<2500x128xi32, #tpu.memory_space<hbm>> -> memref<4x128xi32, #tpu.memory_space<hbm>>
          %dma_start3A_177 = arith.constant 0 : i32
          %dma_start3A_178 = tpu.memref_slice %arg3[%multiple_of3A, %dma_start3A_177] : memref<2500x128xi32, #tpu.memory_space<hbm>> -> memref<4x128xi32, #tpu.memory_space<hbm>>
          tpu.enqueue_dma source(%dma_start3A_178 : memref<4x128xi32, #tpu.memory_space<hbm>>) target(%arg9 : memref<4x128xi32, #tpu.memory_space<vmem>>) target_semaphore(%run_scoped3A : memref<!tpu.dma_semaphore, #tpu.memory_space<semaphore_mem>>)
          %dma_wait3A_179 = arith.constant 0 : i32
          %dma_wait3A_180 = tpu.memref_slice %arg3[%multiple_of3A, %dma_wait3A_179] : memref<2500x128xi32, #tpu.memory_space<hbm>> -> memref<4x128xi32, #tpu.memory_space<hbm>>
          %dma_wait3A_181 = arith.constant 0 : i32
          %dma_wait3A_182 = tpu.memref_slice %arg3[%multiple_of3A, %dma_wait3A_181] : memref<2500x128xi32, #tpu.memory_space<hbm>> -> memref<4x128xi32, #tpu.memory_space<hbm>>
          tpu.wait_dma2 semaphore(%run_scoped3A : memref<!tpu.dma_semaphore, #tpu.memory_space<semaphore_mem>>) src(%dma_wait3A_182 : memref<4x128xi32, #tpu.memory_space<hbm>>) dst(%arg9 : memref<4x128xi32, #tpu.memory_space<vmem>>)
          tpu.yield
        }) : () -> ()
        %dma_start3A = arith.constant 0 : i32
        %dma_start3A_17 = arith.constant 0 : i32
        %dma_start3A_18 = arith.constant 0 : i32
        %dma_start3A_19 = tpu.memref_slice %arg10[%dma_start3A_17, %dma_start3A_18] : memref<512x64xf32, #tpu.memory_space<vmem>> -> memref<128x64xf32, #tpu.memory_space<vmem>>
        %dma_start3A_20 = arith.constant 0 : i32
        %dma_start3A_21 = tpu.memref_slice %arg8[%dma_start3A, %dma_start3A_20] : memref<4x128xi32, #tpu.memory_space<vmem>> -> memref<1x128xi32, #tpu.memory_space<vmem>>
        %dma_start3A_22 = tpu.memref_squeeze %dma_start3A_21 : memref<1x128xi32, #tpu.memory_space<vmem>> -> memref<128xi32, #tpu.memory_space<vmem>>
        %dma_start3A_23 = arith.constant 0 : i32
        %dma_start3A_24 = arith.constant 0 : i32
        %dma_start3A_25 = tpu.memref_slice %arg4[%dma_start3A_23, %dma_start3A_24] : memref<10240x64xf32, #tpu.memory_space<hbm>> -> memref<10240x64xf32, #tpu.memory_space<hbm>>
        tpu.enqueue_indirect_dma source(%dma_start3A_25 : memref<10240x64xf32, #tpu.memory_space<hbm>>) target(%dma_start3A_19 : memref<128x64xf32, #tpu.memory_space<vmem>>) offsets(%dma_start3A_22 : memref<128xi32, #tpu.memory_space<vmem>>) semaphore(%arg12 : memref<!tpu.dma_semaphore, #tpu.memory_space<semaphore_mem>>)
        %dma_start3A_26 = arith.constant 0 : i32
        %dma_start3A_27 = arith.constant 0 : i32
        %dma_start3A_28 = arith.constant 0 : i32
        %dma_start3A_29 = tpu.memref_slice %arg11[%dma_start3A_27, %dma_start3A_28] : memref<512x64xf32, #tpu.memory_space<vmem>> -> memref<128x64xf32, #tpu.memory_space<vmem>>
        %dma_start3A_30 = arith.constant 0 : i32
        %dma_start3A_31 = tpu.memref_slice %arg9[%dma_start3A_26, %dma_start3A_30] : memref<4x128xi32, #tpu.memory_space<vmem>> -> memref<1x128xi32, #tpu.memory_space<vmem>>
        %dma_start3A_32 = tpu.memref_squeeze %dma_start3A_31 : memref<1x128xi32, #tpu.memory_space<vmem>> -> memref<128xi32, #tpu.memory_space<vmem>>
        %dma_start3A_33 = arith.constant 0 : i32
        %dma_start3A_34 = arith.constant 0 : i32
        %dma_start3A_35 = tpu.memref_slice %arg5[%dma_start3A_33, %dma_start3A_34] : memref<10240x64xf32, #tpu.memory_space<hbm>> -> memref<10240x64xf32, #tpu.memory_space<hbm>>
        tpu.enqueue_indirect_dma source(%dma_start3A_35 : memref<10240x64xf32, #tpu.memory_space<hbm>>) target(%dma_start3A_29 : memref<128x64xf32, #tpu.memory_space<vmem>>) offsets(%dma_start3A_32 : memref<128xi32, #tpu.memory_space<vmem>>) semaphore(%arg12 : memref<!tpu.dma_semaphore, #tpu.memory_space<semaphore_mem>>)
        %dma_start3A_36 = arith.constant 1 : i32
        %dma_start3A_37 = arith.constant 128 : i32
        %dma_start3A_38 = arith.constant 0 : i32
        %dma_start3A_39 = tpu.memref_slice %arg10[%dma_start3A_37, %dma_start3A_38] : memref<512x64xf32, #tpu.memory_space<vmem>> -> memref<128x64xf32, #tpu.memory_space<vmem>>
        %dma_start3A_40 = arith.constant 0 : i32
        %dma_start3A_41 = tpu.memref_slice %arg8[%dma_start3A_36, %dma_start3A_40] : memref<4x128xi32, #tpu.memory_space<vmem>> -> memref<1x128xi32, #tpu.memory_space<vmem>>
        %dma_start3A_42 = tpu.memref_squeeze %dma_start3A_41 : memref<1x128xi32, #tpu.memory_space<vmem>> -> memref<128xi32, #tpu.memory_space<vmem>>
        %dma_start3A_43 = arith.constant 0 : i32
        %dma_start3A_44 = arith.constant 0 : i32
        %dma_start3A_45 = tpu.memref_slice %arg4[%dma_start3A_43, %dma_start3A_44] : memref<10240x64xf32, #tpu.memory_space<hbm>> -> memref<10240x64xf32, #tpu.memory_space<hbm>>
        tpu.enqueue_indirect_dma source(%dma_start3A_45 : memref<10240x64xf32, #tpu.memory_space<hbm>>) target(%dma_start3A_39 : memref<128x64xf32, #tpu.memory_space<vmem>>) offsets(%dma_start3A_42 : memref<128xi32, #tpu.memory_space<vmem>>) semaphore(%arg12 : memref<!tpu.dma_semaphore, #tpu.memory_space<semaphore_mem>>)
        %dma_start3A_46 = arith.constant 1 : i32
        %dma_start3A_47 = arith.constant 128 : i32
        %dma_start3A_48 = arith.constant 0 : i32
        %dma_start3A_49 = tpu.memref_slice %arg11[%dma_start3A_47, %dma_start3A_48] : memref<512x64xf32, #tpu.memory_space<vmem>> -> memref<128x64xf32, #tpu.memory_space<vmem>>
        %dma_start3A_50 = arith.constant 0 : i32
        %dma_start3A_51 = tpu.memref_slice %arg9[%dma_start3A_46, %dma_start3A_50] : memref<4x128xi32, #tpu.memory_space<vmem>> -> memref<1x128xi32, #tpu.memory_space<vmem>>
        %dma_start3A_52 = tpu.memref_squeeze %dma_start3A_51 : memref<1x128xi32, #tpu.memory_space<vmem>> -> memref<128xi32, #tpu.memory_space<vmem>>
        %dma_start3A_53 = arith.constant 0 : i32
        %dma_start3A_54 = arith.constant 0 : i32
        %dma_start3A_55 = tpu.memref_slice %arg5[%dma_start3A_53, %dma_start3A_54] : memref<10240x64xf32, #tpu.memory_space<hbm>> -> memref<10240x64xf32, #tpu.memory_space<hbm>>
        tpu.enqueue_indirect_dma source(%dma_start3A_55 : memref<10240x64xf32, #tpu.memory_space<hbm>>) target(%dma_start3A_49 : memref<128x64xf32, #tpu.memory_space<vmem>>) offsets(%dma_start3A_52 : memref<128xi32, #tpu.memory_space<vmem>>) semaphore(%arg12 : memref<!tpu.dma_semaphore, #tpu.memory_space<semaphore_mem>>)
        %dma_start3A_56 = arith.constant 2 : i32
        %dma_start3A_57 = arith.constant 256 : i32
        %dma_start3A_58 = arith.constant 0 : i32
        %dma_start3A_59 = tpu.memref_slice %arg10[%dma_start3A_57, %dma_start3A_58] : memref<512x64xf32, #tpu.memory_space<vmem>> -> memref<128x64xf32, #tpu.memory_space<vmem>>
        %dma_start3A_60 = arith.constant 0 : i32
        %dma_start3A_61 = tpu.memref_slice %arg8[%dma_start3A_56, %dma_start3A_60] : memref<4x128xi32, #tpu.memory_space<vmem>> -> memref<1x128xi32, #tpu.memory_space<vmem>>
        %dma_start3A_62 = tpu.memref_squeeze %dma_start3A_61 : memref<1x128xi32, #tpu.memory_space<vmem>> -> memref<128xi32, #tpu.memory_space<vmem>>
        %dma_start3A_63 = arith.constant 0 : i32
        %dma_start3A_64 = arith.constant 0 : i32
        %dma_start3A_65 = tpu.memref_slice %arg4[%dma_start3A_63, %dma_start3A_64] : memref<10240x64xf32, #tpu.memory_space<hbm>> -> memref<10240x64xf32, #tpu.memory_space<hbm>>
        tpu.enqueue_indirect_dma source(%dma_start3A_65 : memref<10240x64xf32, #tpu.memory_space<hbm>>) target(%dma_start3A_59 : memref<128x64xf32, #tpu.memory_space<vmem>>) offsets(%dma_start3A_62 : memref<128xi32, #tpu.memory_space<vmem>>) semaphore(%arg12 : memref<!tpu.dma_semaphore, #tpu.memory_space<semaphore_mem>>)
        %dma_start3A_66 = arith.constant 2 : i32
        %dma_start3A_67 = arith.constant 256 : i32
        %dma_start3A_68 = arith.constant 0 : i32
        %dma_start3A_69 = tpu.memref_slice %arg11[%dma_start3A_67, %dma_start3A_68] : memref<512x64xf32, #tpu.memory_space<vmem>> -> memref<128x64xf32, #tpu.memory_space<vmem>>
        %dma_start3A_70 = arith.constant 0 : i32
        %dma_start3A_71 = tpu.memref_slice %arg9[%dma_start3A_66, %dma_start3A_70] : memref<4x128xi32, #tpu.memory_space<vmem>> -> memref<1x128xi32, #tpu.memory_space<vmem>>
        %dma_start3A_72 = tpu.memref_squeeze %dma_start3A_71 : memref<1x128xi32, #tpu.memory_space<vmem>> -> memref<128xi32, #tpu.memory_space<vmem>>
        %dma_start3A_73 = arith.constant 0 : i32
        %dma_start3A_74 = arith.constant 0 : i32
        %dma_start3A_75 = tpu.memref_slice %arg5[%dma_start3A_73, %dma_start3A_74] : memref<10240x64xf32, #tpu.memory_space<hbm>> -> memref<10240x64xf32, #tpu.memory_space<hbm>>
        tpu.enqueue_indirect_dma source(%dma_start3A_75 : memref<10240x64xf32, #tpu.memory_space<hbm>>) target(%dma_start3A_69 : memref<128x64xf32, #tpu.memory_space<vmem>>) offsets(%dma_start3A_72 : memref<128xi32, #tpu.memory_space<vmem>>) semaphore(%arg12 : memref<!tpu.dma_semaphore, #tpu.memory_space<semaphore_mem>>)
        %dma_start3A_76 = arith.constant 3 : i32
        %dma_start3A_77 = arith.constant 384 : i32
        %dma_start3A_78 = arith.constant 0 : i32
        %dma_start3A_79 = tpu.memref_slice %arg10[%dma_start3A_77, %dma_start3A_78] : memref<512x64xf32, #tpu.memory_space<vmem>> -> memref<128x64xf32, #tpu.memory_space<vmem>>
        %dma_start3A_80 = arith.constant 0 : i32
        %dma_start3A_81 = tpu.memref_slice %arg8[%dma_start3A_76, %dma_start3A_80] : memref<4x128xi32, #tpu.memory_space<vmem>> -> memref<1x128xi32, #tpu.memory_space<vmem>>
        %dma_start3A_82 = tpu.memref_squeeze %dma_start3A_81 : memref<1x128xi32, #tpu.memory_space<vmem>> -> memref<128xi32, #tpu.memory_space<vmem>>
        %dma_start3A_83 = arith.constant 0 : i32
        %dma_start3A_84 = arith.constant 0 : i32
        %dma_start3A_85 = tpu.memref_slice %arg4[%dma_start3A_83, %dma_start3A_84] : memref<10240x64xf32, #tpu.memory_space<hbm>> -> memref<10240x64xf32, #tpu.memory_space<hbm>>
        tpu.enqueue_indirect_dma source(%dma_start3A_85 : memref<10240x64xf32, #tpu.memory_space<hbm>>) target(%dma_start3A_79 : memref<128x64xf32, #tpu.memory_space<vmem>>) offsets(%dma_start3A_82 : memref<128xi32, #tpu.memory_space<vmem>>) semaphore(%arg12 : memref<!tpu.dma_semaphore, #tpu.memory_space<semaphore_mem>>)
        %dma_start3A_86 = arith.constant 3 : i32
        %dma_start3A_87 = arith.constant 384 : i32
        %dma_start3A_88 = arith.constant 0 : i32
        %dma_start3A_89 = tpu.memref_slice %arg11[%dma_start3A_87, %dma_start3A_88] : memref<512x64xf32, #tpu.memory_space<vmem>> -> memref<128x64xf32, #tpu.memory_space<vmem>>
        %dma_start3A_90 = arith.constant 0 : i32
        %dma_start3A_91 = tpu.memref_slice %arg9[%dma_start3A_86, %dma_start3A_90] : memref<4x128xi32, #tpu.memory_space<vmem>> -> memref<1x128xi32, #tpu.memory_space<vmem>>
        %dma_start3A_92 = tpu.memref_squeeze %dma_start3A_91 : memref<1x128xi32, #tpu.memory_space<vmem>> -> memref<128xi32, #tpu.memory_space<vmem>>
        %dma_start3A_93 = arith.constant 0 : i32
        %dma_start3A_94 = arith.constant 0 : i32
        %dma_start3A_95 = tpu.memref_slice %arg5[%dma_start3A_93, %dma_start3A_94] : memref<10240x64xf32, #tpu.memory_space<hbm>> -> memref<10240x64xf32, #tpu.memory_space<hbm>>
        tpu.enqueue_indirect_dma source(%dma_start3A_95 : memref<10240x64xf32, #tpu.memory_space<hbm>>) target(%dma_start3A_89 : memref<128x64xf32, #tpu.memory_space<vmem>>) offsets(%dma_start3A_92 : memref<128xi32, #tpu.memory_space<vmem>>) semaphore(%arg12 : memref<!tpu.dma_semaphore, #tpu.memory_space<semaphore_mem>>)
        %dma_wait3A = arith.constant 0 : i32
        %dma_wait3A_96 = arith.constant 0 : i32
        %dma_wait3A_97 = arith.constant 0 : i32
        %dma_wait3A_98 = tpu.memref_slice %arg10[%dma_wait3A_96, %dma_wait3A_97] : memref<512x64xf32, #tpu.memory_space<vmem>> -> memref<128x64xf32, #tpu.memory_space<vmem>>
        %dma_wait3A_99 = arith.constant 0 : i32
        %dma_wait3A_100 = tpu.memref_slice %arg8[%dma_wait3A, %dma_wait3A_99] : memref<4x128xi32, #tpu.memory_space<vmem>> -> memref<1x128xi32, #tpu.memory_space<vmem>>
        %dma_wait3A_101 = tpu.memref_squeeze %dma_wait3A_100 : memref<1x128xi32, #tpu.memory_space<vmem>> -> memref<128xi32, #tpu.memory_space<vmem>>
        %dma_wait3A_102 = arith.constant 0 : i32
        %dma_wait3A_103 = arith.constant 0 : i32
        %dma_wait3A_104 = tpu.memref_slice %arg4[%dma_wait3A_102, %dma_wait3A_103] : memref<10240x64xf32, #tpu.memory_space<hbm>> -> memref<10240x64xf32, #tpu.memory_space<hbm>>
        tpu.wait_indirect_dma semaphore(%arg12 : memref<!tpu.dma_semaphore, #tpu.memory_space<semaphore_mem>>) src(%dma_wait3A_104 : memref<10240x64xf32, #tpu.memory_space<hbm>>) dst(%dma_wait3A_98 : memref<128x64xf32, #tpu.memory_space<vmem>>)
        %dma_wait3A_105 = arith.constant 0 : i32
        %dma_wait3A_106 = arith.constant 0 : i32
        %dma_wait3A_107 = arith.constant 0 : i32
        %dma_wait3A_108 = tpu.memref_slice %arg11[%dma_wait3A_106, %dma_wait3A_107] : memref<512x64xf32, #tpu.memory_space<vmem>> -> memref<128x64xf32, #tpu.memory_space<vmem>>
        %dma_wait3A_109 = arith.constant 0 : i32
        %dma_wait3A_110 = tpu.memref_slice %arg9[%dma_wait3A_105, %dma_wait3A_109] : memref<4x128xi32, #tpu.memory_space<vmem>> -> memref<1x128xi32, #tpu.memory_space<vmem>>
        %dma_wait3A_111 = tpu.memref_squeeze %dma_wait3A_110 : memref<1x128xi32, #tpu.memory_space<vmem>> -> memref<128xi32, #tpu.memory_space<vmem>>
        %dma_wait3A_112 = arith.constant 0 : i32
        %dma_wait3A_113 = arith.constant 0 : i32
        %dma_wait3A_114 = tpu.memref_slice %arg5[%dma_wait3A_112, %dma_wait3A_113] : memref<10240x64xf32, #tpu.memory_space<hbm>> -> memref<10240x64xf32, #tpu.memory_space<hbm>>
        tpu.wait_indirect_dma semaphore(%arg12 : memref<!tpu.dma_semaphore, #tpu.memory_space<semaphore_mem>>) src(%dma_wait3A_114 : memref<10240x64xf32, #tpu.memory_space<hbm>>) dst(%dma_wait3A_108 : memref<128x64xf32, #tpu.memory_space<vmem>>)
        %dma_wait3A_115 = arith.constant 1 : i32
        %dma_wait3A_116 = arith.constant 128 : i32
        %dma_wait3A_117 = arith.constant 0 : i32
        %dma_wait3A_118 = tpu.memref_slice %arg10[%dma_wait3A_116, %dma_wait3A_117] : memref<512x64xf32, #tpu.memory_space<vmem>> -> memref<128x64xf32, #tpu.memory_space<vmem>>
        %dma_wait3A_119 = arith.constant 0 : i32
        %dma_wait3A_120 = tpu.memref_slice %arg8[%dma_wait3A_115, %dma_wait3A_119] : memref<4x128xi32, #tpu.memory_space<vmem>> -> memref<1x128xi32, #tpu.memory_space<vmem>>
        %dma_wait3A_121 = tpu.memref_squeeze %dma_wait3A_120 : memref<1x128xi32, #tpu.memory_space<vmem>> -> memref<128xi32, #tpu.memory_space<vmem>>
        %dma_wait3A_122 = arith.constant 0 : i32
        %dma_wait3A_123 = arith.constant 0 : i32
        %dma_wait3A_124 = tpu.memref_slice %arg4[%dma_wait3A_122, %dma_wait3A_123] : memref<10240x64xf32, #tpu.memory_space<hbm>> -> memref<10240x64xf32, #tpu.memory_space<hbm>>
        tpu.wait_indirect_dma semaphore(%arg12 : memref<!tpu.dma_semaphore, #tpu.memory_space<semaphore_mem>>) src(%dma_wait3A_124 : memref<10240x64xf32, #tpu.memory_space<hbm>>) dst(%dma_wait3A_118 : memref<128x64xf32, #tpu.memory_space<vmem>>)
        %dma_wait3A_125 = arith.constant 1 : i32
        %dma_wait3A_126 = arith.constant 128 : i32
        %dma_wait3A_127 = arith.constant 0 : i32
        %dma_wait3A_128 = tpu.memref_slice %arg11[%dma_wait3A_126, %dma_wait3A_127] : memref<512x64xf32, #tpu.memory_space<vmem>> -> memref<128x64xf32, #tpu.memory_space<vmem>>
        %dma_wait3A_129 = arith.constant 0 : i32
        %dma_wait3A_130 = tpu.memref_slice %arg9[%dma_wait3A_125, %dma_wait3A_129] : memref<4x128xi32, #tpu.memory_space<vmem>> -> memref<1x128xi32, #tpu.memory_space<vmem>>
        %dma_wait3A_131 = tpu.memref_squeeze %dma_wait3A_130 : memref<1x128xi32, #tpu.memory_space<vmem>> -> memref<128xi32, #tpu.memory_space<vmem>>
        %dma_wait3A_132 = arith.constant 0 : i32
        %dma_wait3A_133 = arith.constant 0 : i32
        %dma_wait3A_134 = tpu.memref_slice %arg5[%dma_wait3A_132, %dma_wait3A_133] : memref<10240x64xf32, #tpu.memory_space<hbm>> -> memref<10240x64xf32, #tpu.memory_space<hbm>>
        tpu.wait_indirect_dma semaphore(%arg12 : memref<!tpu.dma_semaphore, #tpu.memory_space<semaphore_mem>>) src(%dma_wait3A_134 : memref<10240x64xf32, #tpu.memory_space<hbm>>) dst(%dma_wait3A_128 : memref<128x64xf32, #tpu.memory_space<vmem>>)
        %dma_wait3A_135 = arith.constant 2 : i32
        %dma_wait3A_136 = arith.constant 256 : i32
        %dma_wait3A_137 = arith.constant 0 : i32
        %dma_wait3A_138 = tpu.memref_slice %arg10[%dma_wait3A_136, %dma_wait3A_137] : memref<512x64xf32, #tpu.memory_space<vmem>> -> memref<128x64xf32, #tpu.memory_space<vmem>>
        %dma_wait3A_139 = arith.constant 0 : i32
        %dma_wait3A_140 = tpu.memref_slice %arg8[%dma_wait3A_135, %dma_wait3A_139] : memref<4x128xi32, #tpu.memory_space<vmem>> -> memref<1x128xi32, #tpu.memory_space<vmem>>
        %dma_wait3A_141 = tpu.memref_squeeze %dma_wait3A_140 : memref<1x128xi32, #tpu.memory_space<vmem>> -> memref<128xi32, #tpu.memory_space<vmem>>
        %dma_wait3A_142 = arith.constant 0 : i32
        %dma_wait3A_143 = arith.constant 0 : i32
        %dma_wait3A_144 = tpu.memref_slice %arg4[%dma_wait3A_142, %dma_wait3A_143] : memref<10240x64xf32, #tpu.memory_space<hbm>> -> memref<10240x64xf32, #tpu.memory_space<hbm>>
        tpu.wait_indirect_dma semaphore(%arg12 : memref<!tpu.dma_semaphore, #tpu.memory_space<semaphore_mem>>) src(%dma_wait3A_144 : memref<10240x64xf32, #tpu.memory_space<hbm>>) dst(%dma_wait3A_138 : memref<128x64xf32, #tpu.memory_space<vmem>>)
        %dma_wait3A_145 = arith.constant 2 : i32
        %dma_wait3A_146 = arith.constant 256 : i32
        %dma_wait3A_147 = arith.constant 0 : i32
        %dma_wait3A_148 = tpu.memref_slice %arg11[%dma_wait3A_146, %dma_wait3A_147] : memref<512x64xf32, #tpu.memory_space<vmem>> -> memref<128x64xf32, #tpu.memory_space<vmem>>
        %dma_wait3A_149 = arith.constant 0 : i32
        %dma_wait3A_150 = tpu.memref_slice %arg9[%dma_wait3A_145, %dma_wait3A_149] : memref<4x128xi32, #tpu.memory_space<vmem>> -> memref<1x128xi32, #tpu.memory_space<vmem>>
        %dma_wait3A_151 = tpu.memref_squeeze %dma_wait3A_150 : memref<1x128xi32, #tpu.memory_space<vmem>> -> memref<128xi32, #tpu.memory_space<vmem>>
        %dma_wait3A_152 = arith.constant 0 : i32
        %dma_wait3A_153 = arith.constant 0 : i32
        %dma_wait3A_154 = tpu.memref_slice %arg5[%dma_wait3A_152, %dma_wait3A_153] : memref<10240x64xf32, #tpu.memory_space<hbm>> -> memref<10240x64xf32, #tpu.memory_space<hbm>>
        tpu.wait_indirect_dma semaphore(%arg12 : memref<!tpu.dma_semaphore, #tpu.memory_space<semaphore_mem>>) src(%dma_wait3A_154 : memref<10240x64xf32, #tpu.memory_space<hbm>>) dst(%dma_wait3A_148 : memref<128x64xf32, #tpu.memory_space<vmem>>)
        %dma_wait3A_155 = arith.constant 3 : i32
        %dma_wait3A_156 = arith.constant 384 : i32
        %dma_wait3A_157 = arith.constant 0 : i32
        %dma_wait3A_158 = tpu.memref_slice %arg10[%dma_wait3A_156, %dma_wait3A_157] : memref<512x64xf32, #tpu.memory_space<vmem>> -> memref<128x64xf32, #tpu.memory_space<vmem>>
        %dma_wait3A_159 = arith.constant 0 : i32
        %dma_wait3A_160 = tpu.memref_slice %arg8[%dma_wait3A_155, %dma_wait3A_159] : memref<4x128xi32, #tpu.memory_space<vmem>> -> memref<1x128xi32, #tpu.memory_space<vmem>>
        %dma_wait3A_161 = tpu.memref_squeeze %dma_wait3A_160 : memref<1x128xi32, #tpu.memory_space<vmem>> -> memref<128xi32, #tpu.memory_space<vmem>>
        %dma_wait3A_162 = arith.constant 0 : i32
        %dma_wait3A_163 = arith.constant 0 : i32
        %dma_wait3A_164 = tpu.memref_slice %arg4[%dma_wait3A_162, %dma_wait3A_163] : memref<10240x64xf32, #tpu.memory_space<hbm>> -> memref<10240x64xf32, #tpu.memory_space<hbm>>
        tpu.wait_indirect_dma semaphore(%arg12 : memref<!tpu.dma_semaphore, #tpu.memory_space<semaphore_mem>>) src(%dma_wait3A_164 : memref<10240x64xf32, #tpu.memory_space<hbm>>) dst(%dma_wait3A_158 : memref<128x64xf32, #tpu.memory_space<vmem>>)
        %dma_wait3A_165 = arith.constant 3 : i32
        %dma_wait3A_166 = arith.constant 384 : i32
        %dma_wait3A_167 = arith.constant 0 : i32
        %dma_wait3A_168 = tpu.memref_slice %arg11[%dma_wait3A_166, %dma_wait3A_167] : memref<512x64xf32, #tpu.memory_space<vmem>> -> memref<128x64xf32, #tpu.memory_space<vmem>>
        %dma_wait3A_169 = arith.constant 0 : i32
        %dma_wait3A_170 = tpu.memref_slice %arg9[%dma_wait3A_165, %dma_wait3A_169] : memref<4x128xi32, #tpu.memory_space<vmem>> -> memref<1x128xi32, #tpu.memory_space<vmem>>
        %dma_wait3A_171 = tpu.memref_squeeze %dma_wait3A_170 : memref<1x128xi32, #tpu.memory_space<vmem>> -> memref<128xi32, #tpu.memory_space<vmem>>
        %dma_wait3A_172 = arith.constant 0 : i32
        %dma_wait3A_173 = arith.constant 0 : i32
        %dma_wait3A_174 = tpu.memref_slice %arg5[%dma_wait3A_172, %dma_wait3A_173] : memref<10240x64xf32, #tpu.memory_space<hbm>> -> memref<10240x64xf32, #tpu.memory_space<hbm>>
        tpu.wait_indirect_dma semaphore(%arg12 : memref<!tpu.dma_semaphore, #tpu.memory_space<semaphore_mem>>) src(%dma_wait3A_174 : memref<10240x64xf32, #tpu.memory_space<hbm>>) dst(%dma_wait3A_168 : memref<128x64xf32, #tpu.memory_space<vmem>>)
        "tpu.region"() ({
          %run_scoped3A = tpu.sem_alloc : memref<!tpu.dma_semaphore, #tpu.memory_space<semaphore_mem>>
          %dma_start3A_175 = arith.constant 0 : i32
          %dma_start3A_176 = tpu.memref_slice %arg6[%multiple_of3A_16, %dma_start3A_175] : memref<320000x64xf32, #tpu.memory_space<hbm>> -> memref<512x64xf32, #tpu.memory_space<hbm>>
          %dma_start3A_177 = arith.constant 0 : i32
          %dma_start3A_178 = tpu.memref_slice %arg6[%multiple_of3A_16, %dma_start3A_177] : memref<320000x64xf32, #tpu.memory_space<hbm>> -> memref<512x64xf32, #tpu.memory_space<hbm>>
          tpu.enqueue_dma source(%arg10 : memref<512x64xf32, #tpu.memory_space<vmem>>) target(%dma_start3A_178 : memref<512x64xf32, #tpu.memory_space<hbm>>) target_semaphore(%run_scoped3A : memref<!tpu.dma_semaphore, #tpu.memory_space<semaphore_mem>>)
          %dma_wait3A_179 = arith.constant 0 : i32
          %dma_wait3A_180 = tpu.memref_slice %arg6[%multiple_of3A_16, %dma_wait3A_179] : memref<320000x64xf32, #tpu.memory_space<hbm>> -> memref<512x64xf32, #tpu.memory_space<hbm>>
          %dma_wait3A_181 = arith.constant 0 : i32
          %dma_wait3A_182 = tpu.memref_slice %arg6[%multiple_of3A_16, %dma_wait3A_181] : memref<320000x64xf32, #tpu.memory_space<hbm>> -> memref<512x64xf32, #tpu.memory_space<hbm>>
          tpu.wait_dma2 semaphore(%run_scoped3A : memref<!tpu.dma_semaphore, #tpu.memory_space<semaphore_mem>>) src(%arg10 : memref<512x64xf32, #tpu.memory_space<vmem>>) dst(%dma_wait3A_182 : memref<512x64xf32, #tpu.memory_space<hbm>>)
          tpu.yield
        }) : () -> ()
        "tpu.region"() ({
          %run_scoped3A = tpu.sem_alloc : memref<!tpu.dma_semaphore, #tpu.memory_space<semaphore_mem>>
          %dma_start3A_175 = arith.constant 0 : i32
          %dma_start3A_176 = tpu.memref_slice %arg7[%multiple_of3A_16, %dma_start3A_175] : memref<320000x64xf32, #tpu.memory_space<hbm>> -> memref<512x64xf32, #tpu.memory_space<hbm>>
          %dma_start3A_177 = arith.constant 0 : i32
          %dma_start3A_178 = tpu.memref_slice %arg7[%multiple_of3A_16, %dma_start3A_177] : memref<320000x64xf32, #tpu.memory_space<hbm>> -> memref<512x64xf32, #tpu.memory_space<hbm>>
          tpu.enqueue_dma source(%arg11 : memref<512x64xf32, #tpu.memory_space<vmem>>) target(%dma_start3A_178 : memref<512x64xf32, #tpu.memory_space<hbm>>) target_semaphore(%run_scoped3A : memref<!tpu.dma_semaphore, #tpu.memory_space<semaphore_mem>>)
          %dma_wait3A_179 = arith.constant 0 : i32
          %dma_wait3A_180 = tpu.memref_slice %arg7[%multiple_of3A_16, %dma_wait3A_179] : memref<320000x64xf32, #tpu.memory_space<hbm>> -> memref<512x64xf32, #tpu.memory_space<hbm>>
          %dma_wait3A_181 = arith.constant 0 : i32
          %dma_wait3A_182 = tpu.memref_slice %arg7[%multiple_of3A_16, %dma_wait3A_181] : memref<320000x64xf32, #tpu.memory_space<hbm>> -> memref<512x64xf32, #tpu.memory_space<hbm>>
          tpu.wait_dma2 semaphore(%run_scoped3A : memref<!tpu.dma_semaphore, #tpu.memory_space<semaphore_mem>>) src(%arg11 : memref<512x64xf32, #tpu.memory_space<vmem>>) dst(%dma_wait3A_182 : memref<512x64xf32, #tpu.memory_space<hbm>>)
          tpu.yield
        }) : () -> ()
      } else {
      }
    }
    %scan3A_5 = arith.constant 20 : i32
    return
  }
}

#map = affine_map<(d0, d1) -> (0, 0)>
#map1 = affine_map<(d0, d1) -> (0, 0, 0)>
module attributes {stable_mosaic.version = 14 : i64} {
  func.func @_sc_scatter(%arg0: i32, %arg1: i32, %arg2: memref<320000x128xf32, #tpu.memory_space<hbm>>, %arg3: memref<2500x128xi32, #tpu.memory_space<hbm>>, %arg4: memref<640x128xf32, #tpu.memory_space<hbm>>, %arg5: memref<640x16xf32, #tpu.memory_space<hbm>>, %arg6: memref<128x16xf32, #tpu.memory_space<hbm>>, %arg7: memref<2x10240x128xf32, #tpu.memory_space<hbm>>, %arg8: memref<2x10240x16xf32, #tpu.memory_space<hbm>>, %arg9: memref<2x128xi32, #tpu.memory_space<vmem>>, %arg10: memref<256x128xf32, #tpu.memory_space<vmem>>, %arg11: memref<128x16xf32, #tpu.memory_space<vmem>>, %arg12: memref<10240x128xf32, #tpu.memory_space<vmem_shared>>, %arg13: memref<10240x16xf32, #tpu.memory_space<vmem_shared>>, %arg14: memref<!tpu.dma_semaphore, #tpu.memory_space<semaphore_mem>>) attributes {dimension_semantics = [#tpu.dimension_semantics<core_parallel>, #tpu.dimension_semantics<subcore_parallel>], iteration_bounds = array<i64: 2, 16>, scalar_prefetch = 0 : i64, scratch_operands = 6 : i64, tpu.core_type = #tpu.core_type<sc_vector_subcore>, window_params = [{transform_indices = #map}, {transform_indices = #map}, {transform_indices = #map}, {transform_indices = #map}, {transform_indices = #map}, {transform_indices = #map1}, {transform_indices = #map1}]} {
    %mul3A = arith.constant 2 : i32
    %mul3A_0 = arith.muli %arg1, %mul3A : i32
    %add3A = arith.addi %mul3A_0, %arg0 : i32
    %mul3A_1 = arith.constant 640 : i32
    %mul3A_2 = arith.muli %arg1, %mul3A_1 : i32
    %multiple_of3A = tpu.assume_multiple %mul3A_2, 640 : i32
    "tpu.region"() ({
      %run_scoped3A = tpu.sem_alloc : memref<!tpu.dma_semaphore, #tpu.memory_space<semaphore_mem>>
      %dma_start3A = arith.constant 0 : i32
      %dma_start3A_9 = tpu.memref_slice %arg12[%multiple_of3A, %dma_start3A] : memref<10240x128xf32, #tpu.memory_space<vmem_shared>> -> memref<640x128xf32, #tpu.memory_space<vmem_shared>>
      tpu.enqueue_dma source(%arg4 : memref<640x128xf32, #tpu.memory_space<hbm>>) target(%dma_start3A_9 : memref<640x128xf32, #tpu.memory_space<vmem_shared>>) target_semaphore(%run_scoped3A : memref<!tpu.dma_semaphore, #tpu.memory_space<semaphore_mem>>)
      %dma_wait3A = arith.constant 0 : i32
      %dma_wait3A_10 = tpu.memref_slice %arg12[%multiple_of3A, %dma_wait3A] : memref<10240x128xf32, #tpu.memory_space<vmem_shared>> -> memref<640x128xf32, #tpu.memory_space<vmem_shared>>
      tpu.wait_dma2 semaphore(%run_scoped3A : memref<!tpu.dma_semaphore, #tpu.memory_space<semaphore_mem>>) src(%arg4 : memref<640x128xf32, #tpu.memory_space<hbm>>) dst(%dma_wait3A_10 : memref<640x128xf32, #tpu.memory_space<vmem_shared>>)
      tpu.yield
    }) : () -> ()
    "tpu.region"() ({
      %run_scoped3A = tpu.sem_alloc : memref<!tpu.dma_semaphore, #tpu.memory_space<semaphore_mem>>
      %dma_start3A = arith.constant 0 : i32
      %dma_start3A_9 = tpu.memref_slice %arg13[%multiple_of3A, %dma_start3A] : memref<10240x16xf32, #tpu.memory_space<vmem_shared>> -> memref<640x16xf32, #tpu.memory_space<vmem_shared>>
      tpu.enqueue_dma source(%arg5 : memref<640x16xf32, #tpu.memory_space<hbm>>) target(%dma_start3A_9 : memref<640x16xf32, #tpu.memory_space<vmem_shared>>) target_semaphore(%run_scoped3A : memref<!tpu.dma_semaphore, #tpu.memory_space<semaphore_mem>>)
      %dma_wait3A = arith.constant 0 : i32
      %dma_wait3A_10 = tpu.memref_slice %arg13[%multiple_of3A, %dma_wait3A] : memref<10240x16xf32, #tpu.memory_space<vmem_shared>> -> memref<640x16xf32, #tpu.memory_space<vmem_shared>>
      tpu.wait_dma2 semaphore(%run_scoped3A : memref<!tpu.dma_semaphore, #tpu.memory_space<semaphore_mem>>) src(%arg5 : memref<640x16xf32, #tpu.memory_space<hbm>>) dst(%dma_wait3A_10 : memref<640x16xf32, #tpu.memory_space<vmem_shared>>)
      tpu.yield
    }) : () -> ()
    "tpu.region"() ({
      %run_scoped3A = tpu.sem_alloc : memref<!tpu.dma_semaphore, #tpu.memory_space<semaphore_mem>>
      tpu.enqueue_dma source(%arg6 : memref<128x16xf32, #tpu.memory_space<hbm>>) target(%arg11 : memref<128x16xf32, #tpu.memory_space<vmem>>) target_semaphore(%run_scoped3A : memref<!tpu.dma_semaphore, #tpu.memory_space<semaphore_mem>>)
      tpu.wait_dma2 semaphore(%run_scoped3A : memref<!tpu.dma_semaphore, #tpu.memory_space<semaphore_mem>>) src(%arg6 : memref<128x16xf32, #tpu.memory_space<hbm>>) dst(%arg11 : memref<128x16xf32, #tpu.memory_space<vmem>>)
      tpu.yield
    }) : () -> ()
    %barrier3A = arith.constant 0 : index
    tpu.barrier barrier_id(%barrier3A)
    %scan3A = arith.constant 0 : i32
    %scan3A_3 = arith.constant 0 : i32
    %scan3A_4 = arith.constant 40 : i32
    %scan3A_5 = arith.addi %scan3A_3, %scan3A_4 : i32
    %scan3A_6 = arith.constant 1 : i32
    scf.for %scan3A_9 = %scan3A_3 to %scan3A_5 step %scan3A_6  : i32 {
      %mul3A_10 = arith.constant 32 : i32
      %mul3A_11 = arith.muli %scan3A_9, %mul3A_10 : i32
      %add3A_12 = arith.addi %add3A, %mul3A_11 : i32
      %lt3A = arith.constant 1250 : i32
      %lt3A_13 = arith.cmpi slt, %add3A_12, %lt3A : i32
      %convert_element_type3A = arith.extui %lt3A_13 : i1 to i32
      %cond3A = arith.constant 0 : i32
      %cond3A_14 = arith.cmpi ne, %convert_element_type3A, %cond3A : i32
      scf.if %cond3A_14 {
        %mul3A_15 = arith.constant 2 : i32
        %mul3A_16 = arith.muli %add3A_12, %mul3A_15 : i32
        %multiple_of3A_17 = tpu.assume_multiple %mul3A_16, 2 : i32
        %mul3A_18 = arith.constant 256 : i32
        %mul3A_19 = arith.muli %add3A_12, %mul3A_18 : i32
        %multiple_of3A_20 = tpu.assume_multiple %mul3A_19, 256 : i32
        "tpu.region"() ({
          %run_scoped3A = tpu.sem_alloc : memref<!tpu.dma_semaphore, #tpu.memory_space<semaphore_mem>>
          %dma_start3A_87 = arith.constant 0 : i32
          %dma_start3A_88 = tpu.memref_slice %arg3[%multiple_of3A_17, %dma_start3A_87] : memref<2500x128xi32, #tpu.memory_space<hbm>> -> memref<2x128xi32, #tpu.memory_space<hbm>>
          %dma_start3A_89 = arith.constant 0 : i32
          %dma_start3A_90 = tpu.memref_slice %arg3[%multiple_of3A_17, %dma_start3A_89] : memref<2500x128xi32, #tpu.memory_space<hbm>> -> memref<2x128xi32, #tpu.memory_space<hbm>>
          tpu.enqueue_dma source(%dma_start3A_90 : memref<2x128xi32, #tpu.memory_space<hbm>>) target(%arg9 : memref<2x128xi32, #tpu.memory_space<vmem>>) target_semaphore(%run_scoped3A : memref<!tpu.dma_semaphore, #tpu.memory_space<semaphore_mem>>)
          %dma_wait3A_91 = arith.constant 0 : i32
          %dma_wait3A_92 = tpu.memref_slice %arg3[%multiple_of3A_17, %dma_wait3A_91] : memref<2500x128xi32, #tpu.memory_space<hbm>> -> memref<2x128xi32, #tpu.memory_space<hbm>>
          %dma_wait3A_93 = arith.constant 0 : i32
          %dma_wait3A_94 = tpu.memref_slice %arg3[%multiple_of3A_17, %dma_wait3A_93] : memref<2500x128xi32, #tpu.memory_space<hbm>> -> memref<2x128xi32, #tpu.memory_space<hbm>>
          tpu.wait_dma2 semaphore(%run_scoped3A : memref<!tpu.dma_semaphore, #tpu.memory_space<semaphore_mem>>) src(%dma_wait3A_94 : memref<2x128xi32, #tpu.memory_space<hbm>>) dst(%arg9 : memref<2x128xi32, #tpu.memory_space<vmem>>)
          tpu.yield
        }) : () -> ()
        "tpu.region"() ({
          %run_scoped3A = tpu.sem_alloc : memref<!tpu.dma_semaphore, #tpu.memory_space<semaphore_mem>>
          %dma_start3A_87 = arith.constant 0 : i32
          %dma_start3A_88 = tpu.memref_slice %arg2[%multiple_of3A_20, %dma_start3A_87] : memref<320000x128xf32, #tpu.memory_space<hbm>> -> memref<256x128xf32, #tpu.memory_space<hbm>>
          %dma_start3A_89 = arith.constant 0 : i32
          %dma_start3A_90 = tpu.memref_slice %arg2[%multiple_of3A_20, %dma_start3A_89] : memref<320000x128xf32, #tpu.memory_space<hbm>> -> memref<256x128xf32, #tpu.memory_space<hbm>>
          tpu.enqueue_dma source(%dma_start3A_90 : memref<256x128xf32, #tpu.memory_space<hbm>>) target(%arg10 : memref<256x128xf32, #tpu.memory_space<vmem>>) target_semaphore(%run_scoped3A : memref<!tpu.dma_semaphore, #tpu.memory_space<semaphore_mem>>)
          %dma_wait3A_91 = arith.constant 0 : i32
          %dma_wait3A_92 = tpu.memref_slice %arg2[%multiple_of3A_20, %dma_wait3A_91] : memref<320000x128xf32, #tpu.memory_space<hbm>> -> memref<256x128xf32, #tpu.memory_space<hbm>>
          %dma_wait3A_93 = arith.constant 0 : i32
          %dma_wait3A_94 = tpu.memref_slice %arg2[%multiple_of3A_20, %dma_wait3A_93] : memref<320000x128xf32, #tpu.memory_space<hbm>> -> memref<256x128xf32, #tpu.memory_space<hbm>>
          tpu.wait_dma2 semaphore(%run_scoped3A : memref<!tpu.dma_semaphore, #tpu.memory_space<semaphore_mem>>) src(%dma_wait3A_94 : memref<256x128xf32, #tpu.memory_space<hbm>>) dst(%arg10 : memref<256x128xf32, #tpu.memory_space<vmem>>)
          tpu.yield
        }) : () -> ()
        %dma_start3A = arith.constant 0 : i32
        %dma_start3A_21 = arith.constant 0 : i32
        %dma_start3A_22 = arith.constant 0 : i32
        %dma_start3A_23 = tpu.memref_slice %arg10[%dma_start3A_21, %dma_start3A_22] : memref<256x128xf32, #tpu.memory_space<vmem>> -> memref<128x128xf32, #tpu.memory_space<vmem>>
        %dma_start3A_24 = arith.constant 0 : i32
        %dma_start3A_25 = tpu.memref_slice %arg9[%dma_start3A, %dma_start3A_24] : memref<2x128xi32, #tpu.memory_space<vmem>> -> memref<1x128xi32, #tpu.memory_space<vmem>>
        %dma_start3A_26 = tpu.memref_squeeze %dma_start3A_25 : memref<1x128xi32, #tpu.memory_space<vmem>> -> memref<128xi32, #tpu.memory_space<vmem>>
        %dma_start3A_27 = arith.constant 0 : i32
        %dma_start3A_28 = arith.constant 0 : i32
        %dma_start3A_29 = tpu.memref_slice %arg12[%dma_start3A_27, %dma_start3A_28] : memref<10240x128xf32, #tpu.memory_space<vmem_shared>> -> memref<10240x128xf32, #tpu.memory_space<vmem_shared>>
        tpu.enqueue_indirect_dma source(%dma_start3A_23 : memref<128x128xf32, #tpu.memory_space<vmem>>) target(%dma_start3A_29 : memref<10240x128xf32, #tpu.memory_space<vmem_shared>>) offsets(%dma_start3A_26 : memref<128xi32, #tpu.memory_space<vmem>>) semaphore(%arg14 : memref<!tpu.dma_semaphore, #tpu.memory_space<semaphore_mem>>) {add = true}
        %dma_start3A_30 = arith.constant 0 : i32
        %dma_start3A_31 = arith.constant 0 : i32
        %dma_start3A_32 = tpu.memref_slice %arg9[%dma_start3A_30, %dma_start3A_31] : memref<2x128xi32, #tpu.memory_space<vmem>> -> memref<1x128xi32, #tpu.memory_space<vmem>>
        %dma_start3A_33 = tpu.memref_squeeze %dma_start3A_32 : memref<1x128xi32, #tpu.memory_space<vmem>> -> memref<128xi32, #tpu.memory_space<vmem>>
        %dma_start3A_34 = arith.constant 0 : i32
        %dma_start3A_35 = arith.constant 0 : i32
        %dma_start3A_36 = tpu.memref_slice %arg13[%dma_start3A_34, %dma_start3A_35] : memref<10240x16xf32, #tpu.memory_space<vmem_shared>> -> memref<10240x16xf32, #tpu.memory_space<vmem_shared>>
        tpu.enqueue_indirect_dma source(%arg11 : memref<128x16xf32, #tpu.memory_space<vmem>>) target(%dma_start3A_36 : memref<10240x16xf32, #tpu.memory_space<vmem_shared>>) offsets(%dma_start3A_33 : memref<128xi32, #tpu.memory_space<vmem>>) semaphore(%arg14 : memref<!tpu.dma_semaphore, #tpu.memory_space<semaphore_mem>>) {add = true}
        %dma_start3A_37 = arith.constant 1 : i32
        %dma_start3A_38 = arith.constant 128 : i32
        %dma_start3A_39 = arith.constant 0 : i32
        %dma_start3A_40 = tpu.memref_slice %arg10[%dma_start3A_38, %dma_start3A_39] : memref<256x128xf32, #tpu.memory_space<vmem>> -> memref<128x128xf32, #tpu.memory_space<vmem>>
        %dma_start3A_41 = arith.constant 0 : i32
        %dma_start3A_42 = tpu.memref_slice %arg9[%dma_start3A_37, %dma_start3A_41] : memref<2x128xi32, #tpu.memory_space<vmem>> -> memref<1x128xi32, #tpu.memory_space<vmem>>
        %dma_start3A_43 = tpu.memref_squeeze %dma_start3A_42 : memref<1x128xi32, #tpu.memory_space<vmem>> -> memref<128xi32, #tpu.memory_space<vmem>>
        %dma_start3A_44 = arith.constant 0 : i32
        %dma_start3A_45 = arith.constant 0 : i32
        %dma_start3A_46 = tpu.memref_slice %arg12[%dma_start3A_44, %dma_start3A_45] : memref<10240x128xf32, #tpu.memory_space<vmem_shared>> -> memref<10240x128xf32, #tpu.memory_space<vmem_shared>>
        tpu.enqueue_indirect_dma source(%dma_start3A_40 : memref<128x128xf32, #tpu.memory_space<vmem>>) target(%dma_start3A_46 : memref<10240x128xf32, #tpu.memory_space<vmem_shared>>) offsets(%dma_start3A_43 : memref<128xi32, #tpu.memory_space<vmem>>) semaphore(%arg14 : memref<!tpu.dma_semaphore, #tpu.memory_space<semaphore_mem>>) {add = true}
        %dma_start3A_47 = arith.constant 1 : i32
        %dma_start3A_48 = arith.constant 0 : i32
        %dma_start3A_49 = tpu.memref_slice %arg9[%dma_start3A_47, %dma_start3A_48] : memref<2x128xi32, #tpu.memory_space<vmem>> -> memref<1x128xi32, #tpu.memory_space<vmem>>
        %dma_start3A_50 = tpu.memref_squeeze %dma_start3A_49 : memref<1x128xi32, #tpu.memory_space<vmem>> -> memref<128xi32, #tpu.memory_space<vmem>>
        %dma_start3A_51 = arith.constant 0 : i32
        %dma_start3A_52 = arith.constant 0 : i32
        %dma_start3A_53 = tpu.memref_slice %arg13[%dma_start3A_51, %dma_start3A_52] : memref<10240x16xf32, #tpu.memory_space<vmem_shared>> -> memref<10240x16xf32, #tpu.memory_space<vmem_shared>>
        tpu.enqueue_indirect_dma source(%arg11 : memref<128x16xf32, #tpu.memory_space<vmem>>) target(%dma_start3A_53 : memref<10240x16xf32, #tpu.memory_space<vmem_shared>>) offsets(%dma_start3A_50 : memref<128xi32, #tpu.memory_space<vmem>>) semaphore(%arg14 : memref<!tpu.dma_semaphore, #tpu.memory_space<semaphore_mem>>) {add = true}
        %dma_wait3A = arith.constant 0 : i32
        %dma_wait3A_54 = arith.constant 0 : i32
        %dma_wait3A_55 = arith.constant 0 : i32
        %dma_wait3A_56 = tpu.memref_slice %arg10[%dma_wait3A_54, %dma_wait3A_55] : memref<256x128xf32, #tpu.memory_space<vmem>> -> memref<128x128xf32, #tpu.memory_space<vmem>>
        %dma_wait3A_57 = arith.constant 0 : i32
        %dma_wait3A_58 = tpu.memref_slice %arg9[%dma_wait3A, %dma_wait3A_57] : memref<2x128xi32, #tpu.memory_space<vmem>> -> memref<1x128xi32, #tpu.memory_space<vmem>>
        %dma_wait3A_59 = tpu.memref_squeeze %dma_wait3A_58 : memref<1x128xi32, #tpu.memory_space<vmem>> -> memref<128xi32, #tpu.memory_space<vmem>>
        %dma_wait3A_60 = arith.constant 0 : i32
        %dma_wait3A_61 = arith.constant 0 : i32
        %dma_wait3A_62 = tpu.memref_slice %arg12[%dma_wait3A_60, %dma_wait3A_61] : memref<10240x128xf32, #tpu.memory_space<vmem_shared>> -> memref<10240x128xf32, #tpu.memory_space<vmem_shared>>
        tpu.wait_indirect_dma semaphore(%arg14 : memref<!tpu.dma_semaphore, #tpu.memory_space<semaphore_mem>>) src(%dma_wait3A_56 : memref<128x128xf32, #tpu.memory_space<vmem>>) dst(%dma_wait3A_62 : memref<10240x128xf32, #tpu.memory_space<vmem_shared>>)
        %dma_wait3A_63 = arith.constant 0 : i32
        %dma_wait3A_64 = arith.constant 0 : i32
        %dma_wait3A_65 = tpu.memref_slice %arg9[%dma_wait3A_63, %dma_wait3A_64] : memref<2x128xi32, #tpu.memory_space<vmem>> -> memref<1x128xi32, #tpu.memory_space<vmem>>
        %dma_wait3A_66 = tpu.memref_squeeze %dma_wait3A_65 : memref<1x128xi32, #tpu.memory_space<vmem>> -> memref<128xi32, #tpu.memory_space<vmem>>
        %dma_wait3A_67 = arith.constant 0 : i32
        %dma_wait3A_68 = arith.constant 0 : i32
        %dma_wait3A_69 = tpu.memref_slice %arg13[%dma_wait3A_67, %dma_wait3A_68] : memref<10240x16xf32, #tpu.memory_space<vmem_shared>> -> memref<10240x16xf32, #tpu.memory_space<vmem_shared>>
        tpu.wait_indirect_dma semaphore(%arg14 : memref<!tpu.dma_semaphore, #tpu.memory_space<semaphore_mem>>) src(%arg11 : memref<128x16xf32, #tpu.memory_space<vmem>>) dst(%dma_wait3A_69 : memref<10240x16xf32, #tpu.memory_space<vmem_shared>>)
        %dma_wait3A_70 = arith.constant 1 : i32
        %dma_wait3A_71 = arith.constant 128 : i32
        %dma_wait3A_72 = arith.constant 0 : i32
        %dma_wait3A_73 = tpu.memref_slice %arg10[%dma_wait3A_71, %dma_wait3A_72] : memref<256x128xf32, #tpu.memory_space<vmem>> -> memref<128x128xf32, #tpu.memory_space<vmem>>
        %dma_wait3A_74 = arith.constant 0 : i32
        %dma_wait3A_75 = tpu.memref_slice %arg9[%dma_wait3A_70, %dma_wait3A_74] : memref<2x128xi32, #tpu.memory_space<vmem>> -> memref<1x128xi32, #tpu.memory_space<vmem>>
        %dma_wait3A_76 = tpu.memref_squeeze %dma_wait3A_75 : memref<1x128xi32, #tpu.memory_space<vmem>> -> memref<128xi32, #tpu.memory_space<vmem>>
        %dma_wait3A_77 = arith.constant 0 : i32
        %dma_wait3A_78 = arith.constant 0 : i32
        %dma_wait3A_79 = tpu.memref_slice %arg12[%dma_wait3A_77, %dma_wait3A_78] : memref<10240x128xf32, #tpu.memory_space<vmem_shared>> -> memref<10240x128xf32, #tpu.memory_space<vmem_shared>>
        tpu.wait_indirect_dma semaphore(%arg14 : memref<!tpu.dma_semaphore, #tpu.memory_space<semaphore_mem>>) src(%dma_wait3A_73 : memref<128x128xf32, #tpu.memory_space<vmem>>) dst(%dma_wait3A_79 : memref<10240x128xf32, #tpu.memory_space<vmem_shared>>)
        %dma_wait3A_80 = arith.constant 1 : i32
        %dma_wait3A_81 = arith.constant 0 : i32
        %dma_wait3A_82 = tpu.memref_slice %arg9[%dma_wait3A_80, %dma_wait3A_81] : memref<2x128xi32, #tpu.memory_space<vmem>> -> memref<1x128xi32, #tpu.memory_space<vmem>>
        %dma_wait3A_83 = tpu.memref_squeeze %dma_wait3A_82 : memref<1x128xi32, #tpu.memory_space<vmem>> -> memref<128xi32, #tpu.memory_space<vmem>>
        %dma_wait3A_84 = arith.constant 0 : i32
        %dma_wait3A_85 = arith.constant 0 : i32
        %dma_wait3A_86 = tpu.memref_slice %arg13[%dma_wait3A_84, %dma_wait3A_85] : memref<10240x16xf32, #tpu.memory_space<vmem_shared>> -> memref<10240x16xf32, #tpu.memory_space<vmem_shared>>
        tpu.wait_indirect_dma semaphore(%arg14 : memref<!tpu.dma_semaphore, #tpu.memory_space<semaphore_mem>>) src(%arg11 : memref<128x16xf32, #tpu.memory_space<vmem>>) dst(%dma_wait3A_86 : memref<10240x16xf32, #tpu.memory_space<vmem_shared>>)
      } else {
      }
    }
    %scan3A_7 = arith.constant 40 : i32
    %barrier3A_8 = arith.constant 0 : index
    tpu.barrier barrier_id(%barrier3A_8)
    "tpu.region"() ({
      %run_scoped3A = tpu.sem_alloc : memref<!tpu.dma_semaphore, #tpu.memory_space<semaphore_mem>>
      %dma_start3A = arith.constant 0 : i32
      %dma_start3A_9 = tpu.memref_slice %arg7[%arg0, %multiple_of3A, %dma_start3A] : memref<2x10240x128xf32, #tpu.memory_space<hbm>> -> memref<1x640x128xf32, #tpu.memory_space<hbm>>
      %dma_start3A_10 = tpu.memref_squeeze %dma_start3A_9 : memref<1x640x128xf32, #tpu.memory_space<hbm>> -> memref<640x128xf32, #tpu.memory_space<hbm>>
      %dma_start3A_11 = arith.constant 0 : i32
      %dma_start3A_12 = tpu.memref_slice %arg12[%multiple_of3A, %dma_start3A_11] : memref<10240x128xf32, #tpu.memory_space<vmem_shared>> -> memref<640x128xf32, #tpu.memory_space<vmem_shared>>
      tpu.enqueue_dma source(%dma_start3A_12 : memref<640x128xf32, #tpu.memory_space<vmem_shared>>) target(%dma_start3A_10 : memref<640x128xf32, #tpu.memory_space<hbm>>) target_semaphore(%run_scoped3A : memref<!tpu.dma_semaphore, #tpu.memory_space<semaphore_mem>>)
      %dma_wait3A = arith.constant 0 : i32
      %dma_wait3A_13 = tpu.memref_slice %arg7[%arg0, %multiple_of3A, %dma_wait3A] : memref<2x10240x128xf32, #tpu.memory_space<hbm>> -> memref<1x640x128xf32, #tpu.memory_space<hbm>>
      %dma_wait3A_14 = tpu.memref_squeeze %dma_wait3A_13 : memref<1x640x128xf32, #tpu.memory_space<hbm>> -> memref<640x128xf32, #tpu.memory_space<hbm>>
      %dma_wait3A_15 = arith.constant 0 : i32
      %dma_wait3A_16 = tpu.memref_slice %arg12[%multiple_of3A, %dma_wait3A_15] : memref<10240x128xf32, #tpu.memory_space<vmem_shared>> -> memref<640x128xf32, #tpu.memory_space<vmem_shared>>
      tpu.wait_dma2 semaphore(%run_scoped3A : memref<!tpu.dma_semaphore, #tpu.memory_space<semaphore_mem>>) src(%dma_wait3A_16 : memref<640x128xf32, #tpu.memory_space<vmem_shared>>) dst(%dma_wait3A_14 : memref<640x128xf32, #tpu.memory_space<hbm>>)
      tpu.yield
    }) : () -> ()
    "tpu.region"() ({
      %run_scoped3A = tpu.sem_alloc : memref<!tpu.dma_semaphore, #tpu.memory_space<semaphore_mem>>
      %dma_start3A = arith.constant 0 : i32
      %dma_start3A_9 = tpu.memref_slice %arg8[%arg0, %multiple_of3A, %dma_start3A] : memref<2x10240x16xf32, #tpu.memory_space<hbm>> -> memref<1x640x16xf32, #tpu.memory_space<hbm>>
      %dma_start3A_10 = tpu.memref_squeeze %dma_start3A_9 : memref<1x640x16xf32, #tpu.memory_space<hbm>> -> memref<640x16xf32, #tpu.memory_space<hbm>>
      %dma_start3A_11 = arith.constant 0 : i32
      %dma_start3A_12 = tpu.memref_slice %arg13[%multiple_of3A, %dma_start3A_11] : memref<10240x16xf32, #tpu.memory_space<vmem_shared>> -> memref<640x16xf32, #tpu.memory_space<vmem_shared>>
      tpu.enqueue_dma source(%dma_start3A_12 : memref<640x16xf32, #tpu.memory_space<vmem_shared>>) target(%dma_start3A_10 : memref<640x16xf32, #tpu.memory_space<hbm>>) target_semaphore(%run_scoped3A : memref<!tpu.dma_semaphore, #tpu.memory_space<semaphore_mem>>)
      %dma_wait3A = arith.constant 0 : i32
      %dma_wait3A_13 = tpu.memref_slice %arg8[%arg0, %multiple_of3A, %dma_wait3A] : memref<2x10240x16xf32, #tpu.memory_space<hbm>> -> memref<1x640x16xf32, #tpu.memory_space<hbm>>
      %dma_wait3A_14 = tpu.memref_squeeze %dma_wait3A_13 : memref<1x640x16xf32, #tpu.memory_space<hbm>> -> memref<640x16xf32, #tpu.memory_space<hbm>>
      %dma_wait3A_15 = arith.constant 0 : i32
      %dma_wait3A_16 = tpu.memref_slice %arg13[%multiple_of3A, %dma_wait3A_15] : memref<10240x16xf32, #tpu.memory_space<vmem_shared>> -> memref<640x16xf32, #tpu.memory_space<vmem_shared>>
      tpu.wait_dma2 semaphore(%run_scoped3A : memref<!tpu.dma_semaphore, #tpu.memory_space<semaphore_mem>>) src(%dma_wait3A_16 : memref<640x16xf32, #tpu.memory_space<vmem_shared>>) dst(%dma_wait3A_14 : memref<640x16xf32, #tpu.memory_space<hbm>>)
      tpu.yield
    }) : () -> ()
    return
  }
}

module attributes {stable_mosaic.version = 14 : i64} {
  func.func @_np0_body(%arg0: memref<10240x128xf32, #tpu.memory_space<vmem>>, %arg1: memref<128x64xf32, #tpu.memory_space<vmem>>, %arg2: memref<128x64xf32, #tpu.memory_space<vmem>>, %arg3: memref<10240x64xf32, #tpu.memory_space<vmem>>, %arg4: memref<10240x64xf32, #tpu.memory_space<vmem>>) attributes {dimension_semantics = [], scalar_prefetch = 0 : i64, scratch_operands = 0 : i64, tpu.core_type = #tpu.core_type<tc>} {
    %get3A = arith.constant 0 : index
    %get3A_0 = arith.constant 0 : index
    %get3A_1 = vector.load %arg0[%get3A, %get3A_0] : memref<10240x128xf32, #tpu.memory_space<vmem>>, vector<10240x128xf32>
    %get3A_2 = arith.constant 0 : index
    %get3A_3 = arith.constant 0 : index
    %get3A_4 = vector.load %arg1[%get3A_2, %get3A_3] : memref<128x64xf32, #tpu.memory_space<vmem>>, vector<128x64xf32>
    %dot_general3A = arith.constant dense<0.000000e+00> : vector<10240x64xf32>
    %dot_general3A_5 = tpu.matmul %get3A_1, %get3A_4, %dot_general3A {dimension_numbers = #tpu.dot_dimension_numbers<[1], [0], [0], [1], [0, 0, 1, 1], [], []>, transpose_lhs_hint = false} : vector<10240x128xf32>, vector<128x64xf32>, vector<10240x64xf32> -> vector<10240x64xf32>
    %swap3A = arith.constant 0 : index
    %swap3A_6 = arith.constant 0 : index
    %swap3A_7 = vector.load %arg3[%swap3A, %swap3A_6] : memref<10240x64xf32, #tpu.memory_space<vmem>>, vector<10240x64xf32>
    tpu.vector_store %arg3[%swap3A, %swap3A_6], %dot_general3A_5 {strides = array<i32>} : memref<10240x64xf32, #tpu.memory_space<vmem>>, vector<10240x64xf32>,
    %get3A_8 = arith.constant 0 : index
    %get3A_9 = arith.constant 0 : index
    %get3A_10 = vector.load %arg2[%get3A_8, %get3A_9] : memref<128x64xf32, #tpu.memory_space<vmem>>, vector<128x64xf32>
    %dot_general3A_11 = arith.constant dense<0.000000e+00> : vector<10240x64xf32>
    %dot_general3A_12 = tpu.matmul %get3A_1, %get3A_10, %dot_general3A_11 {dimension_numbers = #tpu.dot_dimension_numbers<[1], [0], [0], [1], [0, 0, 1, 1], [], []>, transpose_lhs_hint = false} : vector<10240x128xf32>, vector<128x64xf32>, vector<10240x64xf32> -> vector<10240x64xf32>
    %swap3A_13 = arith.constant 0 : index
    %swap3A_14 = arith.constant 0 : index
    %swap3A_15 = vector.load %arg4[%swap3A_13, %swap3A_14] : memref<10240x64xf32, #tpu.memory_space<vmem>>, vector<10240x64xf32>
    tpu.vector_store %arg4[%swap3A_13, %swap3A_14], %dot_general3A_12 {strides = array<i32>} : memref<10240x64xf32, #tpu.memory_space<vmem>>, vector<10240x64xf32>,
    return
  }
}

module attributes {stable_mosaic.version = 14 : i64} {
  func.func @_edgec_body(%arg0: i32, %arg1: memref<8000x16xf32, #tpu.memory_space<vmem>>, %arg2: memref<16x192xf32, #tpu.memory_space<vmem>>, %arg3: memref<1x192xf32, #tpu.memory_space<vmem>>, %arg4: memref<8000x64xf32, #tpu.memory_space<vmem>>, %arg5: memref<8000x64xf32, #tpu.memory_space<vmem>>, %arg6: memref<8000x64xf32, #tpu.memory_space<vmem>>) attributes {dimension_semantics = [#tpu.dimension_semantics<parallel>], iteration_bounds = array<i64: 40>, scalar_prefetch = 0 : i64, scratch_operands = 0 : i64, tpu.core_type = #tpu.core_type<tc>, window_params = [{transform_indices = @transform_0, window_bounds = array<i64: 8000, 16>}, {pipeline_mode = #tpu.pipeline_mode<synchronous>, transform_indices = @transform_1, window_bounds = array<i64: 16, 192>}, {pipeline_mode = #tpu.pipeline_mode<synchronous>, transform_indices = @transform_2, window_bounds = array<i64: 1, 192>}, {transform_indices = @transform_3, window_bounds = array<i64: 8000, 64>}, {transform_indices = @transform_4, window_bounds = array<i64: 8000, 64>}, {transform_indices = @transform_5, window_bounds = array<i64: 8000, 64>}]} {
    %get3A = arith.constant 0 : index
    %get3A_0 = arith.constant 0 : index
    %get3A_1 = vector.load %arg1[%get3A, %get3A_0] : memref<8000x16xf32, #tpu.memory_space<vmem>>, vector<8000x16xf32>
    %get3A_2 = arith.constant 0 : index
    %get3A_3 = arith.constant 0 : index
    %get3A_4 = vector.load %arg2[%get3A_2, %get3A_3] : memref<16x192xf32, #tpu.memory_space<vmem>>, vector<16x192xf32>
    %dot_general3A = arith.constant dense<0.000000e+00> : vector<8000x192xf32>
    %dot_general3A_5 = tpu.matmul %get3A_1, %get3A_4, %dot_general3A {dimension_numbers = #tpu.dot_dimension_numbers<[1], [0], [0], [1], [0, 0, 1, 1], [], []>, transpose_lhs_hint = false} : vector<8000x16xf32>, vector<16x192xf32>, vector<8000x192xf32> -> vector<8000x192xf32>
    %get3A_6 = arith.constant 0 : index
    %get3A_7 = arith.constant 0 : index
    %get3A_8 = vector.load %arg3[%get3A_6, %get3A_7] : memref<1x192xf32, #tpu.memory_space<vmem>>, vector<1x192xf32>
    %add3A = vector.broadcast %get3A_8 : vector<1x192xf32> to vector<8000x192xf32>
    %add3A_9 = arith.addf %dot_general3A_5, %add3A : vector<8000x192xf32>
    %slice3A = vector.extract_strided_slice %add3A_9 {offsets = [0, 0], sizes = [8000, 64], strides = [1, 1]} : vector<8000x192xf32> to vector<8000x64xf32>
    %swap3A = arith.constant 0 : index
    %swap3A_10 = arith.constant 0 : index
    %swap3A_11 = vector.load %arg4[%swap3A, %swap3A_10] : memref<8000x64xf32, #tpu.memory_space<vmem>>, vector<8000x64xf32>
    tpu.vector_store %arg4[%swap3A, %swap3A_10], %slice3A {strides = array<i32>} : memref<8000x64xf32, #tpu.memory_space<vmem>>, vector<8000x64xf32>,
    %slice3A_12 = vector.extract_strided_slice %add3A_9 {offsets = [0, 64], sizes = [8000, 64], strides = [1, 1]} : vector<8000x192xf32> to vector<8000x64xf32>
    %swap3A_13 = arith.constant 0 : index
    %swap3A_14 = arith.constant 0 : index
    %swap3A_15 = vector.load %arg5[%swap3A_13, %swap3A_14] : memref<8000x64xf32, #tpu.memory_space<vmem>>, vector<8000x64xf32>
    tpu.vector_store %arg5[%swap3A_13, %swap3A_14], %slice3A_12 {strides = array<i32>} : memref<8000x64xf32, #tpu.memory_space<vmem>>, vector<8000x64xf32>,
    %slice3A_16 = vector.extract_strided_slice %add3A_9 {offsets = [0, 128], sizes = [8000, 64], strides = [1, 1]} : vector<8000x192xf32> to vector<8000x64xf32>
    %swap3A_17 = arith.constant 0 : index
    %swap3A_18 = arith.constant 0 : index
    %swap3A_19 = vector.load %arg6[%swap3A_17, %swap3A_18] : memref<8000x64xf32, #tpu.memory_space<vmem>>, vector<8000x64xf32>
    tpu.vector_store %arg6[%swap3A_17, %swap3A_18], %slice3A_16 {strides = array<i32>} : memref<8000x64xf32, #tpu.memory_space<vmem>>, vector<8000x64xf32>,
    return
  }
  func.func @transform_0(%arg0: i32) -> (i32, i32) {
    %c0_i32 = arith.constant 0 : i32
    %c0_i32_0 = arith.constant 0 : i32
    return %arg0, %c0_i32 : i32, i32
  }
  func.func @transform_1(%arg0: i32) -> (i32, i32) {
    %c0_i32 = arith.constant 0 : i32
    %c0_i32_0 = arith.constant 0 : i32
    %c0_i32_1 = arith.constant 0 : i32
    return %c0_i32, %c0_i32_0 : i32, i32
  }
  func.func @transform_2(%arg0: i32) -> (i32, i32) {
    %c0_i32 = arith.constant 0 : i32
    %c0_i32_0 = arith.constant 0 : i32
    %c0_i32_1 = arith.constant 0 : i32
    return %c0_i32, %c0_i32_0 : i32, i32
  }
  func.func @transform_3(%arg0: i32) -> (i32, i32) {
    %c0_i32 = arith.constant 0 : i32
    %c0_i32_0 = arith.constant 0 : i32
    return %arg0, %c0_i32 : i32, i32
  }
  func.func @transform_4(%arg0: i32) -> (i32, i32) {
    %c0_i32 = arith.constant 0 : i32
    %c0_i32_0 = arith.constant 0 : i32
    return %arg0, %c0_i32 : i32, i32
  }
  func.func @transform_5(%arg0: i32) -> (i32, i32) {
    %c0_i32 = arith.constant 0 : i32
    %c0_i32_0 = arith.constant 0 : i32
    return %arg0, %c0_i32 : i32, i32
  }
}

module attributes {stable_mosaic.version = 14 : i64} {
  func.func @_mlp_body(%arg0: i32, %arg1: memref<4000x64xf32, #tpu.memory_space<vmem>>, %arg2: memref<4000x64xf32, #tpu.memory_space<vmem>>, %arg3: memref<4000x64xf32, #tpu.memory_space<vmem>>, %arg4: memref<64x64xf32, #tpu.memory_space<vmem>>, %arg5: memref<1x64xf32, #tpu.memory_space<vmem>>, %arg6: memref<64x64xf32, #tpu.memory_space<vmem>>, %arg7: memref<1x64xf32, #tpu.memory_space<vmem>>, %arg8: memref<64x128xf32, #tpu.memory_space<vmem>>, %arg9: memref<1x128xf32, #tpu.memory_space<vmem>>, %arg10: memref<4000x128xf32, #tpu.memory_space<vmem>>) attributes {dimension_semantics = [#tpu.dimension_semantics<parallel>], iteration_bounds = array<i64: 80>, scalar_prefetch = 0 : i64, scratch_operands = 0 : i64, tpu.core_type = #tpu.core_type<tc>, window_params = [{transform_indices = @transform_0, window_bounds = array<i64: 4000, 64>}, {transform_indices = @transform_1, window_bounds = array<i64: 4000, 64>}, {transform_indices = @transform_2, window_bounds = array<i64: 4000, 64>}, {pipeline_mode = #tpu.pipeline_mode<synchronous>, transform_indices = @transform_3, window_bounds = array<i64: 64, 64>}, {pipeline_mode = #tpu.pipeline_mode<synchronous>, transform_indices = @transform_4, window_bounds = array<i64: 1, 64>}, {pipeline_mode = #tpu.pipeline_mode<synchronous>, transform_indices = @transform_5, window_bounds = array<i64: 64, 64>}, {pipeline_mode = #tpu.pipeline_mode<synchronous>, transform_indices = @transform_6, window_bounds = array<i64: 1, 64>}, {pipeline_mode = #tpu.pipeline_mode<synchronous>, transform_indices = @transform_7, window_bounds = array<i64: 64, 128>}, {pipeline_mode = #tpu.pipeline_mode<synchronous>, transform_indices = @transform_8, window_bounds = array<i64: 1, 128>}, {transform_indices = @transform_9, window_bounds = array<i64: 4000, 128>}]} {
    %get3A = arith.constant 0 : index
    %get3A_0 = arith.constant 0 : index
    %get3A_1 = vector.load %arg1[%get3A, %get3A_0] : memref<4000x64xf32, #tpu.memory_space<vmem>>, vector<4000x64xf32>
    %get3A_2 = arith.constant 0 : index
    %get3A_3 = arith.constant 0 : index
    %get3A_4 = vector.load %arg2[%get3A_2, %get3A_3] : memref<4000x64xf32, #tpu.memory_space<vmem>>, vector<4000x64xf32>
    %add3A = arith.addf %get3A_1, %get3A_4 : vector<4000x64xf32>
    %get3A_5 = arith.constant 0 : index
    %get3A_6 = arith.constant 0 : index
    %get3A_7 = vector.load %arg3[%get3A_5, %get3A_6] : memref<4000x64xf32, #tpu.memory_space<vmem>>, vector<4000x64xf32>
    %add3A_8 = arith.addf %add3A, %get3A_7 : vector<4000x64xf32>
    %max3A = arith.constant 0.000000e+00 : f32
    %max3A_9 = vector.broadcast %max3A : f32 to vector<4000x64xf32>
    %max3A_10 = arith.maximumf %add3A_8, %max3A_9 : vector<4000x64xf32>
    %get3A_11 = arith.constant 0 : index
    %get3A_12 = arith.constant 0 : index
    %get3A_13 = vector.load %arg4[%get3A_11, %get3A_12] : memref<64x64xf32, #tpu.memory_space<vmem>>, vector<64x64xf32>
    %dot_general3A = arith.constant dense<0.000000e+00> : vector<4000x64xf32>
    %dot_general3A_14 = tpu.matmul %max3A_10, %get3A_13, %dot_general3A {dimension_numbers = #tpu.dot_dimension_numbers<[1], [0], [0], [1], [0, 0, 1, 1], [], []>, transpose_lhs_hint = false} : vector<4000x64xf32>, vector<64x64xf32>, vector<4000x64xf32> -> vector<4000x64xf32>
    %get3A_15 = arith.constant 0 : index
    %get3A_16 = arith.constant 0 : index
    %get3A_17 = vector.load %arg5[%get3A_15, %get3A_16] : memref<1x64xf32, #tpu.memory_space<vmem>>, vector<1x64xf32>
    %add3A_18 = vector.broadcast %get3A_17 : vector<1x64xf32> to vector<4000x64xf32>
    %add3A_19 = arith.addf %dot_general3A_14, %add3A_18 : vector<4000x64xf32>
    %max3A_20 = arith.constant 0.000000e+00 : f32
    %max3A_21 = vector.broadcast %max3A_20 : f32 to vector<4000x64xf32>
    %max3A_22 = arith.maximumf %add3A_19, %max3A_21 : vector<4000x64xf32>
    %get3A_23 = arith.constant 0 : index
    %get3A_24 = arith.constant 0 : index
    %get3A_25 = vector.load %arg6[%get3A_23, %get3A_24] : memref<64x64xf32, #tpu.memory_space<vmem>>, vector<64x64xf32>
    %dot_general3A_26 = arith.constant dense<0.000000e+00> : vector<4000x64xf32>
    %dot_general3A_27 = tpu.matmul %max3A_22, %get3A_25, %dot_general3A_26 {dimension_numbers = #tpu.dot_dimension_numbers<[1], [0], [0], [1], [0, 0, 1, 1], [], []>, transpose_lhs_hint = false} : vector<4000x64xf32>, vector<64x64xf32>, vector<4000x64xf32> -> vector<4000x64xf32>
    %get3A_28 = arith.constant 0 : index
    %get3A_29 = arith.constant 0 : index
    %get3A_30 = vector.load %arg7[%get3A_28, %get3A_29] : memref<1x64xf32, #tpu.memory_space<vmem>>, vector<1x64xf32>
    %add3A_31 = vector.broadcast %get3A_30 : vector<1x64xf32> to vector<4000x64xf32>
    %add3A_32 = arith.addf %dot_general3A_27, %add3A_31 : vector<4000x64xf32>
    %max3A_33 = arith.constant 0.000000e+00 : f32
    %max3A_34 = vector.broadcast %max3A_33 : f32 to vector<4000x64xf32>
    %max3A_35 = arith.maximumf %add3A_32, %max3A_34 : vector<4000x64xf32>
    %get3A_36 = arith.constant 0 : index
    %get3A_37 = arith.constant 0 : index
    %get3A_38 = vector.load %arg8[%get3A_36, %get3A_37] : memref<64x128xf32, #tpu.memory_space<vmem>>, vector<64x128xf32>
    %dot_general3A_39 = arith.constant dense<0.000000e+00> : vector<4000x128xf32>
    %dot_general3A_40 = tpu.matmul %max3A_35, %get3A_38, %dot_general3A_39 {dimension_numbers = #tpu.dot_dimension_numbers<[1], [0], [0], [1], [0, 0, 1, 1], [], []>, transpose_lhs_hint = false} : vector<4000x64xf32>, vector<64x128xf32>, vector<4000x128xf32> -> vector<4000x128xf32>
    %get3A_41 = arith.constant 0 : index
    %get3A_42 = arith.constant 0 : index
    %get3A_43 = vector.load %arg9[%get3A_41, %get3A_42] : memref<1x128xf32, #tpu.memory_space<vmem>>, vector<1x128xf32>
    %add3A_44 = vector.broadcast %get3A_43 : vector<1x128xf32> to vector<4000x128xf32>
    %add3A_45 = arith.addf %dot_general3A_40, %add3A_44 : vector<4000x128xf32>
    %swap3A = arith.constant 0 : index
    %swap3A_46 = arith.constant 0 : index
    %swap3A_47 = vector.load %arg10[%swap3A, %swap3A_46] : memref<4000x128xf32, #tpu.memory_space<vmem>>, vector<4000x128xf32>
    tpu.vector_store %arg10[%swap3A, %swap3A_46], %add3A_45 {strides = array<i32>} : memref<4000x128xf32, #tpu.memory_space<vmem>>, vector<4000x128xf32>,
    return
  }
  func.func @transform_0(%arg0: i32) -> (i32, i32) {
    %c0_i32 = arith.constant 0 : i32
    %c0_i32_0 = arith.constant 0 : i32
    return %arg0, %c0_i32 : i32, i32
  }
  func.func @transform_1(%arg0: i32) -> (i32, i32) {
    %c0_i32 = arith.constant 0 : i32
    %c0_i32_0 = arith.constant 0 : i32
    return %arg0, %c0_i32 : i32, i32
  }
  func.func @transform_2(%arg0: i32) -> (i32, i32) {
    %c0_i32 = arith.constant 0 : i32
    %c0_i32_0 = arith.constant 0 : i32
    return %arg0, %c0_i32 : i32, i32
  }
  func.func @transform_3(%arg0: i32) -> (i32, i32) {
    %c0_i32 = arith.constant 0 : i32
    %c0_i32_0 = arith.constant 0 : i32
    %c0_i32_1 = arith.constant 0 : i32
    return %c0_i32, %c0_i32_0 : i32, i32
  }
  func.func @transform_4(%arg0: i32) -> (i32, i32) {
    %c0_i32 = arith.constant 0 : i32
    %c0_i32_0 = arith.constant 0 : i32
    %c0_i32_1 = arith.constant 0 : i32
    return %c0_i32, %c0_i32_0 : i32, i32
  }
  func.func @transform_5(%arg0: i32) -> (i32, i32) {
    %c0_i32 = arith.constant 0 : i32
    %c0_i32_0 = arith.constant 0 : i32
    %c0_i32_1 = arith.constant 0 : i32
    return %c0_i32, %c0_i32_0 : i32, i32
  }
  func.func @transform_6(%arg0: i32) -> (i32, i32) {
    %c0_i32 = arith.constant 0 : i32
    %c0_i32_0 = arith.constant 0 : i32
    %c0_i32_1 = arith.constant 0 : i32
    return %c0_i32, %c0_i32_0 : i32, i32
  }
  func.func @transform_7(%arg0: i32) -> (i32, i32) {
    %c0_i32 = arith.constant 0 : i32
    %c0_i32_0 = arith.constant 0 : i32
    %c0_i32_1 = arith.constant 0 : i32
    return %c0_i32, %c0_i32_0 : i32, i32
  }
  func.func @transform_8(%arg0: i32) -> (i32, i32) {
    %c0_i32 = arith.constant 0 : i32
    %c0_i32_0 = arith.constant 0 : i32
    %c0_i32_1 = arith.constant 0 : i32
    return %c0_i32, %c0_i32_0 : i32, i32
  }
  func.func @transform_9(%arg0: i32) -> (i32, i32) {
    %c0_i32 = arith.constant 0 : i32
    %c0_i32_0 = arith.constant 0 : i32
    return %arg0, %c0_i32 : i32, i32
  }
}

module attributes {stable_mosaic.version = 14 : i64} {
  func.func @_comb0_body(%arg0: memref<2x10240x128xf32, #tpu.memory_space<vmem>>, %arg1: memref<2x10240x16xf32, #tpu.memory_space<vmem>>, %arg2: memref<10240x128xf32, #tpu.memory_space<vmem>>, %arg3: memref<128x64xf32, #tpu.memory_space<vmem>>, %arg4: memref<128x64xf32, #tpu.memory_space<vmem>>, %arg5: memref<128x64xf32, #tpu.memory_space<vmem>>, %arg6: memref<128x64xf32, #tpu.memory_space<vmem>>, %arg7: memref<10240x128xf32, #tpu.memory_space<vmem>>, %arg8: memref<10240x64xf32, #tpu.memory_space<vmem>>, %arg9: memref<10240x64xf32, #tpu.memory_space<vmem>>) attributes {dimension_semantics = [], scalar_prefetch = 0 : i64, scratch_operands = 0 : i64, tpu.core_type = #tpu.core_type<tc>} {
    %get3A = arith.constant 0 : index
    %get3A_0 = arith.constant 0 : index
    %get3A_1 = arith.constant 0 : index
    %get3A_2 = vector.load %arg0[%get3A, %get3A_0, %get3A_1] : memref<2x10240x128xf32, #tpu.memory_space<vmem>>, vector<1x10240x128xf32>
    %get3A_3 = vector.shape_cast %get3A_2 : vector<1x10240x128xf32> to vector<10240x128xf32>
    %get3A_4 = arith.constant 1 : index
    %get3A_5 = arith.constant 0 : index
    %get3A_6 = arith.constant 0 : index
    %get3A_7 = vector.load %arg0[%get3A_4, %get3A_5, %get3A_6] : memref<2x10240x128xf32, #tpu.memory_space<vmem>>, vector<1x10240x128xf32>
    %get3A_8 = vector.shape_cast %get3A_7 : vector<1x10240x128xf32> to vector<10240x128xf32>
    %add3A = arith.addf %get3A_3, %get3A_8 : vector<10240x128xf32>
    %get3A_9 = arith.constant 0 : index
    %get3A_10 = arith.constant 0 : index
    %get3A_11 = arith.constant 0 : index
    %get3A_12 = vector.load %arg1[%get3A_9, %get3A_10, %get3A_11] : memref<2x10240x16xf32, #tpu.memory_space<vmem>>, vector<1x10240x1xf32>
    %get3A_13 = vector.shape_cast %get3A_12 : vector<1x10240x1xf32> to vector<10240x1xf32>
    %get3A_14 = arith.constant 1 : index
    %get3A_15 = arith.constant 0 : index
    %get3A_16 = arith.constant 0 : index
    %get3A_17 = vector.load %arg1[%get3A_14, %get3A_15, %get3A_16] : memref<2x10240x16xf32, #tpu.memory_space<vmem>>, vector<1x10240x1xf32>
    %get3A_18 = vector.shape_cast %get3A_17 : vector<1x10240x1xf32> to vector<10240x1xf32>
    %add3A_19 = arith.addf %get3A_13, %get3A_18 : vector<10240x1xf32>
    %max3A = arith.constant 1.000000e+00 : f32
    %max3A_20 = vector.broadcast %max3A : f32 to vector<10240x1xf32>
    %max3A_21 = arith.maximumf %add3A_19, %max3A_20 : vector<10240x1xf32>
    %div3A = arith.constant 1.000000e+00 : f32
    %div3A_22 = vector.broadcast %div3A : f32 to vector<10240x1xf32>
    %div3A_23 = arith.divf %div3A_22, %max3A_21 : vector<10240x1xf32>
    %mul3A = vector.broadcast %div3A_23 : vector<10240x1xf32> to vector<10240x128xf32>
    %mul3A_24 = arith.mulf %add3A, %mul3A : vector<10240x128xf32>
    %swap3A = arith.constant 0 : index
    %swap3A_25 = arith.constant 0 : index
    %swap3A_26 = vector.load %arg7[%swap3A, %swap3A_25] : memref<10240x128xf32, #tpu.memory_space<vmem>>, vector<10240x128xf32>
    tpu.vector_store %arg7[%swap3A, %swap3A_25], %mul3A_24 {strides = array<i32>} : memref<10240x128xf32, #tpu.memory_space<vmem>>, vector<10240x128xf32>,
    %get3A_27 = arith.constant 0 : index
    %get3A_28 = arith.constant 0 : index
    %get3A_29 = vector.load %arg2[%get3A_27, %get3A_28] : memref<10240x128xf32, #tpu.memory_space<vmem>>, vector<10240x128xf32>
    %get3A_30 = arith.constant 0 : index
    %get3A_31 = arith.constant 0 : index
    %get3A_32 = vector.load %arg3[%get3A_30, %get3A_31] : memref<128x64xf32, #tpu.memory_space<vmem>>, vector<128x64xf32>
    %dot_general3A = arith.constant dense<0.000000e+00> : vector<10240x64xf32>
    %dot_general3A_33 = tpu.matmul %mul3A_24, %get3A_32, %dot_general3A {dimension_numbers = #tpu.dot_dimension_numbers<[1], [0], [0], [1], [0, 0, 1, 1], [], []>, transpose_lhs_hint = false} : vector<10240x128xf32>, vector<128x64xf32>, vector<10240x64xf32> -> vector<10240x64xf32>
    %get3A_34 = arith.constant 0 : index
    %get3A_35 = arith.constant 0 : index
    %get3A_36 = vector.load %arg4[%get3A_34, %get3A_35] : memref<128x64xf32, #tpu.memory_space<vmem>>, vector<128x64xf32>
    %dot_general3A_37 = arith.constant dense<0.000000e+00> : vector<10240x64xf32>
    %dot_general3A_38 = tpu.matmul %get3A_29, %get3A_36, %dot_general3A_37 {dimension_numbers = #tpu.dot_dimension_numbers<[1], [0], [0], [1], [0, 0, 1, 1], [], []>, transpose_lhs_hint = false} : vector<10240x128xf32>, vector<128x64xf32>, vector<10240x64xf32> -> vector<10240x64xf32>
    %add3A_39 = arith.addf %dot_general3A_33, %dot_general3A_38 : vector<10240x64xf32>
    %swap3A_40 = arith.constant 0 : index
    %swap3A_41 = arith.constant 0 : index
    %swap3A_42 = vector.load %arg8[%swap3A_40, %swap3A_41] : memref<10240x64xf32, #tpu.memory_space<vmem>>, vector<10240x64xf32>
    tpu.vector_store %arg8[%swap3A_40, %swap3A_41], %add3A_39 {strides = array<i32>} : memref<10240x64xf32, #tpu.memory_space<vmem>>, vector<10240x64xf32>,
    %get3A_43 = arith.constant 0 : index
    %get3A_44 = arith.constant 0 : index
    %get3A_45 = vector.load %arg5[%get3A_43, %get3A_44] : memref<128x64xf32, #tpu.memory_space<vmem>>, vector<128x64xf32>
    %dot_general3A_46 = arith.constant dense<0.000000e+00> : vector<10240x64xf32>
    %dot_general3A_47 = tpu.matmul %mul3A_24, %get3A_45, %dot_general3A_46 {dimension_numbers = #tpu.dot_dimension_numbers<[1], [0], [0], [1], [0, 0, 1, 1], [], []>, transpose_lhs_hint = false} : vector<10240x128xf32>, vector<128x64xf32>, vector<10240x64xf32> -> vector<10240x64xf32>
    %get3A_48 = arith.constant 0 : index
    %get3A_49 = arith.constant 0 : index
    %get3A_50 = vector.load %arg6[%get3A_48, %get3A_49] : memref<128x64xf32, #tpu.memory_space<vmem>>, vector<128x64xf32>
    %dot_general3A_51 = arith.constant dense<0.000000e+00> : vector<10240x64xf32>
    %dot_general3A_52 = tpu.matmul %get3A_29, %get3A_50, %dot_general3A_51 {dimension_numbers = #tpu.dot_dimension_numbers<[1], [0], [0], [1], [0, 0, 1, 1], [], []>, transpose_lhs_hint = false} : vector<10240x128xf32>, vector<128x64xf32>, vector<10240x64xf32> -> vector<10240x64xf32>
    %add3A_53 = arith.addf %dot_general3A_47, %dot_general3A_52 : vector<10240x64xf32>
    %swap3A_54 = arith.constant 0 : index
    %swap3A_55 = arith.constant 0 : index
    %swap3A_56 = vector.load %arg9[%swap3A_54, %swap3A_55] : memref<10240x64xf32, #tpu.memory_space<vmem>>, vector<10240x64xf32>
    tpu.vector_store %arg9[%swap3A_54, %swap3A_55], %add3A_53 {strides = array<i32>} : memref<10240x64xf32, #tpu.memory_space<vmem>>, vector<10240x64xf32>,
    return
  }
}

module attributes {stable_mosaic.version = 14 : i64} {
  func.func @_comb1_body(%arg0: memref<2x10240x128xf32, #tpu.memory_space<vmem>>, %arg1: memref<2x10240x16xf32, #tpu.memory_space<vmem>>, %arg2: memref<10240x128xf32, #tpu.memory_space<vmem>>, %arg3: memref<128x64xf32, #tpu.memory_space<vmem>>, %arg4: memref<128x64xf32, #tpu.memory_space<vmem>>, %arg5: memref<10240x64xf32, #tpu.memory_space<vmem>>, %arg6: memref<10240x64xf32, #tpu.memory_space<vmem>>) attributes {dimension_semantics = [], scalar_prefetch = 0 : i64, scratch_operands = 0 : i64, tpu.core_type = #tpu.core_type<tc>} {
    %get3A = arith.constant 0 : index
    %get3A_0 = arith.constant 0 : index
    %get3A_1 = arith.constant 0 : index
    %get3A_2 = vector.load %arg0[%get3A, %get3A_0, %get3A_1] : memref<2x10240x128xf32, #tpu.memory_space<vmem>>, vector<1x10240x128xf32>
    %get3A_3 = vector.shape_cast %get3A_2 : vector<1x10240x128xf32> to vector<10240x128xf32>
    %get3A_4 = arith.constant 1 : index
    %get3A_5 = arith.constant 0 : index
    %get3A_6 = arith.constant 0 : index
    %get3A_7 = vector.load %arg0[%get3A_4, %get3A_5, %get3A_6] : memref<2x10240x128xf32, #tpu.memory_space<vmem>>, vector<1x10240x128xf32>
    %get3A_8 = vector.shape_cast %get3A_7 : vector<1x10240x128xf32> to vector<10240x128xf32>
    %add3A = arith.addf %get3A_3, %get3A_8 : vector<10240x128xf32>
    %get3A_9 = arith.constant 0 : index
    %get3A_10 = arith.constant 0 : index
    %get3A_11 = arith.constant 0 : index
    %get3A_12 = vector.load %arg1[%get3A_9, %get3A_10, %get3A_11] : memref<2x10240x16xf32, #tpu.memory_space<vmem>>, vector<1x10240x1xf32>
    %get3A_13 = vector.shape_cast %get3A_12 : vector<1x10240x1xf32> to vector<10240x1xf32>
    %get3A_14 = arith.constant 1 : index
    %get3A_15 = arith.constant 0 : index
    %get3A_16 = arith.constant 0 : index
    %get3A_17 = vector.load %arg1[%get3A_14, %get3A_15, %get3A_16] : memref<2x10240x16xf32, #tpu.memory_space<vmem>>, vector<1x10240x1xf32>
    %get3A_18 = vector.shape_cast %get3A_17 : vector<1x10240x1xf32> to vector<10240x1xf32>
    %add3A_19 = arith.addf %get3A_13, %get3A_18 : vector<10240x1xf32>
    %max3A = arith.constant 1.000000e+00 : f32
    %max3A_20 = vector.broadcast %max3A : f32 to vector<10240x1xf32>
    %max3A_21 = arith.maximumf %add3A_19, %max3A_20 : vector<10240x1xf32>
    %div3A = arith.constant 1.000000e+00 : f32
    %div3A_22 = vector.broadcast %div3A : f32 to vector<10240x1xf32>
    %div3A_23 = arith.divf %div3A_22, %max3A_21 : vector<10240x1xf32>
    %mul3A = vector.broadcast %div3A_23 : vector<10240x1xf32> to vector<10240x128xf32>
    %mul3A_24 = arith.mulf %add3A, %mul3A : vector<10240x128xf32>
    %get3A_25 = arith.constant 0 : index
    %get3A_26 = arith.constant 0 : index
    %get3A_27 = vector.load %arg2[%get3A_25, %get3A_26] : memref<10240x128xf32, #tpu.memory_space<vmem>>, vector<10240x128xf32>
    %add3A_28 = arith.addf %mul3A_24, %get3A_27 : vector<10240x128xf32>
    %get3A_29 = arith.constant 0 : index
    %get3A_30 = arith.constant 0 : index
    %get3A_31 = vector.load %arg3[%get3A_29, %get3A_30] : memref<128x64xf32, #tpu.memory_space<vmem>>, vector<128x64xf32>
    %dot_general3A = arith.constant dense<0.000000e+00> : vector<10240x64xf32>
    %dot_general3A_32 = tpu.matmul %add3A_28, %get3A_31, %dot_general3A {dimension_numbers = #tpu.dot_dimension_numbers<[1], [0], [0], [1], [0, 0, 1, 1], [], []>, transpose_lhs_hint = false} : vector<10240x128xf32>, vector<128x64xf32>, vector<10240x64xf32> -> vector<10240x64xf32>
    %swap3A = arith.constant 0 : index
    %swap3A_33 = arith.constant 0 : index
    %swap3A_34 = vector.load %arg5[%swap3A, %swap3A_33] : memref<10240x64xf32, #tpu.memory_space<vmem>>, vector<10240x64xf32>
    tpu.vector_store %arg5[%swap3A, %swap3A_33], %dot_general3A_32 {strides = array<i32>} : memref<10240x64xf32, #tpu.memory_space<vmem>>, vector<10240x64xf32>,
    %get3A_35 = arith.constant 0 : index
    %get3A_36 = arith.constant 0 : index
    %get3A_37 = vector.load %arg4[%get3A_35, %get3A_36] : memref<128x64xf32, #tpu.memory_space<vmem>>, vector<128x64xf32>
    %dot_general3A_38 = arith.constant dense<0.000000e+00> : vector<10240x64xf32>
    %dot_general3A_39 = tpu.matmul %add3A_28, %get3A_37, %dot_general3A_38 {dimension_numbers = #tpu.dot_dimension_numbers<[1], [0], [0], [1], [0, 0, 1, 1], [], []>, transpose_lhs_hint = false} : vector<10240x128xf32>, vector<128x64xf32>, vector<10240x64xf32> -> vector<10240x64xf32>
    %swap3A_40 = arith.constant 0 : index
    %swap3A_41 = arith.constant 0 : index
    %swap3A_42 = vector.load %arg6[%swap3A_40, %swap3A_41] : memref<10240x64xf32, #tpu.memory_space<vmem>>, vector<10240x64xf32>
    tpu.vector_store %arg6[%swap3A_40, %swap3A_41], %dot_general3A_39 {strides = array<i32>} : memref<10240x64xf32, #tpu.memory_space<vmem>>, vector<10240x64xf32>,
    return
  }
}

module attributes {stable_mosaic.version = 14 : i64} {
  func.func @_combn_body(%arg0: memref<2x10240x128xf32, #tpu.memory_space<vmem>>, %arg1: memref<2x10240x16xf32, #tpu.memory_space<vmem>>, %arg2: memref<10240x128xf32, #tpu.memory_space<vmem>>) attributes {dimension_semantics = [], scalar_prefetch = 0 : i64, scratch_operands = 0 : i64, tpu.core_type = #tpu.core_type<tc>} {
    %get3A = arith.constant 0 : index
    %get3A_0 = arith.constant 0 : index
    %get3A_1 = arith.constant 0 : index
    %get3A_2 = vector.load %arg0[%get3A, %get3A_0, %get3A_1] : memref<2x10240x128xf32, #tpu.memory_space<vmem>>, vector<1x10240x128xf32>
    %get3A_3 = vector.shape_cast %get3A_2 : vector<1x10240x128xf32> to vector<10240x128xf32>
    %get3A_4 = arith.constant 1 : index
    %get3A_5 = arith.constant 0 : index
    %get3A_6 = arith.constant 0 : index
    %get3A_7 = vector.load %arg0[%get3A_4, %get3A_5, %get3A_6] : memref<2x10240x128xf32, #tpu.memory_space<vmem>>, vector<1x10240x128xf32>
    %get3A_8 = vector.shape_cast %get3A_7 : vector<1x10240x128xf32> to vector<10240x128xf32>
    %add3A = arith.addf %get3A_3, %get3A_8 : vector<10240x128xf32>
    %get3A_9 = arith.constant 0 : index
    %get3A_10 = arith.constant 0 : index
    %get3A_11 = arith.constant 0 : index
    %get3A_12 = vector.load %arg1[%get3A_9, %get3A_10, %get3A_11] : memref<2x10240x16xf32, #tpu.memory_space<vmem>>, vector<1x10240x1xf32>
    %get3A_13 = vector.shape_cast %get3A_12 : vector<1x10240x1xf32> to vector<10240x1xf32>
    %get3A_14 = arith.constant 1 : index
    %get3A_15 = arith.constant 0 : index
    %get3A_16 = arith.constant 0 : index
    %get3A_17 = vector.load %arg1[%get3A_14, %get3A_15, %get3A_16] : memref<2x10240x16xf32, #tpu.memory_space<vmem>>, vector<1x10240x1xf32>
    %get3A_18 = vector.shape_cast %get3A_17 : vector<1x10240x1xf32> to vector<10240x1xf32>
    %add3A_19 = arith.addf %get3A_13, %get3A_18 : vector<10240x1xf32>
    %max3A = arith.constant 1.000000e+00 : f32
    %max3A_20 = vector.broadcast %max3A : f32 to vector<10240x1xf32>
    %max3A_21 = arith.maximumf %add3A_19, %max3A_20 : vector<10240x1xf32>
    %div3A = arith.constant 1.000000e+00 : f32
    %div3A_22 = vector.broadcast %div3A : f32 to vector<10240x1xf32>
    %div3A_23 = arith.divf %div3A_22, %max3A_21 : vector<10240x1xf32>
    %mul3A = vector.broadcast %div3A_23 : vector<10240x1xf32> to vector<10240x128xf32>
    %mul3A_24 = arith.mulf %add3A, %mul3A : vector<10240x128xf32>
    %swap3A = arith.constant 0 : index
    %swap3A_25 = arith.constant 0 : index
    %swap3A_26 = vector.load %arg2[%swap3A, %swap3A_25] : memref<10240x128xf32, #tpu.memory_space<vmem>>, vector<10240x128xf32>
    tpu.vector_store %arg2[%swap3A, %swap3A_25], %mul3A_24 {strides = array<i32>} : memref<10240x128xf32, #tpu.memory_space<vmem>>, vector<10240x128xf32>,
    return
  }
}

</mosaic_0001>

<sc_bundles>
// kernel: kernel.16.cloned.1.call-start
scs
__scs_entry_jumppad:
0x0: {  	(pc) =	sbr.rel $0x88, $3  }
0x1: {  	(tag) =	ssettag $0x0;
	lr =	simm.s32 $0x1  }
0x2: {  	[smem:$0x3F86] =	sst lr;
	_ =	strace $0xD0000000  }
0x3: {  	_ = 	snop  }
0x4: {  	_ = 	snop  }
0x5: {  	_ = 	snop  }
0x6: {  	_ = 	snop  }
0x7: {  	_ = 	snop  }
__scs_overlays_trampoline_lowered:
0x8: {  	[smem:$0x3F95] =	sst s0  }
0x9: {  	[smem:$0x3F96] =	sst s1  }
0xa: {  	[smem:$0x3F97] =	sst s2  }
0xb: {  	[smem:$0x3F98] =	sst s3  }
0xc: {  	[smem:$0x3F99] =	sst s4  }
0xd: {  	[smem:$0x3F9A] =	sst s5  }
0xe: {  	[smem:$0x3F9B] =	sst s6  }
0xf: {  	[smem:$0x3F9C] =	sst s7  }
0x10: {  	[smem:$0x3F9D] =	sst s8  }
0x11: {  	[smem:$0x3F9E] =	sst s9;
	s0 =	simm.s32 @!p0 $0x0  }
0x12: {  	s1 =	sld [smem:$0x3F84];
	s0 =	simm.s32 @p0 $0x1  }
0x13: {  	[smem:$0x3F9F] =	sst s0;
	s0 =	simm.s32 @!p1 $0x0  }
0x14: {  	s2 =	sld [smem:$0x3F83];
	s0 =	simm.s32 @p1 $0x1  }
0x15: {  	[smem:$0x3FA0] =	sst s0;
	s0 =	simm.s32 @!p2 $0x0  }
0x16: {  	s3 =	sld [smem:$0x3FDB];
	s0 =	simm.s32 @p2 $0x1  }
0x17: {  	s4 =	simm.s32 $0x1BF5;
	[smem:$0x3FA2] =	sst s0  }
0x18: {  	s0 =	sld [smem:$0x3F85];
	_ =	swait.ge [sflag:s4], $0x0  }
0x19: {  	s7 =	sld [smem:$0x3F86]  }
0x1a: {  	s8 =	sadd.s32 $0xFFFFE003, lr  }
0x1b: {  	s9 =	sadd.s32 $0xFFFFFEF7, lr;
	s5 =	simm.s32 $0xFFFFFFFF;
	p2 =	slt.u32 s8, $0xFFFFF086  }
0x1c: {  	p1 =	slt.u32 s9, $0xF7A;
	s5 =	simm.s32 @!p2 $0x0  }
0x1d: {  	s5 =	simm.s32 @p1 $0x1;
	p0 =	seq.s32 s7, s2  }
0x1e: {  	s7 =	smul.u32 @!p0 $0xF7A, s2;
	p2 =	seq.s32 @!p0 s5, $0x0  }
0x1f: {  	s9 =	smul.u32 $0xF7A, s1;
	s8 =	simm.s32 @!p0 $0x1BF5;
	p2 =	por !p2, p0  }
0x20: {  	[sflag:s8] =	ssyncset.s32 @!p0 $0xFFFFF086;
	s6 =	sadd.s32 @!p0 s3, s7;
	s7 =	simm.s32 @!p0 $0x108  }
0x21: {  	s3 =	sadd.s32 s3, s9;
	s6 =	sadd.s32 @!p0 $0x88, s6;
	s7 =	simm.s32 @p2 $0x1082  }
0x22: {  	[simem:s7], [sflag:s8] =	dma.local @!p0 [hbm:s6], $0xF7A  }
0x23: {  	s9 =	sor.u32 $0xD0000000, s2;
	s6 =	simm.s32 $0x108;
	_ =	swait.ge @!p0 [sflag:s8], $0x0  }
0x24: {  	s3 =	sadd.s32 $0x88, s3;
	s6 =	simm.s32 @!p1 $0x1082;
	[sflag:s4] =	ssyncset.s32 $0xFFFFF086  }
0x25: {  	[simem:s6], [sflag:s4] =	dma.local [hbm:s3], $0xF7A  }
0x26: {  	[smem:$0x3F86] =	sst s1;
	(tag) =	ssettag s2;
	_ =	strace s9  }
0x27: {  	s1 =	sld [smem:$0x3F96]  }
0x28: {  	s2 =	sld [smem:$0x3F97]  }
0x29: {  	s4 =	sld [smem:$0x3F99]  }
0x2a: {  	p0 =	seq.s32 s5, $0x0;
	s5 =	sld [smem:$0x3F9A]  }
0x2b: {  	s6 =	sld [smem:$0x3F9B]  }
0x2c: {  	s7 =	sld [smem:$0x3F9C]  }
0x2d: {  	s3 =	simm.s32 $0x108;
	s8 =	sld [smem:$0x3F9D]  }
0x2e: {  	s3 =	simm.s32 @!p0 $0x1082;
	s9 =	sld [smem:$0x3F9E]  }
0x2f: {  	lr =	sadd.s32 s0, s3;
	s0 =	sld [smem:$0x3F95]  }
0x30: {  	s3 =	sld [smem:$0x3F98]  }
0x31: {  	[smem:$0x3FA1] =	sst s10  }
0x32: {  	s10 =	sld [smem:$0x3F9F];
	_ =	sdelay $0x3  }
0x33: {  	p0 =	seq.s32 s10, $0x1;
	s10 =	sld [smem:$0x3FA1];
	_ =	sdelay $0x3  }
0x34: {  	[smem:$0x3FA1] =	sst s10  }
0x35: {  	s10 =	sld [smem:$0x3FA0];
	_ =	sdelay $0x3  }
0x36: {  	p1 =	seq.s32 s10, $0x1;
	s10 =	sld [smem:$0x3FA1];
	_ =	sdelay $0x3  }
0x37: {  	[smem:$0x3FA1] =	sst s10  }
0x38: {  	s10 =	sld [smem:$0x3FA2]  }
0x39: {  	_ = 	snop;
	(pc) =	sbr.ind lr, $3  }
0x3a: {  	_ = 	snop  }
0x3b: {  	_ = 	snop  }
0x3c: {  	p2 =	seq.s32 s10, $0x1;
	s10 =	sld [smem:$0x3FA1]  }
0x3d: {  	_ =	shalt  }
0x3e: {  	_ =	shalt  }
0x3f: {  	_ =	shalt  }
0x40: {  	_ =	shalt  }
0x41: {  	_ =	shalt  }
0x42: {  	_ =	shalt  }
0x43: {  	_ =	shalt  }
0x44: {  	_ =	shalt  }
0x45: {  	_ =	shalt  }
0x46: {  	_ =	shalt  }
0x47: {  	_ =	shalt  }
0x48: {  	_ =	shalt  }
0x49: {  	_ =	shalt  }
0x4a: {  	_ =	shalt  }
0x4b: {  	_ =	shalt  }
0x4c: {  	_ =	shalt  }
0x4d: {  	_ =	shalt  }
0x4e: {  	_ =	shalt  }
0x4f: {  	_ =	shalt  }
0x50: {  	_ =	shalt  }
0x51: {  	_ =	shalt  }
0x52: {  	_ =	shalt  }
0x53: {  	_ =	shalt  }
0x54: {  	_ =	shalt  }
0x55: {  	_ =	shalt  }
0x56: {  	_ =	shalt  }
0x57: {  	_ =	shalt  }
0x58: {  	_ =	shalt  }
0x59: {  	_ =	shalt  }
0x5a: {  	_ =	shalt  }
0x5b: {  	_ =	shalt  }
0x5c: {  	_ =	shalt  }
0x5d: {  	_ =	shalt  }
0x5e: {  	_ =	shalt  }
0x5f: {  	_ =	shalt  }
0x60: {  	_ =	shalt  }
0x61: {  	_ =	shalt  }
0x62: {  	_ =	shalt  }
0x63: {  	_ =	shalt  }
0x64: {  	_ =	shalt  }
0x65: {  	_ =	shalt  }
0x66: {  	_ =	shalt  }
0x67: {  	_ =	shalt  }
0x68: {  	_ =	shalt  }
0x69: {  	_ =	shalt  }
0x6a: {  	_ =	shalt  }
0x6b: {  	_ =	shalt  }
0x6c: {  	_ =	shalt  }
0x6d: {  	_ =	shalt  }
0x6e: {  	_ =	shalt  }
0x6f: {  	_ =	shalt  }
0x70: {  	_ =	shalt  }
0x71: {  	_ =	shalt  }
0x72: {  	_ =	shalt  }
0x73: {  	_ =	shalt  }
0x74: {  	_ =	shalt  }
0x75: {  	_ =	shalt  }
0x76: {  	_ =	shalt  }
0x77: {  	_ =	shalt  }
0x78: {  	_ =	shalt  }
0x79: {  	_ =	shalt  }
0x7a: {  	_ =	shalt  }
0x7b: {  	_ =	shalt  }
0x7c: {  	_ =	shalt  }
0x7d: {  	_ =	shalt  }
0x7e: {  	_ =	shalt  }
0x7f: {  	_ =	shalt  }
0x80: {  	_ =	shalt  }
0x81: {  	_ =	shalt  }
0x82: {  	_ =	shalt  }
0x83: {  	_ =	shalt  }
0x84: {  	_ =	shalt  }
0x85: {  	_ =	shalt  }
0x86: {  	_ =	shalt  }
0x87: {  	_ =	shalt  }
.Lfunc_end0:
.L_simem_size_0:
called_computation_lowered:
.L_overlay_start_0:
0x88: {  	s2 =	sld [smem:$0x3FD9]  }
0x89: {  	s3 =	sld [smem:$0x3FFE];
	_ =	sdelay $0x1  }
0x8a: {  	s1 =	srdreg.scid  }
0x8b: {  	s0 =	sand.u32 $0x1, s1  }
0x8c: {  	s17 =	sshll.u32 s0, $0xA;
	s2 =	sadd.s32 s3, s2  }
0x8d: {  	s2 =	sadd.s32 s2, s17  }
0x8e: {  	[smem:$0x3FAD] =	sst s2  }
0x8f: {  	_ = 	snop  }
0x90: {  	s2 =	sld [smem:$0x3FD0];
	(tm) =	ssettm $0x1  }
0x91: {  	s18 =	sld [smem:$0x3FFB];
	_ =	sdelay $0x3  }
0x92: {  	_ =	strace s18  }
0x93: {  	s3 =	sld [smem:$0x3FFC];
	_ =	sdelay $0x3  }
0x94: {  	_ =	strace s3  }
0x95: {  	s3 =	sld [smem:$0x3FFD];
	_ =	sdelay $0x3  }
0x96: {  	_ =	strace s3  }
0x97: {  	_ =	strace $0x8FFFFFFF  }
0x98: {  	s19 =	sld [smem:$0x3FDB];
	_ =	sdelay $0x1  }
0x99: {  	s4 =	simm.s32 $_scs_section_size  }
0x9a: {  	s5 =	simm.s32 $_size__tile_overlayer_lowered;
	s6 =	simm.s32 $_tile_overlayer_lowered  }
0x9b: {  	s22 =	simm.s32 $0x1BFF;
	s21 =	sshll.u32 s6, $0x1;
	s3 =	sadd.s32 s4, s19  }
0x9c: {  	s7 =	simm.s32 $0x0;
	s20 =	sshll.u32 s5, $0x1;
	s5 =	sadd.s32 s21, s3  }
0x9d: {  	[timem:s7], [sflag:s22] =	dma.local [hbm:s5], s20  }
0x9e: {  	_ =	swait.ge [sflag:s22], s20  }
0x9f: {  	s4 =	ssub.s32 $0x0, s20;
	[sflag:s22] =	ssyncset.done $0x0  }
0xa0: {  	[sflag:s22] =	ssyncadd.s32 s4;
	_ =	sdelay $0x1  }
0xa1: {  	s23 =	simm.s32 $0x1B8B  }
0xa2: {  	_ =	swait.ge [sflag:s23], $0x1  }
0xa3: {  	[sflag:s23] =	ssyncset.done $0x0  }
0xa4: {  	s25 =	simm.s32 $0x1B8E;
	s24 =	sld [smem:$0x3FFE];
	[sflag:s23] =	ssyncadd.s32 $0xFFFFFFFF  }
0xa5: {  	s26 =	simm.s32 $execute0_lowered;
	[smem:$0x3FD2] =	sst s25  }
0xa6: {  	s5 =	sshll.u32 s26, $0x1;
	_ =	strace $0x80000046;
	[dreg:$0x1] =	wrdreg $0xFFFFFFFF  }
0xa7: {  	s28 =	simm.s32 $_size_execute0_lowered;
	s3 =	sadd.s32 s3, s5;
	[dreg:$0x0] =	wrdreg $0x0  }
0xa8: {  	s5 =	sshll.u32 s28, $0x1;
	[dreg:$0x2] =	wrdreg s3  }
0xa9: {  	[dreg:$0x3] =	wrdreg s5  }
0xaa: {  	[dreg:$0x4] =	wrdreg $0xC0  }
0xab: {  	_ =	task [dreg:s7], $0x5FFFF  }
0xac: {  	[dreg:$0x1] =	wrdreg $0xFFFFFFFF  }
0xad: {  	[dreg:$0x0] =	wrdreg $0x60  }
0xae: {  	[dreg:$0x2] =	wrdreg s24  }
0xaf: {  	[dreg:$0x3] =	wrdreg s2  }
0xb0: {  	[dreg:$0x4] =	wrdreg $0x9  }
0xb1: {  	_ =	task.clear_ibuf [dreg:s7], $0x5FFFF;
	_ =	strace $0x90000046  }
0xb2: {  	s29 =	simm.s32 $0x9;
	_ =	strace $0x80000048  }
0xb3: {  	_ =	swait.ge [sflag:s29], $0x1  }
0xb4: {  	[sflag:s29] =	ssyncadd.s32 $0xFFFFFFFF  }
0xb5: {  	_ =	strace $0x90000048  }
0xb6: {  	_ =	sfence  }
0xb7: {  	s30 =	sld [smem:$0x0];
	_ =	sdelay $0x2  }
0xb8: {  	s31 =	sshll.u32 s1, $0xD;
	s1 =	sshrl.u32 s1, $0x2  }
0xb9: {  	s3 =	sand.u32 $0x4000, s31;
	s1 =	sadd.s32 s1, s30  }
0xba: {  	s0 =	sor.u32 s3, s0;
	s1 =	sshll.u32 s1, $0x11  }
0xbb: {  	s0 =	sor.u32 s1, s0  }
0xbc: {  	s0 =	sadd.s32 $0x8F2B, s0  }
0xbd: {  	[sflag:s0] =	ssyncadd.remote.s32 $0x1  }
0xbe: {  	_ =	sfence.sel $0xFFFF  }
0xbf: {  	[dreg:$0x0] =	wrdreg $0xFFFFFFFF;
	(pc) =	sbr.abs _section_cstart, $3  }
0xc0: {  	[dreg:$0x1] =	wrdreg $0xFFFFFFFF  }
0xc1: {  	_ =	task.clear_ibuf [dreg:s7], $0x2FFFF;
	_ =	strace $0x9FFFFFFF  }
0xc2: {  	(tm) =	ssettm $0x7FFFFFFF  }
0xc3: {  	_ =	shalt  }
tec
execute0_lowered:
.L_overlay_start_1:
0x0: {  	(tag) =	ssettag $0x1  }
0x1: {  	s0 =	rddreg [dreg:$0x0]  }
0x2: {  	s1 =	rddreg [dreg:$0x1];
	s3 =	simm.s32 $0x0;
	s2 =	srdreg.scid  }
0x3: {  	s9 =	stileid.u32;
	s11 =	simm.s32 $0x3;
	s12 =	simm.s32 $0x200  }
0x4: {  	s13 =	simm.s32 $0x80;
	s14 =	simm.s32 $0x400;
	s15 =	simm.s32 $0x8400  }
0x5: {  	s16 =	simm.s32 $0x2400;
	s17 =	simm.s32 $0x280;
	s18 =	simm.s32 $0xA400  }
0x6: {  	s19 =	simm.s32 $0x100;
	s20 =	simm.s32 $0x4400;
	s21 =	simm.s32 $0x300  }
0x7: {  	s22 =	simm.s32 $0xC400;
	s28 =	simm.s32 $0x1;
	s29 =	simm.s32 $0x2  }
0x8: {  	s30 =	simm.s32 $0x0;
	[smem:$0x7FF] =	sst s3;
	s5 =	sand.u32 $0x1, s2  }
0x9: {  	s23 =	sshll.u32 s9, $0x7;
	s7 =	sshll.u32 s9, $0xD;
	s4 =	sadd.s32 $0x44C00, s0  }
0xa: {  	s24 =	sshll.u32 s9, $0x1;
	_ =	strace $0x80000047;
	s6 =	ssub.s32 $0x2, s5  }
0xb: {  	s2 =	sadd.s32 s23, s0;
	s0 =	sadd.s32 s7, s0;
	s25 =	sshll.u32 s5, $0x6  }
0xc: {  	s26 =	sshll.u32 s5, $0xC;
	s10 =	sor.u32 s5, s24;
	s23 =	simm.s32 $0x180  }
.Ltmp0:
0xd: {  	s24 =	simm.s32 $0x6400;
	s8 =	sshrl.u32 s6, $0x1;
	(pc) =	sbr.rel .LBB2_1-.Ltmp0, $4  }
0xe: {  	s2 =	sadd.s32 s25, s2;
	s0 =	sadd.s32 s26, s0;
	s25 =	simm.s32 $0x380  }
0xf: {  	s26 =	simm.s32 $0xE400;
	s6 =	ssub.s32 s6, s8;
	s31 =	sadd.s32 $0x58C00, s0  }
0x10: {  	s7 =	sadd.s32 $0x9000, s2;
	s6 =	smax.u32 s6, $0x1;
	[dreg:$0x4] =	wrdreg s31  }
0x11: {  	s0 =	sadd.s32 $0x2C9C00, s0;
	[dreg:$0x3] =	wrdreg s6;
	s6 =	sadd.s32 $0x12E00, s2  }
.LBB2_5:
0x12: {  	s30 =	sadd.s32 $0x1, s30;
	s2 =	rddreg [dreg:$0x3]  }
0x13: {  	p0 =	sne.s32 s30, s2  }
.Ltmp1:
0x14: {  	_ = 	snop;
	(pc) =	sbr.rel @!p0 .LBB2_6-.Ltmp1, $1  }
0x15: {  	_ =	sdelay $0x3  }
.LBB2_1:
.Ltmp2:
0x16: {  	(pc) =	sbr.rel .LBB2_2-.Ltmp2, $3  }
0x17: {  	_ =	sdelay $0x1  }
0x18: {  	s31 =	smov.u32 s10  }
0x19: {  	s9 =	smov.u32 s0;
	s8 =	rddreg [dreg:$0x4];
	s5 =	simm.s32 $0x0  }
.LBB2_4:
0x1a: {  	s5 =	sadd.s32 $0x800, s5  }
0x1b: {  	p0 =	sne.s32 s5, $0xA000  }
.Ltmp3:
0x1c: {  	_ = 	snop;
	(pc) =	sbr.rel @!p0 .LBB2_5-.Ltmp3, $2  }
0x1d: {  	_ =	sdelay $0x2  }
0x1e: {  	s8 =	sadd.s32 $0x20000, s8;
	s9 =	sadd.s32 $0x20000, s9;
	s31 =	sadd.s32 $0x20, s31  }
.LBB2_2:
0x1f: {  	p0 =	sgt.u32 s31, $0x270  }
.Ltmp4:
0x20: {  	_ = 	snop;
	(pc) =	sbr.rel @p0 .LBB2_4-.Ltmp4, $1  }
0x21: {  	_ =	sdelay $0x3  }
0x22: {  	s2 =	sadd.s32 s5, s7  }
0x23: {  	[tilespmem:s3], [sflag:$0x3] =	stream.linear.gather [hbm4b:s2+s3], $0x200, $0x38;
	[tilespmem:$0x10400] =	vst v63  }
0x24: {  	_ =	swait.ge [sflag:s11], $0x200  }
0x25: {  	[sflag:s11] =	ssyncset.done $0x0  }
0x26: {  	s2 =	sadd.s32 s5, s6;
	[sflag:s11] =	ssyncadd.s32 $0xFFFFFE00  }
0x27: {  	[tilespmem:s12], [sflag:$0x3] =	stream.linear.gather [hbm4b:s2+s3], $0x200, $0x38;
	[tilespmem:$0x10400] =	vst v63  }
0x28: {  	_ =	swait.ge [sflag:s11], $0x200  }
0x29: {  	[sflag:s11] =	ssyncset.done $0x0  }
0x2a: {  	[sflag:s11] =	ssyncadd.s32 $0xFFFFFE00  }
0x2b: {  	[tilespmem:s14], [sflag:$0x1] =	stream.indirect.gather [hbm4b:s1+s13], $0x40, s3, s13, $0xb8;
	[tilespmem:$0x10400] =	vst v63  }
0x2c: {  	_ = 	snop  }
0x2d: {  	[tilespmem:s15], [sflag:$0x1] =	stream.indirect.gather [hbm4b:s4+s13], $0x40, s12, s13, $0xb8;
	[tilespmem:$0x10400] =	vst v63  }
0x2e: {  	_ = 	snop  }
0x2f: {  	[tilespmem:s16], [sflag:$0x1] =	stream.indirect.gather [hbm4b:s1+s13], $0x40, s13, s13, $0xb8;
	[tilespmem:$0x10400] =	vst v63  }
0x30: {  	_ = 	snop  }
0x31: {  	[tilespmem:s18], [sflag:$0x1] =	stream.indirect.gather [hbm4b:s4+s13], $0x40, s17, s13, $0xb8;
	[tilespmem:$0x10400] =	vst v63  }
0x32: {  	_ = 	snop  }
0x33: {  	[tilespmem:s20], [sflag:$0x1] =	stream.indirect.gather [hbm4b:s1+s13], $0x40, s19, s13, $0xb8;
	[tilespmem:$0x10400] =	vst v63  }
0x34: {  	_ = 	snop  }
0x35: {  	[tilespmem:s22], [sflag:$0x1] =	stream.indirect.gather [hbm4b:s4+s13], $0x40, s21, s13, $0xb8;
	[tilespmem:$0x10400] =	vst v63  }
0x36: {  	_ = 	snop  }
0x37: {  	[tilespmem:s24], [sflag:$0x1] =	stream.indirect.gather [hbm4b:s1+s13], $0x40, s23, s13, $0xb8;
	[tilespmem:$0x10400] =	vst v63  }
0x38: {  	_ = 	snop  }
0x39: {  	[tilespmem:s26], [sflag:$0x1] =	stream.indirect.gather [hbm4b:s4+s13], $0x40, s25, s13, $0xb8;
	[tilespmem:$0x10400] =	vst v63  }
0x3a: {  	_ =	swait.ge [sflag:s28], $0x2000  }
0x3b: {  	[sflag:s28] =	ssyncset.done $0x0  }
0x3c: {  	[sflag:s28] =	ssyncadd.s32 $0xFFFFE000  }
0x3d: {  	_ =	swait.ge [sflag:s28], $0x2000  }
0x3e: {  	[sflag:s28] =	ssyncset.done $0x0  }
0x3f: {  	[sflag:s28] =	ssyncadd.s32 $0xFFFFE000  }
0x40: {  	_ =	swait.ge [sflag:s28], $0x2000  }
0x41: {  	[sflag:s28] =	ssyncset.done $0x0  }
0x42: {  	[sflag:s28] =	ssyncadd.s32 $0xFFFFE000  }
0x43: {  	_ =	swait.ge [sflag:s28], $0x2000  }
0x44: {  	[sflag:s28] =	ssyncset.done $0x0  }
0x45: {  	[sflag:s28] =	ssyncadd.s32 $0xFFFFE000  }
0x46: {  	_ =	swait.ge [sflag:s28], $0x2000  }
0x47: {  	[sflag:s28] =	ssyncset.done $0x0  }
0x48: {  	[sflag:s28] =	ssyncadd.s32 $0xFFFFE000  }
0x49: {  	_ =	swait.ge [sflag:s28], $0x2000  }
0x4a: {  	[sflag:s28] =	ssyncset.done $0x0  }
0x4b: {  	[sflag:s28] =	ssyncadd.s32 $0xFFFFE000  }
0x4c: {  	_ =	swait.ge [sflag:s28], $0x2000  }
0x4d: {  	[sflag:s28] =	ssyncset.done $0x0  }
0x4e: {  	[sflag:s28] =	ssyncadd.s32 $0xFFFFE000  }
0x4f: {  	_ =	swait.ge [sflag:s28], $0x2000  }
0x50: {  	[sflag:s28] =	ssyncset.done $0x0  }
0x51: {  	[sflag:s28] =	ssyncadd.s32 $0xFFFFE000  }
0x52: {  	[hbm4b:s9+s3] =	stream.linear.scatter [tilespmem:s14], [sflag:$0x3], $0x8000, $0x38;
	[tilespmem:$0x10400] =	vst v63  }
0x53: {  	_ =	swait.ge [sflag:s11], $0x8000  }
0x54: {  	[sflag:s11] =	ssyncset.done $0x0  }
.Ltmp5:
0x55: {  	[sflag:s11] =	ssyncadd.s32 $0xFFFF8000;
	(pc) =	sbr.rel .LBB2_4-.Ltmp5, $4  }
0x56: {  	[hbm4b:s8+s3] =	stream.linear.scatter [tilespmem:s15], [sflag:$0x2], $0x8000, $0x38;
	[tilespmem:$0x10400] =	vst v63  }
0x57: {  	_ =	swait.ge [sflag:s29], $0x8000  }
0x58: {  	[sflag:s29] =	ssyncset.done $0x0  }
0x59: {  	[sflag:s29] =	ssyncadd.s32 $0xFFFF8000  }
.LBB2_6:
0x5a: {  	_ =	sfence.sel $0x180000  }
0x5b: {  	[bflag:$0x0] =	sbarrier.arrive $0xFFFF  }
0x5c: {  	_ =	strace $0x90000047  }
0x5d: {  	s0 =	stileid.u32;
	[bflag:$0x2] =	sbarrier.arrive $0xFFFF  }
0x5e: {  	p0 =	sne.s32 s0, $0x0;
	s0 =	rddreg [dreg:$0x2]  }
0x5f: {  	s0 =	sadd.s32 @!p0 $0x100000, s0  }
0x60: {  	[sflag:s0] =	ssyncadd.tile.s32 @!p0 $0x1;
	_ =	shalt  }
.Lfunc_end2:
_tile_overlayer_lowered:
.L_overlay_start_2:
0x61: {  	(tag) =	ssettag $0x2  }
0x62: {  	s0 =	rddreg [dreg:$0x0];
	s2 =	stileid.u32  }
0x63: {  	s1 =	rddreg [dreg:$0x1];
	p0 =	sne.s32 s2, $0x0  }
0x64: {  	s3 =	rddreg [dreg:$0x2];
	[bflag:$0x3] =	sbarrier.arrive $0xFFFF;
	s2 =	simm.s32 @!p0 $0x1C02  }
0x65: {  	[timem:s3], [sflag:s2] =	dma.local @!p0 [hbm:s0], s1  }
0x66: {  	s0 =	simm.s32 @!p0 $0x2  }
0x67: {  	_ =	swait.ge @!p0 [sflag:s0], s1  }
0x68: {  	s1 =	ssub.s32 @!p0 $0x0, s1;
	[sflag:s0] =	ssyncset.done @!p0 $0x0  }
0x69: {  	[sflag:s0] =	ssyncadd.s32 @!p0 s1  }
0x6a: {  	[bflag:$0x3] =	sbarrier.arrive $0xFFFF  }
0x6b: {  	_ =	shalt  }

// kernel: kernel.19.cloned.1.call-start
scs
__scs_entry_jumppad:
0x0: {  	(pc) =	sbr.rel $0x88, $3  }
0x1: {  	(tag) =	ssettag $0x0;
	lr =	simm.s32 $0x1  }
0x2: {  	[smem:$0x3F86] =	sst lr;
	_ =	strace $0xD0000000  }
0x3: {  	_ = 	snop  }
0x4: {  	_ = 	snop  }
0x5: {  	_ = 	snop  }
0x6: {  	_ = 	snop  }
0x7: {  	_ = 	snop  }
__scs_overlays_trampoline_lowered:
0x8: {  	[smem:$0x3F95] =	sst s0  }
0x9: {  	[smem:$0x3F96] =	sst s1  }
0xa: {  	[smem:$0x3F97] =	sst s2  }
0xb: {  	[smem:$0x3F98] =	sst s3  }
0xc: {  	[smem:$0x3F99] =	sst s4  }
0xd: {  	[smem:$0x3F9A] =	sst s5  }
0xe: {  	[smem:$0x3F9B] =	sst s6  }
0xf: {  	[smem:$0x3F9C] =	sst s7  }
0x10: {  	[smem:$0x3F9D] =	sst s8  }
0x11: {  	[smem:$0x3F9E] =	sst s9;
	s0 =	simm.s32 @!p0 $0x0  }
0x12: {  	s1 =	sld [smem:$0x3F84];
	s0 =	simm.s32 @p0 $0x1  }
0x13: {  	[smem:$0x3F9F] =	sst s0;
	s0 =	simm.s32 @!p1 $0x0  }
0x14: {  	s2 =	sld [smem:$0x3F83];
	s0 =	simm.s32 @p1 $0x1  }
0x15: {  	[smem:$0x3FA0] =	sst s0;
	s0 =	simm.s32 @!p2 $0x0  }
0x16: {  	s3 =	sld [smem:$0x3FDB];
	s0 =	simm.s32 @p2 $0x1  }
0x17: {  	s4 =	simm.s32 $0x1BF5;
	[smem:$0x3FA2] =	sst s0  }
0x18: {  	s0 =	sld [smem:$0x3F85];
	_ =	swait.ge [sflag:s4], $0x0  }
0x19: {  	s7 =	sld [smem:$0x3F86]  }
0x1a: {  	s8 =	sadd.s32 $0xFFFFE003, lr  }
0x1b: {  	s9 =	sadd.s32 $0xFFFFFEF7, lr;
	s5 =	simm.s32 $0xFFFFFFFF;
	p2 =	slt.u32 s8, $0xFFFFF086  }
0x1c: {  	p1 =	slt.u32 s9, $0xF7A;
	s5 =	simm.s32 @!p2 $0x0  }
0x1d: {  	s5 =	simm.s32 @p1 $0x1;
	p0 =	seq.s32 s7, s2  }
0x1e: {  	s7 =	smul.u32 @!p0 $0xF7A, s2;
	p2 =	seq.s32 @!p0 s5, $0x0  }
0x1f: {  	s9 =	smul.u32 $0xF7A, s1;
	s8 =	simm.s32 @!p0 $0x1BF5;
	p2 =	por !p2, p0  }
0x20: {  	[sflag:s8] =	ssyncset.s32 @!p0 $0xFFFFF086;
	s6 =	sadd.s32 @!p0 s3, s7;
	s7 =	simm.s32 @!p0 $0x108  }
0x21: {  	s3 =	sadd.s32 s3, s9;
	s6 =	sadd.s32 @!p0 $0x88, s6;
	s7 =	simm.s32 @p2 $0x1082  }
0x22: {  	[simem:s7], [sflag:s8] =	dma.local @!p0 [hbm:s6], $0xF7A  }
0x23: {  	s9 =	sor.u32 $0xD0000000, s2;
	s6 =	simm.s32 $0x108;
	_ =	swait.ge @!p0 [sflag:s8], $0x0  }
0x24: {  	s3 =	sadd.s32 $0x88, s3;
	s6 =	simm.s32 @!p1 $0x1082;
	[sflag:s4] =	ssyncset.s32 $0xFFFFF086  }
0x25: {  	[simem:s6], [sflag:s4] =	dma.local [hbm:s3], $0xF7A  }
0x26: {  	[smem:$0x3F86] =	sst s1;
	(tag) =	ssettag s2;
	_ =	strace s9  }
0x27: {  	s1 =	sld [smem:$0x3F96]  }
0x28: {  	s2 =	sld [smem:$0x3F97]  }
0x29: {  	s4 =	sld [smem:$0x3F99]  }
0x2a: {  	p0 =	seq.s32 s5, $0x0;
	s5 =	sld [smem:$0x3F9A]  }
0x2b: {  	s6 =	sld [smem:$0x3F9B]  }
0x2c: {  	s7 =	sld [smem:$0x3F9C]  }
0x2d: {  	s3 =	simm.s32 $0x108;
	s8 =	sld [smem:$0x3F9D]  }
0x2e: {  	s3 =	simm.s32 @!p0 $0x1082;
	s9 =	sld [smem:$0x3F9E]  }
0x2f: {  	lr =	sadd.s32 s0, s3;
	s0 =	sld [smem:$0x3F95]  }
0x30: {  	s3 =	sld [smem:$0x3F98]  }
0x31: {  	[smem:$0x3FA1] =	sst s10  }
0x32: {  	s10 =	sld [smem:$0x3F9F];
	_ =	sdelay $0x3  }
0x33: {  	p0 =	seq.s32 s10, $0x1;
	s10 =	sld [smem:$0x3FA1];
	_ =	sdelay $0x3  }
0x34: {  	[smem:$0x3FA1] =	sst s10  }
0x35: {  	s10 =	sld [smem:$0x3FA0];
	_ =	sdelay $0x3  }
0x36: {  	p1 =	seq.s32 s10, $0x1;
	s10 =	sld [smem:$0x3FA1];
	_ =	sdelay $0x3  }
0x37: {  	[smem:$0x3FA1] =	sst s10  }
0x38: {  	s10 =	sld [smem:$0x3FA2]  }
0x39: {  	_ = 	snop;
	(pc) =	sbr.ind lr, $3  }
0x3a: {  	_ = 	snop  }
0x3b: {  	_ = 	snop  }
0x3c: {  	p2 =	seq.s32 s10, $0x1;
	s10 =	sld [smem:$0x3FA1]  }
0x3d: {  	_ =	shalt  }
0x3e: {  	_ =	shalt  }
0x3f: {  	_ =	shalt  }
0x40: {  	_ =	shalt  }
0x41: {  	_ =	shalt  }
0x42: {  	_ =	shalt  }
0x43: {  	_ =	shalt  }
0x44: {  	_ =	shalt  }
0x45: {  	_ =	shalt  }
0x46: {  	_ =	shalt  }
0x47: {  	_ =	shalt  }
0x48: {  	_ =	shalt  }
0x49: {  	_ =	shalt  }
0x4a: {  	_ =	shalt  }
0x4b: {  	_ =	shalt  }
0x4c: {  	_ =	shalt  }
0x4d: {  	_ =	shalt  }
0x4e: {  	_ =	shalt  }
0x4f: {  	_ =	shalt  }
0x50: {  	_ =	shalt  }
0x51: {  	_ =	shalt  }
0x52: {  	_ =	shalt  }
0x53: {  	_ =	shalt  }
0x54: {  	_ =	shalt  }
0x55: {  	_ =	shalt  }
0x56: {  	_ =	shalt  }
0x57: {  	_ =	shalt  }
0x58: {  	_ =	shalt  }
0x59: {  	_ =	shalt  }
0x5a: {  	_ =	shalt  }
0x5b: {  	_ =	shalt  }
0x5c: {  	_ =	shalt  }
0x5d: {  	_ =	shalt  }
0x5e: {  	_ =	shalt  }
0x5f: {  	_ =	shalt  }
0x60: {  	_ =	shalt  }
0x61: {  	_ =	shalt  }
0x62: {  	_ =	shalt  }
0x63: {  	_ =	shalt  }
0x64: {  	_ =	shalt  }
0x65: {  	_ =	shalt  }
0x66: {  	_ =	shalt  }
0x67: {  	_ =	shalt  }
0x68: {  	_ =	shalt  }
0x69: {  	_ =	shalt  }
0x6a: {  	_ =	shalt  }
0x6b: {  	_ =	shalt  }
0x6c: {  	_ =	shalt  }
0x6d: {  	_ =	shalt  }
0x6e: {  	_ =	shalt  }
0x6f: {  	_ =	shalt  }
0x70: {  	_ =	shalt  }
0x71: {  	_ =	shalt  }
0x72: {  	_ =	shalt  }
0x73: {  	_ =	shalt  }
0x74: {  	_ =	shalt  }
0x75: {  	_ =	shalt  }
0x76: {  	_ =	shalt  }
0x77: {  	_ =	shalt  }
0x78: {  	_ =	shalt  }
0x79: {  	_ =	shalt  }
0x7a: {  	_ =	shalt  }
0x7b: {  	_ =	shalt  }
0x7c: {  	_ =	shalt  }
0x7d: {  	_ =	shalt  }
0x7e: {  	_ =	shalt  }
0x7f: {  	_ =	shalt  }
0x80: {  	_ =	shalt  }
0x81: {  	_ =	shalt  }
0x82: {  	_ =	shalt  }
0x83: {  	_ =	shalt  }
0x84: {  	_ =	shalt  }
0x85: {  	_ =	shalt  }
0x86: {  	_ =	shalt  }
0x87: {  	_ =	shalt  }
.Lfunc_end0:
.L_simem_size_0:
called_computation.1_lowered:
.L_overlay_start_0:
0x88: {  	s2 =	sld [smem:$0x3FD9]  }
0x89: {  	s3 =	sld [smem:$0x3FFE];
	_ =	sdelay $0x1  }
0x8a: {  	s1 =	srdreg.scid  }
0x8b: {  	s0 =	sand.u32 $0x1, s1  }
0x8c: {  	s17 =	sshll.u32 s0, $0xA;
	s2 =	sadd.s32 s3, s2  }
0x8d: {  	s2 =	sadd.s32 s2, s17  }
0x8e: {  	[smem:$0x3FAD] =	sst s2  }
0x8f: {  	_ = 	snop  }
0x90: {  	s2 =	sld [smem:$0x3FD0];
	(tm) =	ssettm $0x1  }
0x91: {  	s18 =	sld [smem:$0x3FFB];
	_ =	sdelay $0x3  }
0x92: {  	_ =	strace s18  }
0x93: {  	s3 =	sld [smem:$0x3FFC];
	_ =	sdelay $0x3  }
0x94: {  	_ =	strace s3  }
0x95: {  	s3 =	sld [smem:$0x3FFD];
	_ =	sdelay $0x3  }
0x96: {  	_ =	strace s3  }
0x97: {  	_ =	strace $0x8FFFFFFF  }
0x98: {  	s19 =	sld [smem:$0x3FDB];
	_ =	sdelay $0x1  }
0x99: {  	s4 =	simm.s32 $_scs_section_size  }
0x9a: {  	s5 =	simm.s32 $_size__tile_overlayer_lowered;
	s6 =	simm.s32 $_tile_overlayer_lowered  }
0x9b: {  	s22 =	simm.s32 $0x1BFF;
	s21 =	sshll.u32 s6, $0x1;
	s3 =	sadd.s32 s4, s19  }
0x9c: {  	s7 =	simm.s32 $0x0;
	s20 =	sshll.u32 s5, $0x1;
	s5 =	sadd.s32 s21, s3  }
0x9d: {  	[timem:s7], [sflag:s22] =	dma.local [hbm:s5], s20  }
0x9e: {  	_ =	swait.ge [sflag:s22], s20  }
0x9f: {  	s4 =	ssub.s32 $0x0, s20;
	[sflag:s22] =	ssyncset.done $0x0  }
0xa0: {  	[sflag:s22] =	ssyncadd.s32 s4;
	_ =	sdelay $0x1  }
0xa1: {  	s23 =	simm.s32 $0x1B8B  }
0xa2: {  	_ =	swait.ge [sflag:s23], $0x1  }
0xa3: {  	[sflag:s23] =	ssyncset.done $0x0  }
0xa4: {  	s25 =	simm.s32 $0x1B8E;
	s24 =	sld [smem:$0x3FFE];
	[sflag:s23] =	ssyncadd.s32 $0xFFFFFFFF  }
0xa5: {  	s26 =	simm.s32 $execute0_lowered;
	[smem:$0x3FD2] =	sst s25  }
0xa6: {  	s5 =	sshll.u32 s26, $0x1;
	_ =	strace $0x80000049;
	[dreg:$0x1] =	wrdreg $0xFFFFFFFF  }
0xa7: {  	s28 =	simm.s32 $_size_execute0_lowered;
	s3 =	sadd.s32 s3, s5;
	[dreg:$0x0] =	wrdreg $0x0  }
0xa8: {  	s5 =	sshll.u32 s28, $0x1;
	[dreg:$0x2] =	wrdreg s3  }
0xa9: {  	[dreg:$0x3] =	wrdreg s5  }
0xaa: {  	[dreg:$0x4] =	wrdreg $0xC0  }
0xab: {  	_ =	task [dreg:s7], $0x5FFFF  }
0xac: {  	[dreg:$0x1] =	wrdreg $0xFFFFFFFF  }
0xad: {  	[dreg:$0x0] =	wrdreg $0x60  }
0xae: {  	[dreg:$0x2] =	wrdreg s24  }
0xaf: {  	[dreg:$0x3] =	wrdreg s2  }
0xb0: {  	[dreg:$0x4] =	wrdreg $0x89000  }
0xb1: {  	[dreg:$0x5] =	wrdreg $0x1C9000  }
0xb2: {  	[dreg:$0x6] =	wrdreg $0x9  }
0xb3: {  	_ =	task.clear_ibuf [dreg:s7], $0x7FFFF;
	_ =	strace $0x90000049  }
0xb4: {  	s29 =	simm.s32 $0x9;
	_ =	strace $0x8000004B  }
0xb5: {  	_ =	swait.ge [sflag:s29], $0x1  }
0xb6: {  	[sflag:s29] =	ssyncadd.s32 $0xFFFFFFFF  }
0xb7: {  	_ =	strace $0x9000004B  }
0xb8: {  	_ =	sfence  }
0xb9: {  	s30 =	sld [smem:$0x0];
	_ =	sdelay $0x2  }
0xba: {  	s31 =	sshll.u32 s1, $0xD;
	s1 =	sshrl.u32 s1, $0x2  }
0xbb: {  	s3 =	sand.u32 $0x4000, s31;
	s1 =	sadd.s32 s1, s30  }
0xbc: {  	s0 =	sor.u32 s3, s0;
	s1 =	sshll.u32 s1, $0x11  }
0xbd: {  	s0 =	sor.u32 s1, s0  }
0xbe: {  	s0 =	sadd.s32 $0x8F2B, s0  }
0xbf: {  	[sflag:s0] =	ssyncadd.remote.s32 $0x1  }
0xc0: {  	_ =	sfence.sel $0xFFFF  }
0xc1: {  	[dreg:$0x0] =	wrdreg $0xFFFFFFFF;
	(pc) =	sbr.abs _section_cstart, $3  }
0xc2: {  	[dreg:$0x1] =	wrdreg $0xFFFFFFFF  }
0xc3: {  	_ =	task.clear_ibuf [dreg:s7], $0x2FFFF;
	_ =	strace $0x9FFFFFFF  }
0xc4: {  	(tm) =	ssettm $0x7FFFFFFF  }
0xc5: {  	_ =	shalt  }
tec
execute0_lowered:
.L_overlay_start_1:
0x0: {  	(tag) =	ssettag $0x1  }
0x1: {  	s8 =	rddreg [dreg:$0x0]  }
0x2: {  	s11 =	rddreg [dreg:$0x1]  }
0x3: {  	s1 =	rddreg [dreg:$0x2]  }
0x4: {  	s3 =	rddreg [dreg:$0x3];
	s4 =	simm.s32 $0x0;
	s5 =	srdreg.scid  }
0x5: {  	s2 =	stileid.u32;
	[smem:$0x7FF] =	sst s4;
	s12 =	sand.u32 $0x1, s5  }
0x6: {  	s9 =	smul.u32 $0x14000, s2;
	s25 =	sshll.u32 s2, $0xD;
	s5 =	sadd.s32 $0x526C00, s8  }
0x7: {  	s0 =	rddreg [dreg:$0x4];
	s6 =	sadd.s32 $0x529400, s8;
	s7 =	sadd.s32 $0x529A00, s8  }
0x8: {  	s10 =	sshll.u32 s2, $0x6;
	s17 =	smul.u32 $0x2800, s2;
	_ =	strace $0x8000004A  }
0x9: {  	s13 =	smul.u32 $0x140000, s12;
	s14 =	sadd.s32 s25, s8;
	s15 =	sadd.s32 s10, s8  }
0xa: {  	s16 =	ssub.s32 $0x2, s12;
	s18 =	smul.u32 $0x28000, s12;
	s29 =	sshll.u32 s12, $0xC  }
0xb: {  	s31 =	sshll.u32 s12, $0x5;
	s26 =	sshrl.u32 s16, $0x1;
	s19 =	sadd.s32 s9, s1  }
0xc: {  	s20 =	sadd.s32 s17, s3;
	s30 =	sadd.s32 s29, s14;
	s14 =	sadd.s32 s31, s15  }
0xd: {  	s13 =	sadd.s32 s9, s13;
	s16 =	ssub.s32 s16, s26;
	s9 =	sor.u32 $0x1C02, s10  }
0xe: {  	s17 =	sadd.s32 s17, s18;
	s14 =	sadd.s32 $0x12E00, s14;
	s15 =	sshrl.u32 s19, $0x3  }
0xf: {  	s18 =	simm.s32 $0x8100;
	s19 =	simm.s32 $0x0;
	s13 =	sshrl.u32 s13, $0x3  }
0x10: {  	s28 =	sshrl.u32 s17, $0x3;
	s12 =	smax.u32 s16, $0x1;
	s16 =	simm.s32 $0x2  }
0x11: {  	s17 =	sshrl.u32 s20, $0x3;
	s13 =	sadd.s32 s13, s8;
	s8 =	sshll.u32 s2, $0x1  }
0x12: {  	s11 =	sadd.s32 s11, s28;
	s10 =	sadd.s32 $0x529C00, s13;
	s13 =	sadd.s32 $0x44C00, s30  }
.LBB2_1:
0x13: {  	[spmem:s15], [sflag:s9] =	dma.local [hbm:s5], $0x2800  }
0x14: {  	_ =	swait.ge [sflag:s16], $0x2800  }
0x15: {  	[sflag:s16] =	ssyncset.done $0x0  }
0x16: {  	[sflag:s16] =	ssyncadd.s32 $0xFFFFD800  }
0x17: {  	[spmem:s17], [sflag:s9] =	dma.local [hbm:s6], $0x500  }
0x18: {  	_ =	swait.ge [sflag:s16], $0x500  }
0x19: {  	[sflag:s16] =	ssyncset.done $0x0  }
0x1a: {  	[sflag:s16] =	ssyncadd.s32 $0xFFFFFB00  }
0x1b: {  	[tilespmem:s18], [sflag:$0x2] =	stream.linear.gather [hbm4b:s7+s4], $0x800, $0x38;
	[tilespmem:$0x1F100] =	vst v63  }
0x1c: {  	_ =	swait.ge [sflag:s16], $0x800  }
0x1d: {  	s20 =	sadd.s32 $0x0, s8;
	[sflag:s16] =	ssyncset.done $0x0  }
0x1e: {  	p0 =	sgt.u32 s20, $0x4E1;
	[sflag:s16] =	ssyncadd.s32 $0xFFFFF800  }
0x1f: {  	s20 =	simm.s32 @!p0 $0x0;
	s21 =	simm.s32 @!p0 $0x2;
	[bflag:$0x0] =	sbarrier.arrive $0xFFFF  }
0x20: {  	[tilespmem:s20], [sflag:$0x2] =	stream.linear.gather @!p0 [hbm4b:s14+s20], $0x100, $0x38;
	[tilespmem:$0x1F100] =	vst v63  }
0x21: {  	_ =	swait.ge @!p0 [sflag:s21], $0x100  }
0x22: {  	[sflag:s21] =	ssyncset.done @!p0 $0x0;
	p0 =	por p0, p0  }
0x23: {  	[sflag:s21] =	ssyncadd.s32 @!p0 $0xFFFFFF00;
	s22 =	simm.s32 @!p0 $0x100  }
0x24: {  	[tilespmem:s22], [sflag:$0x2] =	stream.linear.gather @!p0 [hbm4b:s13+s20], $0x8000, $0x38;
	[tilespmem:$0x1F100] =	vst v63  }
0x25: {  	_ =	swait.ge @!p0 [sflag:s21], $0x8000  }
0x26: {  	[sflag:s21] =	ssyncset.done @!p0 $0x0  }
0x27: {  	[sflag:s21] =	ssyncadd.s32 @!p0 $0xFFFF8000;
	s21 =	simm.s32 @!p0 $0x80  }
0x28: {  	[spmem:s1] =	stream.indirect.scatter.add.f32 @!p0 [tilespmem:s22], [sflag:$0x1], $0x80, s20, s21, $0xb8;
	[tilespmem:$0x1F100] =	vst v63  }
0x29: {  	s22 =	simm.s32 @!p0 $0x8100  }
0x2a: {  	[spmem:s3] =	stream.indirect.scatter.add.f32 @!p0 [tilespmem:s22], [sflag:$0x1], $0x10, s20, s21, $0xb8;
	[tilespmem:$0x1F100] =	vst v63  }
0x2b: {  	s20 =	simm.s32 @!p0 $0x4100  }
0x2c: {  	[spmem:s1] =	stream.indirect.scatter.add.f32 @!p0 [tilespmem:s20], [sflag:$0x1], $0x80, s21, s21, $0xb8;
	[tilespmem:$0x1F100] =	vst v63  }
0x2d: {  	s23 =	simm.s32 @!p0 $0x1  }
0x2e: {  	[spmem:s3] =	stream.indirect.scatter.add.f32 @!p0 [tilespmem:s22], [sflag:$0x1], $0x10, s21, s21, $0xb8;
	[tilespmem:$0x1F100] =	vst v63  }
0x2f: {  	_ =	swait.ge @!p0 [sflag:s23], $0x4000  }
0x30: {  	[sflag:s23] =	ssyncset.done @!p0 $0x0  }
0x31: {  	[sflag:s23] =	ssyncadd.s32 @!p0 $0xFFFFC000  }
0x32: {  	_ =	swait.ge @!p0 [sflag:s23], $0x800  }
0x33: {  	[sflag:s23] =	ssyncset.done @!p0 $0x0  }
0x34: {  	[sflag:s23] =	ssyncadd.s32 @!p0 $0xFFFFF800  }
0x35: {  	_ =	swait.ge @!p0 [sflag:s23], $0x4000  }
0x36: {  	[sflag:s23] =	ssyncset.done @!p0 $0x0  }
0x37: {  	s31 =	sadd.s32 $0x20, s8;
	[sflag:s23] =	ssyncadd.s32 @!p0 $0xFFFFC000  }
0x38: {  	p2 =	sgt.u32 s31, $0x4E1;
	s20 =	sadd.s32 $0x20000, s13;
	_ =	swait.ge @!p0 [sflag:s23], $0x800  }
0x39: {  	s22 =	simm.s32 $0x40;
	s21 =	sadd.s32 $0x400, s14;
	[sflag:s23] =	ssyncset.done @!p0 $0x0  }
.LBB2_2:
0x3a: {  	s24 =	simm.s32 @!p2 $0x0;
	s25 =	simm.s32 @!p2 $0x2;
	[sflag:s23] =	ssyncadd.s32 @!p0 $0xFFFFF800  }
0x3b: {  	[tilespmem:s24], [sflag:$0x2] =	stream.linear.gather @!p2 [hbm4b:s21+s24], $0x100, $0x38;
	[tilespmem:$0x1F100] =	vst v63  }
0x3c: {  	s26 =	smov.u32 s22;
	s22 =	sadd.s32 $0x20, s22;
	_ =	swait.ge @!p2 [sflag:s25], $0x100  }
0x3d: {  	p0 =	por p2, p2;
	p1 =	sne.s32 s22, $0x500;
	[sflag:s25] =	ssyncset.done @!p2 $0x0  }
0x3e: {  	s23 =	simm.s32 @!p0 $0x100;
	[sflag:s25] =	ssyncadd.s32 @!p0 $0xFFFFFF00  }
0x3f: {  	[tilespmem:s23], [sflag:$0x2] =	stream.linear.gather @!p0 [hbm4b:s20+s24], $0x8000, $0x38;
	[tilespmem:$0x1F100] =	vst v63  }
0x40: {  	_ =	swait.ge @!p0 [sflag:s25], $0x8000  }
0x41: {  	[sflag:s25] =	ssyncset.done @!p0 $0x0  }
0x42: {  	[sflag:s25] =	ssyncadd.s32 @!p0 $0xFFFF8000;
	s25 =	simm.s32 @!p0 $0x80  }
0x43: {  	[spmem:s1] =	stream.indirect.scatter.add.f32 @!p0 [tilespmem:s23], [sflag:$0x1], $0x80, s24, s25, $0xb8;
	[tilespmem:$0x1F100] =	vst v63  }
0x44: {  	s28 =	simm.s32 @!p0 $0x8100  }
0x45: {  	[spmem:s3] =	stream.indirect.scatter.add.f32 @!p0 [tilespmem:s28], [sflag:$0x1], $0x10, s24, s25, $0xb8;
	[tilespmem:$0x1F100] =	vst v63  }
0x46: {  	s23 =	simm.s32 @!p0 $0x4100  }
0x47: {  	[spmem:s1] =	stream.indirect.scatter.add.f32 @!p0 [tilespmem:s23], [sflag:$0x1], $0x80, s25, s25, $0xb8;
	[tilespmem:$0x1F100] =	vst v63  }
0x48: {  	s23 =	simm.s32 @!p0 $0x1  }
0x49: {  	[spmem:s3] =	stream.indirect.scatter.add.f32 @!p0 [tilespmem:s28], [sflag:$0x1], $0x10, s25, s25, $0xb8;
	[tilespmem:$0x1F100] =	vst v63  }
0x4a: {  	_ =	swait.ge @!p0 [sflag:s23], $0x4000  }
0x4b: {  	[sflag:s23] =	ssyncset.done @!p0 $0x0  }
0x4c: {  	[sflag:s23] =	ssyncadd.s32 @!p0 $0xFFFFC000  }
0x4d: {  	_ =	swait.ge @!p0 [sflag:s23], $0x800  }
0x4e: {  	[sflag:s23] =	ssyncset.done @!p0 $0x0  }
0x4f: {  	[sflag:s23] =	ssyncadd.s32 @!p0 $0xFFFFF800  }
.Ltmp0:
0x50: {  	_ =	swait.ge @!p0 [sflag:s23], $0x4000;
	(pc) =	sbr.rel @p1 .LBB2_2-.Ltmp0, $4  }
0x51: {  	[sflag:s23] =	ssyncset.done @!p0 $0x0  }
0x52: {  	[sflag:s23] =	ssyncadd.s32 @!p0 $0xFFFFC000  }
0x53: {  	s21 =	sadd.s32 $0x400, s21;
	s24 =	sadd.s32 s26, s8;
	_ =	swait.ge @!p0 [sflag:s23], $0x800  }
0x54: {  	s20 =	sadd.s32 $0x20000, s20;
	p2 =	sgt.u32 s24, $0x4E1;
	[sflag:s23] =	ssyncset.done @!p0 $0x0  }
0x55: {  	s22 =	simm.s32 @!p2 $0x0;
	s24 =	simm.s32 @!p2 $0x2;
	[sflag:s23] =	ssyncadd.s32 @!p0 $0xFFFFF800  }
0x56: {  	[tilespmem:s22], [sflag:$0x2] =	stream.linear.gather @!p2 [hbm4b:s21+s22], $0x100, $0x38;
	[tilespmem:$0x1F100] =	vst v63  }
0x57: {  	_ =	swait.ge @!p2 [sflag:s24], $0x100  }
0x58: {  	p0 =	por p2, p2;
	[sflag:s24] =	ssyncset.done @!p2 $0x0  }
0x59: {  	s21 =	simm.s32 @!p0 $0x100;
	[sflag:s24] =	ssyncadd.s32 @!p0 $0xFFFFFF00  }
0x5a: {  	[tilespmem:s21], [sflag:$0x2] =	stream.linear.gather @!p0 [hbm4b:s20+s22], $0x8000, $0x38;
	[tilespmem:$0x1F100] =	vst v63  }
0x5b: {  	_ =	swait.ge @!p0 [sflag:s24], $0x8000  }
0x5c: {  	[sflag:s24] =	ssyncset.done @!p0 $0x0  }
0x5d: {  	s20 =	simm.s32 @!p0 $0x80;
	[sflag:s24] =	ssyncadd.s32 @!p0 $0xFFFF8000  }
0x5e: {  	[spmem:s1] =	stream.indirect.scatter.add.f32 @!p0 [tilespmem:s21], [sflag:$0x1], $0x80, s22, s20, $0xb8;
	[tilespmem:$0x1F100] =	vst v63  }
0x5f: {  	s21 =	simm.s32 @!p0 $0x8100  }
0x60: {  	[spmem:s3] =	stream.indirect.scatter.add.f32 @!p0 [tilespmem:s21], [sflag:$0x1], $0x10, s22, s20, $0xb8;
	[tilespmem:$0x1F100] =	vst v63  }
0x61: {  	s22 =	simm.s32 @!p0 $0x4100  }
0x62: {  	[spmem:s1] =	stream.indirect.scatter.add.f32 @!p0 [tilespmem:s22], [sflag:$0x1], $0x80, s20, s20, $0xb8;
	[tilespmem:$0x1F100] =	vst v63  }
0x63: {  	s22 =	simm.s32 @!p0 $0x1  }
0x64: {  	[spmem:s3] =	stream.indirect.scatter.add.f32 @!p0 [tilespmem:s21], [sflag:$0x1], $0x10, s20, s20, $0xb8;
	[tilespmem:$0x1F100] =	vst v63  }
0x65: {  	_ =	swait.ge @!p0 [sflag:s22], $0x4000  }
0x66: {  	[sflag:s22] =	ssyncset.done @!p0 $0x0  }
0x67: {  	[sflag:s22] =	ssyncadd.s32 @!p0 $0xFFFFC000  }
0x68: {  	_ =	swait.ge @!p0 [sflag:s22], $0x800  }
0x69: {  	[sflag:s22] =	ssyncset.done @!p0 $0x0  }
0x6a: {  	[sflag:s22] =	ssyncadd.s32 @!p0 $0xFFFFF800  }
0x6b: {  	_ =	swait.ge @!p0 [sflag:s22], $0x4000  }
0x6c: {  	[sflag:s22] =	ssyncset.done @!p0 $0x0  }
0x6d: {  	[sflag:s22] =	ssyncadd.s32 @!p0 $0xFFFFC000  }
0x6e: {  	_ =	swait.ge @!p0 [sflag:s22], $0x800  }
0x6f: {  	[sflag:s22] =	ssyncset.done @!p0 $0x0  }
0x70: {  	[sflag:s22] =	ssyncadd.s32 @!p0 $0xFFFFF800  }
0x71: {  	[bflag:$0x0] =	sbarrier.arrive $0xFFFF  }
0x72: {  	[hbm:s10], [sflag:s9] =	dma.local [spmem:s15], $0x2800  }
0x73: {  	s19 =	sadd.s32 $0x1, s19;
	_ =	swait.ge [sflag:s16], $0x2800  }
0x74: {  	p0 =	sne.s32 s19, s12;
	[sflag:s16] =	ssyncset.done $0x0  }
.Ltmp1:
0x75: {  	[sflag:s16] =	ssyncadd.s32 $0xFFFFD800;
	(pc) =	sbr.rel @p0 .LBB2_1-.Ltmp1, $4  }
0x76: {  	[hbm:s11], [sflag:s9] =	dma.local [spmem:s17], $0x500  }
0x77: {  	_ =	swait.ge [sflag:s16], $0x500  }
0x78: {  	[sflag:s16] =	ssyncset.done $0x0  }
0x79: {  	[sflag:s16] =	ssyncadd.s32 $0xFFFFFB00  }
0x7a: {  	_ =	sfence.sel $0x180000  }
0x7b: {  	[bflag:$0x0] =	sbarrier.arrive $0xFFFF  }
0x7c: {  	p0 =	sne.s32 s2, $0x0;
	_ =	strace $0x9000004A  }
0x7d: {  	s0 =	sadd.s32 @!p0 $0x100000, s0;
	[bflag:$0x2] =	sbarrier.arrive $0xFFFF  }
0x7e: {  	[sflag:s0] =	ssyncadd.tile.s32 @!p0 $0x1;
	_ =	shalt  }
.Lfunc_end2:
_tile_overlayer_lowered:
.L_overlay_start_2:
0x7f: {  	(tag) =	ssettag $0x2  }
0x80: {  	s0 =	rddreg [dreg:$0x0];
	s2 =	stileid.u32  }
0x81: {  	s1 =	rddreg [dreg:$0x1];
	p0 =	sne.s32 s2, $0x0  }
0x82: {  	s3 =	rddreg [dreg:$0x2];
	[bflag:$0x3] =	sbarrier.arrive $0xFFFF;
	s2 =	simm.s32 @!p0 $0x1C02  }
0x83: {  	[timem:s3], [sflag:s2] =	dma.local @!p0 [hbm:s0], s1  }
0x84: {  	s0 =	simm.s32 @!p0 $0x2  }
0x85: {  	_ =	swait.ge @!p0 [sflag:s0], s1  }
0x86: {  	s1 =	ssub.s32 @!p0 $0x0, s1;
	[sflag:s0] =	ssyncset.done @!p0 $0x0  }
0x87: {  	[sflag:s0] =	ssyncadd.s32 @!p0 s1  }
0x88: {  	[bflag:$0x3] =	sbarrier.arrive $0xFFFF  }
0x89: {  	_ =	shalt  }

// kernel: kernel.22.cloned.1.call-start
scs
__scs_entry_jumppad:
0x0: {  	(pc) =	sbr.rel $0x88, $3  }
0x1: {  	(tag) =	ssettag $0x0;
	lr =	simm.s32 $0x1  }
0x2: {  	[smem:$0x3F86] =	sst lr;
	_ =	strace $0xD0000000  }
0x3: {  	_ = 	snop  }
0x4: {  	_ = 	snop  }
0x5: {  	_ = 	snop  }
0x6: {  	_ = 	snop  }
0x7: {  	_ = 	snop  }
__scs_overlays_trampoline_lowered:
0x8: {  	[smem:$0x3F95] =	sst s0  }
0x9: {  	[smem:$0x3F96] =	sst s1  }
0xa: {  	[smem:$0x3F97] =	sst s2  }
0xb: {  	[smem:$0x3F98] =	sst s3  }
0xc: {  	[smem:$0x3F99] =	sst s4  }
0xd: {  	[smem:$0x3F9A] =	sst s5  }
0xe: {  	[smem:$0x3F9B] =	sst s6  }
0xf: {  	[smem:$0x3F9C] =	sst s7  }
0x10: {  	[smem:$0x3F9D] =	sst s8  }
0x11: {  	[smem:$0x3F9E] =	sst s9;
	s0 =	simm.s32 @!p0 $0x0  }
0x12: {  	s1 =	sld [smem:$0x3F84];
	s0 =	simm.s32 @p0 $0x1  }
0x13: {  	[smem:$0x3F9F] =	sst s0;
	s0 =	simm.s32 @!p1 $0x0  }
0x14: {  	s2 =	sld [smem:$0x3F83];
	s0 =	simm.s32 @p1 $0x1  }
0x15: {  	[smem:$0x3FA0] =	sst s0;
	s0 =	simm.s32 @!p2 $0x0  }
0x16: {  	s3 =	sld [smem:$0x3FDB];
	s0 =	simm.s32 @p2 $0x1  }
0x17: {  	s4 =	simm.s32 $0x1BF5;
	[smem:$0x3FA2] =	sst s0  }
0x18: {  	s0 =	sld [smem:$0x3F85];
	_ =	swait.ge [sflag:s4], $0x0  }
0x19: {  	s7 =	sld [smem:$0x3F86]  }
0x1a: {  	s8 =	sadd.s32 $0xFFFFE003, lr  }
0x1b: {  	s9 =	sadd.s32 $0xFFFFFEF7, lr;
	s5 =	simm.s32 $0xFFFFFFFF;
	p2 =	slt.u32 s8, $0xFFFFF086  }
0x1c: {  	p1 =	slt.u32 s9, $0xF7A;
	s5 =	simm.s32 @!p2 $0x0  }
0x1d: {  	s5 =	simm.s32 @p1 $0x1;
	p0 =	seq.s32 s7, s2  }
0x1e: {  	s7 =	smul.u32 @!p0 $0xF7A, s2;
	p2 =	seq.s32 @!p0 s5, $0x0  }
0x1f: {  	s9 =	smul.u32 $0xF7A, s1;
	s8 =	simm.s32 @!p0 $0x1BF5;
	p2 =	por !p2, p0  }
0x20: {  	[sflag:s8] =	ssyncset.s32 @!p0 $0xFFFFF086;
	s6 =	sadd.s32 @!p0 s3, s7;
	s7 =	simm.s32 @!p0 $0x108  }
0x21: {  	s3 =	sadd.s32 s3, s9;
	s6 =	sadd.s32 @!p0 $0x88, s6;
	s7 =	simm.s32 @p2 $0x1082  }
0x22: {  	[simem:s7], [sflag:s8] =	dma.local @!p0 [hbm:s6], $0xF7A  }
0x23: {  	s9 =	sor.u32 $0xD0000000, s2;
	s6 =	simm.s32 $0x108;
	_ =	swait.ge @!p0 [sflag:s8], $0x0  }
0x24: {  	s3 =	sadd.s32 $0x88, s3;
	s6 =	simm.s32 @!p1 $0x1082;
	[sflag:s4] =	ssyncset.s32 $0xFFFFF086  }
0x25: {  	[simem:s6], [sflag:s4] =	dma.local [hbm:s3], $0xF7A  }
0x26: {  	[smem:$0x3F86] =	sst s1;
	(tag) =	ssettag s2;
	_ =	strace s9  }
0x27: {  	s1 =	sld [smem:$0x3F96]  }
0x28: {  	s2 =	sld [smem:$0x3F97]  }
0x29: {  	s4 =	sld [smem:$0x3F99]  }
0x2a: {  	p0 =	seq.s32 s5, $0x0;
	s5 =	sld [smem:$0x3F9A]  }
0x2b: {  	s6 =	sld [smem:$0x3F9B]  }
0x2c: {  	s7 =	sld [smem:$0x3F9C]  }
0x2d: {  	s3 =	simm.s32 $0x108;
	s8 =	sld [smem:$0x3F9D]  }
0x2e: {  	s3 =	simm.s32 @!p0 $0x1082;
	s9 =	sld [smem:$0x3F9E]  }
0x2f: {  	lr =	sadd.s32 s0, s3;
	s0 =	sld [smem:$0x3F95]  }
0x30: {  	s3 =	sld [smem:$0x3F98]  }
0x31: {  	[smem:$0x3FA1] =	sst s10  }
0x32: {  	s10 =	sld [smem:$0x3F9F];
	_ =	sdelay $0x3  }
0x33: {  	p0 =	seq.s32 s10, $0x1;
	s10 =	sld [smem:$0x3FA1];
	_ =	sdelay $0x3  }
0x34: {  	[smem:$0x3FA1] =	sst s10  }
0x35: {  	s10 =	sld [smem:$0x3FA0];
	_ =	sdelay $0x3  }
0x36: {  	p1 =	seq.s32 s10, $0x1;
	s10 =	sld [smem:$0x3FA1];
	_ =	sdelay $0x3  }
0x37: {  	[smem:$0x3FA1] =	sst s10  }
0x38: {  	s10 =	sld [smem:$0x3FA2]  }
0x39: {  	_ = 	snop;
	(pc) =	sbr.ind lr, $3  }
0x3a: {  	_ = 	snop  }
0x3b: {  	_ = 	snop  }
0x3c: {  	p2 =	seq.s32 s10, $0x1;
	s10 =	sld [smem:$0x3FA1]  }
0x3d: {  	_ =	shalt  }
0x3e: {  	_ =	shalt  }
0x3f: {  	_ =	shalt  }
0x40: {  	_ =	shalt  }
0x41: {  	_ =	shalt  }
0x42: {  	_ =	shalt  }
0x43: {  	_ =	shalt  }
0x44: {  	_ =	shalt  }
0x45: {  	_ =	shalt  }
0x46: {  	_ =	shalt  }
0x47: {  	_ =	shalt  }
0x48: {  	_ =	shalt  }
0x49: {  	_ =	shalt  }
0x4a: {  	_ =	shalt  }
0x4b: {  	_ =	shalt  }
0x4c: {  	_ =	shalt  }
0x4d: {  	_ =	shalt  }
0x4e: {  	_ =	shalt  }
0x4f: {  	_ =	shalt  }
0x50: {  	_ =	shalt  }
0x51: {  	_ =	shalt  }
0x52: {  	_ =	shalt  }
0x53: {  	_ =	shalt  }
0x54: {  	_ =	shalt  }
0x55: {  	_ =	shalt  }
0x56: {  	_ =	shalt  }
0x57: {  	_ =	shalt  }
0x58: {  	_ =	shalt  }
0x59: {  	_ =	shalt  }
0x5a: {  	_ =	shalt  }
0x5b: {  	_ =	shalt  }
0x5c: {  	_ =	shalt  }
0x5d: {  	_ =	shalt  }
0x5e: {  	_ =	shalt  }
0x5f: {  	_ =	shalt  }
0x60: {  	_ =	shalt  }
0x61: {  	_ =	shalt  }
0x62: {  	_ =	shalt  }
0x63: {  	_ =	shalt  }
0x64: {  	_ =	shalt  }
0x65: {  	_ =	shalt  }
0x66: {  	_ =	shalt  }
0x67: {  	_ =	shalt  }
0x68: {  	_ =	shalt  }
0x69: {  	_ =	shalt  }
0x6a: {  	_ =	shalt  }
0x6b: {  	_ =	shalt  }
0x6c: {  	_ =	shalt  }
0x6d: {  	_ =	shalt  }
0x6e: {  	_ =	shalt  }
0x6f: {  	_ =	shalt  }
0x70: {  	_ =	shalt  }
0x71: {  	_ =	shalt  }
0x72: {  	_ =	shalt  }
0x73: {  	_ =	shalt  }
0x74: {  	_ =	shalt  }
0x75: {  	_ =	shalt  }
0x76: {  	_ =	shalt  }
0x77: {  	_ =	shalt  }
0x78: {  	_ =	shalt  }
0x79: {  	_ =	shalt  }
0x7a: {  	_ =	shalt  }
0x7b: {  	_ =	shalt  }
0x7c: {  	_ =	shalt  }
0x7d: {  	_ =	shalt  }
0x7e: {  	_ =	shalt  }
0x7f: {  	_ =	shalt  }
0x80: {  	_ =	shalt  }
0x81: {  	_ =	shalt  }
0x82: {  	_ =	shalt  }
0x83: {  	_ =	shalt  }
0x84: {  	_ =	shalt  }
0x85: {  	_ =	shalt  }
0x86: {  	_ =	shalt  }
0x87: {  	_ =	shalt  }
.Lfunc_end0:
.L_simem_size_0:
called_computation.2_lowered:
.L_overlay_start_0:
0x88: {  	s2 =	sld [smem:$0x3FD9]  }
0x89: {  	s3 =	sld [smem:$0x3FFE];
	_ =	sdelay $0x1  }
0x8a: {  	s1 =	srdreg.scid  }
0x8b: {  	s0 =	sand.u32 $0x1, s1  }
0x8c: {  	s17 =	sshll.u32 s0, $0xA;
	s2 =	sadd.s32 s3, s2  }
0x8d: {  	s2 =	sadd.s32 s2, s17  }
0x8e: {  	[smem:$0x3FAD] =	sst s2  }
0x8f: {  	_ = 	snop  }
0x90: {  	s2 =	sld [smem:$0x3FD0];
	(tm) =	ssettm $0x1  }
0x91: {  	s18 =	sld [smem:$0x3FFB];
	_ =	sdelay $0x3  }
0x92: {  	_ =	strace s18  }
0x93: {  	s3 =	sld [smem:$0x3FFC];
	_ =	sdelay $0x3  }
0x94: {  	_ =	strace s3  }
0x95: {  	s3 =	sld [smem:$0x3FFD];
	_ =	sdelay $0x3  }
0x96: {  	_ =	strace s3  }
0x97: {  	_ =	strace $0x8FFFFFFF  }
0x98: {  	s19 =	sld [smem:$0x3FDB];
	_ =	sdelay $0x1  }
0x99: {  	s4 =	simm.s32 $_scs_section_size  }
0x9a: {  	s5 =	simm.s32 $_size__tile_overlayer_lowered;
	s6 =	simm.s32 $_tile_overlayer_lowered  }
0x9b: {  	s22 =	simm.s32 $0x1BFF;
	s21 =	sshll.u32 s6, $0x1;
	s3 =	sadd.s32 s4, s19  }
0x9c: {  	s7 =	simm.s32 $0x0;
	s20 =	sshll.u32 s5, $0x1;
	s5 =	sadd.s32 s21, s3  }
0x9d: {  	[timem:s7], [sflag:s22] =	dma.local [hbm:s5], s20  }
0x9e: {  	_ =	swait.ge [sflag:s22], s20  }
0x9f: {  	s4 =	ssub.s32 $0x0, s20;
	[sflag:s22] =	ssyncset.done $0x0  }
0xa0: {  	[sflag:s22] =	ssyncadd.s32 s4;
	_ =	sdelay $0x1  }
0xa1: {  	s23 =	simm.s32 $0x1B8B  }
0xa2: {  	_ =	swait.ge [sflag:s23], $0x1  }
0xa3: {  	[sflag:s23] =	ssyncset.done $0x0  }
0xa4: {  	s25 =	simm.s32 $0x1B8E;
	s24 =	sld [smem:$0x3FFE];
	[sflag:s23] =	ssyncadd.s32 $0xFFFFFFFF  }
0xa5: {  	s26 =	simm.s32 $execute0_lowered;
	[smem:$0x3FD2] =	sst s25  }
0xa6: {  	s5 =	sshll.u32 s26, $0x1;
	_ =	strace $0x8000004C;
	[dreg:$0x1] =	wrdreg $0xFFFFFFFF  }
0xa7: {  	s28 =	simm.s32 $_size_execute0_lowered;
	s3 =	sadd.s32 s3, s5;
	[dreg:$0x0] =	wrdreg $0x0  }
0xa8: {  	s5 =	sshll.u32 s28, $0x1;
	[dreg:$0x2] =	wrdreg s3  }
0xa9: {  	[dreg:$0x3] =	wrdreg s5  }
0xaa: {  	[dreg:$0x4] =	wrdreg $0xC0  }
0xab: {  	_ =	task [dreg:s7], $0x5FFFF  }
0xac: {  	[dreg:$0x1] =	wrdreg $0xFFFFFFFF  }
0xad: {  	[dreg:$0x0] =	wrdreg $0x60  }
0xae: {  	[dreg:$0x2] =	wrdreg s24  }
0xaf: {  	[dreg:$0x3] =	wrdreg s2  }
0xb0: {  	[dreg:$0x4] =	wrdreg $0x9  }
0xb1: {  	_ =	task.clear_ibuf [dreg:s7], $0x5FFFF;
	_ =	strace $0x9000004C  }
0xb2: {  	s29 =	simm.s32 $0x9;
	_ =	strace $0x8000004E  }
0xb3: {  	_ =	swait.ge [sflag:s29], $0x1  }
0xb4: {  	[sflag:s29] =	ssyncadd.s32 $0xFFFFFFFF  }
0xb5: {  	_ =	strace $0x9000004E  }
0xb6: {  	_ =	sfence  }
0xb7: {  	s30 =	sld [smem:$0x0];
	_ =	sdelay $0x2  }
0xb8: {  	s31 =	sshll.u32 s1, $0xD;
	s1 =	sshrl.u32 s1, $0x2  }
0xb9: {  	s3 =	sand.u32 $0x4000, s31;
	s1 =	sadd.s32 s1, s30  }
0xba: {  	s0 =	sor.u32 s3, s0;
	s1 =	sshll.u32 s1, $0x11  }
0xbb: {  	s0 =	sor.u32 s1, s0  }
0xbc: {  	s0 =	sadd.s32 $0x8F2B, s0  }
0xbd: {  	[sflag:s0] =	ssyncadd.remote.s32 $0x1  }
0xbe: {  	_ =	sfence.sel $0xFFFF  }
0xbf: {  	[dreg:$0x0] =	wrdreg $0xFFFFFFFF;
	(pc) =	sbr.abs _section_cstart, $3  }
0xc0: {  	[dreg:$0x1] =	wrdreg $0xFFFFFFFF  }
0xc1: {  	_ =	task.clear_ibuf [dreg:s7], $0x2FFFF;
	_ =	strace $0x9FFFFFFF  }
0xc2: {  	(tm) =	ssettm $0x7FFFFFFF  }
0xc3: {  	_ =	shalt  }
tec
execute0_lowered:
.L_overlay_start_1:
0x0: {  	(tag) =	ssettag $0x1  }
0x1: {  	s0 =	rddreg [dreg:$0x0]  }
0x2: {  	s1 =	rddreg [dreg:$0x1];
	s3 =	simm.s32 $0x0;
	s2 =	srdreg.scid  }
0x3: {  	s9 =	stileid.u32;
	s11 =	simm.s32 $0x3;
	s12 =	simm.s32 $0x200  }
0x4: {  	s13 =	simm.s32 $0x80;
	s14 =	simm.s32 $0x400;
	s15 =	simm.s32 $0x8400  }
0x5: {  	s16 =	simm.s32 $0x2400;
	s17 =	simm.s32 $0x280;
	s18 =	simm.s32 $0xA400  }
0x6: {  	s19 =	simm.s32 $0x100;
	s20 =	simm.s32 $0x4400;
	s21 =	simm.s32 $0x300  }
0x7: {  	s22 =	simm.s32 $0xC400;
	s28 =	simm.s32 $0x1;
	s29 =	simm.s32 $0x2  }
0x8: {  	s30 =	simm.s32 $0x0;
	[smem:$0x7FF] =	sst s3;
	s5 =	sand.u32 $0x1, s2  }
0x9: {  	s23 =	sshll.u32 s9, $0x7;
	s7 =	sshll.u32 s9, $0xD;
	s4 =	sadd.s32 $0x94C00, s0  }
0xa: {  	s24 =	sshll.u32 s9, $0x1;
	_ =	strace $0x8000004D;
	s6 =	ssub.s32 $0x2, s5  }
0xb: {  	s2 =	sadd.s32 s23, s0;
	s0 =	sadd.s32 s7, s0;
	s25 =	sshll.u32 s5, $0x6  }
0xc: {  	s26 =	sshll.u32 s5, $0xC;
	s10 =	sor.u32 s5, s24;
	s23 =	simm.s32 $0x180  }
.Ltmp0:
0xd: {  	s24 =	simm.s32 $0x6400;
	s8 =	sshrl.u32 s6, $0x1;
	(pc) =	sbr.rel .LBB2_1-.Ltmp0, $4  }
0xe: {  	s2 =	sadd.s32 s25, s2;
	s0 =	sadd.s32 s26, s0;
	s25 =	simm.s32 $0x380  }
0xf: {  	s26 =	simm.s32 $0xE400;
	s6 =	ssub.s32 s6, s8;
	s31 =	sadd.s32 $0xA8C00, s0  }
0x10: {  	s7 =	sadd.s32 $0x9000, s2;
	s6 =	smax.u32 s6, $0x1;
	[dreg:$0x4] =	wrdreg s31  }
0x11: {  	s0 =	sadd.s32 $0x529C00, s0;
	[dreg:$0x3] =	wrdreg s6;
	s6 =	sadd.s32 $0x12E00, s2  }
.LBB2_5:
0x12: {  	s30 =	sadd.s32 $0x1, s30;
	s2 =	rddreg [dreg:$0x3]  }
0x13: {  	p0 =	sne.s32 s30, s2  }
.Ltmp1:
0x14: {  	_ = 	snop;
	(pc) =	sbr.rel @!p0 .LBB2_6-.Ltmp1, $1  }
0x15: {  	_ =	sdelay $0x3  }
.LBB2_1:
.Ltmp2:
0x16: {  	(pc) =	sbr.rel .LBB2_2-.Ltmp2, $3  }
0x17: {  	_ =	sdelay $0x1  }
0x18: {  	s31 =	smov.u32 s10  }
0x19: {  	s9 =	smov.u32 s0;
	s8 =	rddreg [dreg:$0x4];
	s5 =	simm.s32 $0x0  }
.LBB2_4:
0x1a: {  	s5 =	sadd.s32 $0x800, s5  }
0x1b: {  	p0 =	sne.s32 s5, $0xA000  }
.Ltmp3:
0x1c: {  	_ = 	snop;
	(pc) =	sbr.rel @!p0 .LBB2_5-.Ltmp3, $2  }
0x1d: {  	_ =	sdelay $0x2  }
0x1e: {  	s8 =	sadd.s32 $0x20000, s8;
	s9 =	sadd.s32 $0x20000, s9;
	s31 =	sadd.s32 $0x20, s31  }
.LBB2_2:
0x1f: {  	p0 =	sgt.u32 s31, $0x270  }
.Ltmp4:
0x20: {  	_ = 	snop;
	(pc) =	sbr.rel @p0 .LBB2_4-.Ltmp4, $1  }
0x21: {  	_ =	sdelay $0x3  }
0x22: {  	s2 =	sadd.s32 s5, s7  }
0x23: {  	[tilespmem:s3], [sflag:$0x3] =	stream.linear.gather [hbm4b:s2+s3], $0x200, $0x38;
	[tilespmem:$0x10400] =	vst v63  }
0x24: {  	_ =	swait.ge [sflag:s11], $0x200  }
0x25: {  	[sflag:s11] =	ssyncset.done $0x0  }
0x26: {  	s2 =	sadd.s32 s5, s6;
	[sflag:s11] =	ssyncadd.s32 $0xFFFFFE00  }
0x27: {  	[tilespmem:s12], [sflag:$0x3] =	stream.linear.gather [hbm4b:s2+s3], $0x200, $0x38;
	[tilespmem:$0x10400] =	vst v63  }
0x28: {  	_ =	swait.ge [sflag:s11], $0x200  }
0x29: {  	[sflag:s11] =	ssyncset.done $0x0  }
0x2a: {  	[sflag:s11] =	ssyncadd.s32 $0xFFFFFE00  }
0x2b: {  	[tilespmem:s14], [sflag:$0x1] =	stream.indirect.gather [hbm4b:s1+s13], $0x40, s3, s13, $0xb8;
	[tilespmem:$0x10400] =	vst v63  }
0x2c: {  	_ = 	snop  }
0x2d: {  	[tilespmem:s15], [sflag:$0x1] =	stream.indirect.gather [hbm4b:s4+s13], $0x40, s12, s13, $0xb8;
	[tilespmem:$0x10400] =	vst v63  }
0x2e: {  	_ = 	snop  }
0x2f: {  	[tilespmem:s16], [sflag:$0x1] =	stream.indirect.gather [hbm4b:s1+s13], $0x40, s13, s13, $0xb8;
	[tilespmem:$0x10400] =	vst v63  }
0x30: {  	_ = 	snop  }
0x31: {  	[tilespmem:s18], [sflag:$0x1] =	stream.indirect.gather [hbm4b:s4+s13], $0x40, s17, s13, $0xb8;
	[tilespmem:$0x10400] =	vst v63  }
0x32: {  	_ = 	snop  }
0x33: {  	[tilespmem:s20], [sflag:$0x1] =	stream.indirect.gather [hbm4b:s1+s13], $0x40, s19, s13, $0xb8;
	[tilespmem:$0x10400] =	vst v63  }
0x34: {  	_ = 	snop  }
0x35: {  	[tilespmem:s22], [sflag:$0x1] =	stream.indirect.gather [hbm4b:s4+s13], $0x40, s21, s13, $0xb8;
	[tilespmem:$0x10400] =	vst v63  }
0x36: {  	_ = 	snop  }
0x37: {  	[tilespmem:s24], [sflag:$0x1] =	stream.indirect.gather [hbm4b:s1+s13], $0x40, s23, s13, $0xb8;
	[tilespmem:$0x10400] =	vst v63  }
0x38: {  	_ = 	snop  }
0x39: {  	[tilespmem:s26], [sflag:$0x1] =	stream.indirect.gather [hbm4b:s4+s13], $0x40, s25, s13, $0xb8;
	[tilespmem:$0x10400] =	vst v63  }
0x3a: {  	_ =	swait.ge [sflag:s28], $0x2000  }
0x3b: {  	[sflag:s28] =	ssyncset.done $0x0  }
0x3c: {  	[sflag:s28] =	ssyncadd.s32 $0xFFFFE000  }
0x3d: {  	_ =	swait.ge [sflag:s28], $0x2000  }
0x3e: {  	[sflag:s28] =	ssyncset.done $0x0  }
0x3f: {  	[sflag:s28] =	ssyncadd.s32 $0xFFFFE000  }
0x40: {  	_ =	swait.ge [sflag:s28], $0x2000  }
0x41: {  	[sflag:s28] =	ssyncset.done $0x0  }
0x42: {  	[sflag:s28] =	ssyncadd.s32 $0xFFFFE000  }
0x43: {  	_ =	swait.ge [sflag:s28], $0x2000  }
0x44: {  	[sflag:s28] =	ssyncset.done $0x0  }
0x45: {  	[sflag:s28] =	ssyncadd.s32 $0xFFFFE000  }
0x46: {  	_ =	swait.ge [sflag:s28], $0x2000  }
0x47: {  	[sflag:s28] =	ssyncset.done $0x0  }
0x48: {  	[sflag:s28] =	ssyncadd.s32 $0xFFFFE000  }
0x49: {  	_ =	swait.ge [sflag:s28], $0x2000  }
0x4a: {  	[sflag:s28] =	ssyncset.done $0x0  }
0x4b: {  	[sflag:s28] =	ssyncadd.s32 $0xFFFFE000  }
0x4c: {  	_ =	swait.ge [sflag:s28], $0x2000  }
0x4d: {  	[sflag:s28] =	ssyncset.done $0x0  }
0x4e: {  	[sflag:s28] =	ssyncadd.s32 $0xFFFFE000  }
0x4f: {  	_ =	swait.ge [sflag:s28], $0x2000  }
0x50: {  	[sflag:s28] =	ssyncset.done $0x0  }
0x51: {  	[sflag:s28] =	ssyncadd.s32 $0xFFFFE000  }
0x52: {  	[hbm4b:s9+s3] =	stream.linear.scatter [tilespmem:s14], [sflag:$0x3], $0x8000, $0x38;
	[tilespmem:$0x10400] =	vst v63  }
0x53: {  	_ =	swait.ge [sflag:s11], $0x8000  }
0x54: {  	[sflag:s11] =	ssyncset.done $0x0  }
.Ltmp5:
0x55: {  	[sflag:s11] =	ssyncadd.s32 $0xFFFF8000;
	(pc) =	sbr.rel .LBB2_4-.Ltmp5, $4  }
0x56: {  	[hbm4b:s8+s3] =	stream.linear.scatter [tilespmem:s15], [sflag:$0x2], $0x8000, $0x38;
	[tilespmem:$0x10400] =	vst v63  }
0x57: {  	_ =	swait.ge [sflag:s29], $0x8000  }
0x58: {  	[sflag:s29] =	ssyncset.done $0x0  }
0x59: {  	[sflag:s29] =	ssyncadd.s32 $0xFFFF8000  }
.LBB2_6:
0x5a: {  	_ =	sfence.sel $0x180000  }
0x5b: {  	[bflag:$0x0] =	sbarrier.arrive $0xFFFF  }
0x5c: {  	_ =	strace $0x9000004D  }
0x5d: {  	s0 =	stileid.u32;
	[bflag:$0x2] =	sbarrier.arrive $0xFFFF  }
0x5e: {  	p0 =	sne.s32 s0, $0x0;
	s0 =	rddreg [dreg:$0x2]  }
0x5f: {  	s0 =	sadd.s32 @!p0 $0x100000, s0  }
0x60: {  	[sflag:s0] =	ssyncadd.tile.s32 @!p0 $0x1;
	_ =	shalt  }
.Lfunc_end2:
_tile_overlayer_lowered:
.L_overlay_start_2:
0x61: {  	(tag) =	ssettag $0x2  }
0x62: {  	s0 =	rddreg [dreg:$0x0];
	s2 =	stileid.u32  }
0x63: {  	s1 =	rddreg [dreg:$0x1];
	p0 =	sne.s32 s2, $0x0  }
0x64: {  	s3 =	rddreg [dreg:$0x2];
	[bflag:$0x3] =	sbarrier.arrive $0xFFFF;
	s2 =	simm.s32 @!p0 $0x1C02  }
0x65: {  	[timem:s3], [sflag:s2] =	dma.local @!p0 [hbm:s0], s1  }
0x66: {  	s0 =	simm.s32 @!p0 $0x2  }
0x67: {  	_ =	swait.ge @!p0 [sflag:s0], s1  }
0x68: {  	s1 =	ssub.s32 @!p0 $0x0, s1;
	[sflag:s0] =	ssyncset.done @!p0 $0x0  }
0x69: {  	[sflag:s0] =	ssyncadd.s32 @!p0 s1  }
0x6a: {  	[bflag:$0x3] =	sbarrier.arrive $0xFFFF  }
0x6b: {  	_ =	shalt  }

// kernel: kernel.25.cloned.1.call-start
scs
__scs_entry_jumppad:
0x0: {  	(pc) =	sbr.rel $0x88, $3  }
0x1: {  	(tag) =	ssettag $0x0;
	lr =	simm.s32 $0x1  }
0x2: {  	[smem:$0x3F86] =	sst lr;
	_ =	strace $0xD0000000  }
0x3: {  	_ = 	snop  }
0x4: {  	_ = 	snop  }
0x5: {  	_ = 	snop  }
0x6: {  	_ = 	snop  }
0x7: {  	_ = 	snop  }
__scs_overlays_trampoline_lowered:
0x8: {  	[smem:$0x3F95] =	sst s0  }
0x9: {  	[smem:$0x3F96] =	sst s1  }
0xa: {  	[smem:$0x3F97] =	sst s2  }
0xb: {  	[smem:$0x3F98] =	sst s3  }
0xc: {  	[smem:$0x3F99] =	sst s4  }
0xd: {  	[smem:$0x3F9A] =	sst s5  }
0xe: {  	[smem:$0x3F9B] =	sst s6  }
0xf: {  	[smem:$0x3F9C] =	sst s7  }
0x10: {  	[smem:$0x3F9D] =	sst s8  }
0x11: {  	[smem:$0x3F9E] =	sst s9;
	s0 =	simm.s32 @!p0 $0x0  }
0x12: {  	s1 =	sld [smem:$0x3F84];
	s0 =	simm.s32 @p0 $0x1  }
0x13: {  	[smem:$0x3F9F] =	sst s0;
	s0 =	simm.s32 @!p1 $0x0  }
0x14: {  	s2 =	sld [smem:$0x3F83];
	s0 =	simm.s32 @p1 $0x1  }
0x15: {  	[smem:$0x3FA0] =	sst s0;
	s0 =	simm.s32 @!p2 $0x0  }
0x16: {  	s3 =	sld [smem:$0x3FDB];
	s0 =	simm.s32 @p2 $0x1  }
0x17: {  	s4 =	simm.s32 $0x1BF5;
	[smem:$0x3FA2] =	sst s0  }
0x18: {  	s0 =	sld [smem:$0x3F85];
	_ =	swait.ge [sflag:s4], $0x0  }
0x19: {  	s7 =	sld [smem:$0x3F86]  }
0x1a: {  	s8 =	sadd.s32 $0xFFFFE003, lr  }
0x1b: {  	s9 =	sadd.s32 $0xFFFFFEF7, lr;
	s5 =	simm.s32 $0xFFFFFFFF;
	p2 =	slt.u32 s8, $0xFFFFF086  }
0x1c: {  	p1 =	slt.u32 s9, $0xF7A;
	s5 =	simm.s32 @!p2 $0x0  }
0x1d: {  	s5 =	simm.s32 @p1 $0x1;
	p0 =	seq.s32 s7, s2  }
0x1e: {  	s7 =	smul.u32 @!p0 $0xF7A, s2;
	p2 =	seq.s32 @!p0 s5, $0x0  }
0x1f: {  	s9 =	smul.u32 $0xF7A, s1;
	s8 =	simm.s32 @!p0 $0x1BF5;
	p2 =	por !p2, p0  }
0x20: {  	[sflag:s8] =	ssyncset.s32 @!p0 $0xFFFFF086;
	s6 =	sadd.s32 @!p0 s3, s7;
	s7 =	simm.s32 @!p0 $0x108  }
0x21: {  	s3 =	sadd.s32 s3, s9;
	s6 =	sadd.s32 @!p0 $0x88, s6;
	s7 =	simm.s32 @p2 $0x1082  }
0x22: {  	[simem:s7], [sflag:s8] =	dma.local @!p0 [hbm:s6], $0xF7A  }
0x23: {  	s9 =	sor.u32 $0xD0000000, s2;
	s6 =	simm.s32 $0x108;
	_ =	swait.ge @!p0 [sflag:s8], $0x0  }
0x24: {  	s3 =	sadd.s32 $0x88, s3;
	s6 =	simm.s32 @!p1 $0x1082;
	[sflag:s4] =	ssyncset.s32 $0xFFFFF086  }
0x25: {  	[simem:s6], [sflag:s4] =	dma.local [hbm:s3], $0xF7A  }
0x26: {  	[smem:$0x3F86] =	sst s1;
	(tag) =	ssettag s2;
	_ =	strace s9  }
0x27: {  	s1 =	sld [smem:$0x3F96]  }
0x28: {  	s2 =	sld [smem:$0x3F97]  }
0x29: {  	s4 =	sld [smem:$0x3F99]  }
0x2a: {  	p0 =	seq.s32 s5, $0x0;
	s5 =	sld [smem:$0x3F9A]  }
0x2b: {  	s6 =	sld [smem:$0x3F9B]  }
0x2c: {  	s7 =	sld [smem:$0x3F9C]  }
0x2d: {  	s3 =	simm.s32 $0x108;
	s8 =	sld [smem:$0x3F9D]  }
0x2e: {  	s3 =	simm.s32 @!p0 $0x1082;
	s9 =	sld [smem:$0x3F9E]  }
0x2f: {  	lr =	sadd.s32 s0, s3;
	s0 =	sld [smem:$0x3F95]  }
0x30: {  	s3 =	sld [smem:$0x3F98]  }
0x31: {  	[smem:$0x3FA1] =	sst s10  }
0x32: {  	s10 =	sld [smem:$0x3F9F];
	_ =	sdelay $0x3  }
0x33: {  	p0 =	seq.s32 s10, $0x1;
	s10 =	sld [smem:$0x3FA1];
	_ =	sdelay $0x3  }
0x34: {  	[smem:$0x3FA1] =	sst s10  }
0x35: {  	s10 =	sld [smem:$0x3FA0];
	_ =	sdelay $0x3  }
0x36: {  	p1 =	seq.s32 s10, $0x1;
	s10 =	sld [smem:$0x3FA1];
	_ =	sdelay $0x3  }
0x37: {  	[smem:$0x3FA1] =	sst s10  }
0x38: {  	s10 =	sld [smem:$0x3FA2]  }
0x39: {  	_ = 	snop;
	(pc) =	sbr.ind lr, $3  }
0x3a: {  	_ = 	snop  }
0x3b: {  	_ = 	snop  }
0x3c: {  	p2 =	seq.s32 s10, $0x1;
	s10 =	sld [smem:$0x3FA1]  }
0x3d: {  	_ =	shalt  }
0x3e: {  	_ =	shalt  }
0x3f: {  	_ =	shalt  }
0x40: {  	_ =	shalt  }
0x41: {  	_ =	shalt  }
0x42: {  	_ =	shalt  }
0x43: {  	_ =	shalt  }
0x44: {  	_ =	shalt  }
0x45: {  	_ =	shalt  }
0x46: {  	_ =	shalt  }
0x47: {  	_ =	shalt  }
0x48: {  	_ =	shalt  }
0x49: {  	_ =	shalt  }
0x4a: {  	_ =	shalt  }
0x4b: {  	_ =	shalt  }
0x4c: {  	_ =	shalt  }
0x4d: {  	_ =	shalt  }
0x4e: {  	_ =	shalt  }
0x4f: {  	_ =	shalt  }
0x50: {  	_ =	shalt  }
0x51: {  	_ =	shalt  }
0x52: {  	_ =	shalt  }
0x53: {  	_ =	shalt  }
0x54: {  	_ =	shalt  }
0x55: {  	_ =	shalt  }
0x56: {  	_ =	shalt  }
0x57: {  	_ =	shalt  }
0x58: {  	_ =	shalt  }
0x59: {  	_ =	shalt  }
0x5a: {  	_ =	shalt  }
0x5b: {  	_ =	shalt  }
0x5c: {  	_ =	shalt  }
0x5d: {  	_ =	shalt  }
0x5e: {  	_ =	shalt  }
0x5f: {  	_ =	shalt  }
0x60: {  	_ =	shalt  }
0x61: {  	_ =	shalt  }
0x62: {  	_ =	shalt  }
0x63: {  	_ =	shalt  }
0x64: {  	_ =	shalt  }
0x65: {  	_ =	shalt  }
0x66: {  	_ =	shalt  }
0x67: {  	_ =	shalt  }
0x68: {  	_ =	shalt  }
0x69: {  	_ =	shalt  }
0x6a: {  	_ =	shalt  }
0x6b: {  	_ =	shalt  }
0x6c: {  	_ =	shalt  }
0x6d: {  	_ =	shalt  }
0x6e: {  	_ =	shalt  }
0x6f: {  	_ =	shalt  }
0x70: {  	_ =	shalt  }
0x71: {  	_ =	shalt  }
0x72: {  	_ =	shalt  }
0x73: {  	_ =	shalt  }
0x74: {  	_ =	shalt  }
0x75: {  	_ =	shalt  }
0x76: {  	_ =	shalt  }
0x77: {  	_ =	shalt  }
0x78: {  	_ =	shalt  }
0x79: {  	_ =	shalt  }
0x7a: {  	_ =	shalt  }
0x7b: {  	_ =	shalt  }
0x7c: {  	_ =	shalt  }
0x7d: {  	_ =	shalt  }
0x7e: {  	_ =	shalt  }
0x7f: {  	_ =	shalt  }
0x80: {  	_ =	shalt  }
0x81: {  	_ =	shalt  }
0x82: {  	_ =	shalt  }
0x83: {  	_ =	shalt  }
0x84: {  	_ =	shalt  }
0x85: {  	_ =	shalt  }
0x86: {  	_ =	shalt  }
0x87: {  	_ =	shalt  }
.Lfunc_end0:
.L_simem_size_0:
called_computation.3_lowered:
.L_overlay_start_0:
0x88: {  	s2 =	sld [smem:$0x3FD9]  }
0x89: {  	s3 =	sld [smem:$0x3FFE];
	_ =	sdelay $0x1  }
0x8a: {  	s1 =	srdreg.scid  }
0x8b: {  	s0 =	sand.u32 $0x1, s1  }
0x8c: {  	s17 =	sshll.u32 s0, $0xA;
	s2 =	sadd.s32 s3, s2  }
0x8d: {  	s2 =	sadd.s32 s2, s17  }
0x8e: {  	[smem:$0x3FAD] =	sst s2  }
0x8f: {  	_ = 	snop  }
0x90: {  	s2 =	sld [smem:$0x3FD0];
	(tm) =	ssettm $0x1  }
0x91: {  	s18 =	sld [smem:$0x3FFB];
	_ =	sdelay $0x3  }
0x92: {  	_ =	strace s18  }
0x93: {  	s3 =	sld [smem:$0x3FFC];
	_ =	sdelay $0x3  }
0x94: {  	_ =	strace s3  }
0x95: {  	s3 =	sld [smem:$0x3FFD];
	_ =	sdelay $0x3  }
0x96: {  	_ =	strace s3  }
0x97: {  	_ =	strace $0x8FFFFFFF  }
0x98: {  	s19 =	sld [smem:$0x3FDB];
	_ =	sdelay $0x1  }
0x99: {  	s4 =	simm.s32 $_scs_section_size  }
0x9a: {  	s5 =	simm.s32 $_size__tile_overlayer_lowered;
	s6 =	simm.s32 $_tile_overlayer_lowered  }
0x9b: {  	s22 =	simm.s32 $0x1BFF;
	s21 =	sshll.u32 s6, $0x1;
	s3 =	sadd.s32 s4, s19  }
0x9c: {  	s7 =	simm.s32 $0x0;
	s20 =	sshll.u32 s5, $0x1;
	s5 =	sadd.s32 s21, s3  }
0x9d: {  	[timem:s7], [sflag:s22] =	dma.local [hbm:s5], s20  }
0x9e: {  	_ =	swait.ge [sflag:s22], s20  }
0x9f: {  	s4 =	ssub.s32 $0x0, s20;
	[sflag:s22] =	ssyncset.done $0x0  }
0xa0: {  	[sflag:s22] =	ssyncadd.s32 s4;
	_ =	sdelay $0x1  }
0xa1: {  	s23 =	simm.s32 $0x1B8B  }
0xa2: {  	_ =	swait.ge [sflag:s23], $0x1  }
0xa3: {  	[sflag:s23] =	ssyncset.done $0x0  }
0xa4: {  	s25 =	simm.s32 $0x1B8E;
	s24 =	sld [smem:$0x3FFE];
	[sflag:s23] =	ssyncadd.s32 $0xFFFFFFFF  }
0xa5: {  	s26 =	simm.s32 $execute0_lowered;
	[smem:$0x3FD2] =	sst s25  }
0xa6: {  	s5 =	sshll.u32 s26, $0x1;
	_ =	strace $0x8000004F;
	[dreg:$0x1] =	wrdreg $0xFFFFFFFF  }
0xa7: {  	s28 =	simm.s32 $_size_execute0_lowered;
	s3 =	sadd.s32 s3, s5;
	[dreg:$0x0] =	wrdreg $0x0  }
0xa8: {  	s5 =	sshll.u32 s28, $0x1;
	[dreg:$0x2] =	wrdreg s3  }
0xa9: {  	[dreg:$0x3] =	wrdreg s5  }
0xaa: {  	[dreg:$0x4] =	wrdreg $0xC0  }
0xab: {  	_ =	task [dreg:s7], $0x5FFFF  }
0xac: {  	[dreg:$0x1] =	wrdreg $0xFFFFFFFF  }
0xad: {  	[dreg:$0x0] =	wrdreg $0x60  }
0xae: {  	[dreg:$0x2] =	wrdreg s24  }
0xaf: {  	[dreg:$0x3] =	wrdreg s2  }
0xb0: {  	[dreg:$0x4] =	wrdreg $0x89000  }
0xb1: {  	[dreg:$0x5] =	wrdreg $0x1C9000  }
0xb2: {  	[dreg:$0x6] =	wrdreg $0x9  }
0xb3: {  	_ =	task.clear_ibuf [dreg:s7], $0x7FFFF;
	_ =	strace $0x9000004F  }
0xb4: {  	s29 =	simm.s32 $0x9;
	_ =	strace $0x80000051  }
0xb5: {  	_ =	swait.ge [sflag:s29], $0x1  }
0xb6: {  	[sflag:s29] =	ssyncadd.s32 $0xFFFFFFFF  }
0xb7: {  	_ =	strace $0x90000051  }
0xb8: {  	_ =	sfence  }
0xb9: {  	s30 =	sld [smem:$0x0];
	_ =	sdelay $0x2  }
0xba: {  	s31 =	sshll.u32 s1, $0xD;
	s1 =	sshrl.u32 s1, $0x2  }
0xbb: {  	s3 =	sand.u32 $0x4000, s31;
	s1 =	sadd.s32 s1, s30  }
0xbc: {  	s0 =	sor.u32 s3, s0;
	s1 =	sshll.u32 s1, $0x11  }
0xbd: {  	s0 =	sor.u32 s1, s0  }
0xbe: {  	s0 =	sadd.s32 $0x8F2B, s0  }
0xbf: {  	[sflag:s0] =	ssyncadd.remote.s32 $0x1  }
0xc0: {  	_ =	sfence.sel $0xFFFF  }
0xc1: {  	[dreg:$0x0] =	wrdreg $0xFFFFFFFF;
	(pc) =	sbr.abs _section_cstart, $3  }
0xc2: {  	[dreg:$0x1] =	wrdreg $0xFFFFFFFF  }
0xc3: {  	_ =	task.clear_ibuf [dreg:s7], $0x2FFFF;
	_ =	strace $0x9FFFFFFF  }
0xc4: {  	(tm) =	ssettm $0x7FFFFFFF  }
0xc5: {  	_ =	shalt  }
tec
execute0_lowered:
.L_overlay_start_1:
0x0: {  	(tag) =	ssettag $0x1  }
0x1: {  	s8 =	rddreg [dreg:$0x0]  }
0x2: {  	s11 =	rddreg [dreg:$0x1]  }
0x3: {  	s1 =	rddreg [dreg:$0x2]  }
0x4: {  	s3 =	rddreg [dreg:$0x3];
	s4 =	simm.s32 $0x0;
	s5 =	srdreg.scid  }
0x5: {  	s2 =	stileid.u32;
	[smem:$0x7FF] =	sst s4;
	s12 =	sand.u32 $0x1, s5  }
0x6: {  	s9 =	smul.u32 $0x14000, s2;
	s25 =	sshll.u32 s2, $0xD;
	s5 =	sadd.s32 $0x526C00, s8  }
0x7: {  	s0 =	rddreg [dreg:$0x4];
	s6 =	sadd.s32 $0x529400, s8;
	s7 =	sadd.s32 $0x529A00, s8  }
0x8: {  	s10 =	sshll.u32 s2, $0x6;
	s17 =	smul.u32 $0x2800, s2;
	_ =	strace $0x80000050  }
0x9: {  	s13 =	smul.u32 $0x140000, s12;
	s14 =	sadd.s32 s25, s8;
	s15 =	sadd.s32 s10, s8  }
0xa: {  	s16 =	ssub.s32 $0x2, s12;
	s18 =	smul.u32 $0x28000, s12;
	s29 =	sshll.u32 s12, $0xC  }
0xb: {  	s31 =	sshll.u32 s12, $0x5;
	s26 =	sshrl.u32 s16, $0x1;
	s19 =	sadd.s32 s9, s1  }
0xc: {  	s20 =	sadd.s32 s17, s3;
	s30 =	sadd.s32 s29, s14;
	s14 =	sadd.s32 s31, s15  }
0xd: {  	s13 =	sadd.s32 s9, s13;
	s16 =	ssub.s32 s16, s26;
	s9 =	sor.u32 $0x1C02, s10  }
0xe: {  	s17 =	sadd.s32 s17, s18;
	s14 =	sadd.s32 $0x12E00, s14;
	s15 =	sshrl.u32 s19, $0x3  }
0xf: {  	s18 =	simm.s32 $0x8100;
	s19 =	simm.s32 $0x0;
	s13 =	sshrl.u32 s13, $0x3  }
0x10: {  	s28 =	sshrl.u32 s17, $0x3;
	s12 =	smax.u32 s16, $0x1;
	s16 =	simm.s32 $0x2  }
0x11: {  	s17 =	sshrl.u32 s20, $0x3;
	s13 =	sadd.s32 s13, s8;
	s8 =	sshll.u32 s2, $0x1  }
0x12: {  	s11 =	sadd.s32 s11, s28;
	s10 =	sadd.s32 $0x94C00, s13;
	s13 =	sadd.s32 $0x1DA4C00, s30  }
.LBB2_1:
0x13: {  	[spmem:s15], [sflag:s9] =	dma.local [hbm:s5], $0x2800  }
0x14: {  	_ =	swait.ge [sflag:s16], $0x2800  }
0x15: {  	[sflag:s16] =	ssyncset.done $0x0  }
0x16: {  	[sflag:s16] =	ssyncadd.s32 $0xFFFFD800  }
0x17: {  	[spmem:s17], [sflag:s9] =	dma.local [hbm:s6], $0x500  }
0x18: {  	_ =	swait.ge [sflag:s16], $0x500  }
0x19: {  	[sflag:s16] =	ssyncset.done $0x0  }
0x1a: {  	[sflag:s16] =	ssyncadd.s32 $0xFFFFFB00  }
0x1b: {  	[tilespmem:s18], [sflag:$0x2] =	stream.linear.gather [hbm4b:s7+s4], $0x800, $0x38;
	[tilespmem:$0x1F100] =	vst v63  }
0x1c: {  	_ =	swait.ge [sflag:s16], $0x800  }
0x1d: {  	s20 =	sadd.s32 $0x0, s8;
	[sflag:s16] =	ssyncset.done $0x0  }
0x1e: {  	p0 =	sgt.u32 s20, $0x4E1;
	[sflag:s16] =	ssyncadd.s32 $0xFFFFF800  }
0x1f: {  	s20 =	simm.s32 @!p0 $0x0;
	s21 =	simm.s32 @!p0 $0x2;
	[bflag:$0x0] =	sbarrier.arrive $0xFFFF  }
0x20: {  	[tilespmem:s20], [sflag:$0x2] =	stream.linear.gather @!p0 [hbm4b:s14+s20], $0x100, $0x38;
	[tilespmem:$0x1F100] =	vst v63  }
0x21: {  	_ =	swait.ge @!p0 [sflag:s21], $0x100  }
0x22: {  	[sflag:s21] =	ssyncset.done @!p0 $0x0;
	p0 =	por p0, p0  }
0x23: {  	[sflag:s21] =	ssyncadd.s32 @!p0 $0xFFFFFF00;
	s22 =	simm.s32 @!p0 $0x100  }
0x24: {  	[tilespmem:s22], [sflag:$0x2] =	stream.linear.gather @!p0 [hbm4b:s13+s20], $0x8000, $0x38;
	[tilespmem:$0x1F100] =	vst v63  }
0x25: {  	_ =	swait.ge @!p0 [sflag:s21], $0x8000  }
0x26: {  	[sflag:s21] =	ssyncset.done @!p0 $0x0  }
0x27: {  	[sflag:s21] =	ssyncadd.s32 @!p0 $0xFFFF8000;
	s21 =	simm.s32 @!p0 $0x80  }
0x28: {  	[spmem:s1] =	stream.indirect.scatter.add.f32 @!p0 [tilespmem:s22], [sflag:$0x1], $0x80, s20, s21, $0xb8;
	[tilespmem:$0x1F100] =	vst v63  }
0x29: {  	s22 =	simm.s32 @!p0 $0x8100  }
0x2a: {  	[spmem:s3] =	stream.indirect.scatter.add.f32 @!p0 [tilespmem:s22], [sflag:$0x1], $0x10, s20, s21, $0xb8;
	[tilespmem:$0x1F100] =	vst v63  }
0x2b: {  	s20 =	simm.s32 @!p0 $0x4100  }
0x2c: {  	[spmem:s1] =	stream.indirect.scatter.add.f32 @!p0 [tilespmem:s20], [sflag:$0x1], $0x80, s21, s21, $0xb8;
	[tilespmem:$0x1F100] =	vst v63  }
0x2d: {  	s23 =	simm.s32 @!p0 $0x1  }
0x2e: {  	[spmem:s3] =	stream.indirect.scatter.add.f32 @!p0 [tilespmem:s22], [sflag:$0x1], $0x10, s21, s21, $0xb8;
	[tilespmem:$0x1F100] =	vst v63  }
0x2f: {  	_ =	swait.ge @!p0 [sflag:s23], $0x4000  }
0x30: {  	[sflag:s23] =	ssyncset.done @!p0 $0x0  }
0x31: {  	[sflag:s23] =	ssyncadd.s32 @!p0 $0xFFFFC000  }
0x32: {  	_ =	swait.ge @!p0 [sflag:s23], $0x800  }
0x33: {  	[sflag:s23] =	ssyncset.done @!p0 $0x0  }
0x34: {  	[sflag:s23] =	ssyncadd.s32 @!p0 $0xFFFFF800  }
0x35: {  	_ =	swait.ge @!p0 [sflag:s23], $0x4000  }
0x36: {  	[sflag:s23] =	ssyncset.done @!p0 $0x0  }
0x37: {  	s31 =	sadd.s32 $0x20, s8;
	[sflag:s23] =	ssyncadd.s32 @!p0 $0xFFFFC000  }
0x38: {  	p2 =	sgt.u32 s31, $0x4E1;
	s20 =	sadd.s32 $0x20000, s13;
	_ =	swait.ge @!p0 [sflag:s23], $0x800  }
0x39: {  	s22 =	simm.s32 $0x40;
	s21 =	sadd.s32 $0x400, s14;
	[sflag:s23] =	ssyncset.done @!p0 $0x0  }
.LBB2_2:
0x3a: {  	s24 =	simm.s32 @!p2 $0x0;
	s25 =	simm.s32 @!p2 $0x2;
	[sflag:s23] =	ssyncadd.s32 @!p0 $0xFFFFF800  }
0x3b: {  	[tilespmem:s24], [sflag:$0x2] =	stream.linear.gather @!p2 [hbm4b:s21+s24], $0x100, $0x38;
	[tilespmem:$0x1F100] =	vst v63  }
0x3c: {  	s26 =	smov.u32 s22;
	s22 =	sadd.s32 $0x20, s22;
	_ =	swait.ge @!p2 [sflag:s25], $0x100  }
0x3d: {  	p0 =	por p2, p2;
	p1 =	sne.s32 s22, $0x500;
	[sflag:s25] =	ssyncset.done @!p2 $0x0  }
0x3e: {  	s23 =	simm.s32 @!p0 $0x100;
	[sflag:s25] =	ssyncadd.s32 @!p0 $0xFFFFFF00  }
0x3f: {  	[tilespmem:s23], [sflag:$0x2] =	stream.linear.gather @!p0 [hbm4b:s20+s24], $0x8000, $0x38;
	[tilespmem:$0x1F100] =	vst v63  }
0x40: {  	_ =	swait.ge @!p0 [sflag:s25], $0x8000  }
0x41: {  	[sflag:s25] =	ssyncset.done @!p0 $0x0  }
0x42: {  	[sflag:s25] =	ssyncadd.s32 @!p0 $0xFFFF8000;
	s25 =	simm.s32 @!p0 $0x80  }
0x43: {  	[spmem:s1] =	stream.indirect.scatter.add.f32 @!p0 [tilespmem:s23], [sflag:$0x1], $0x80, s24, s25, $0xb8;
	[tilespmem:$0x1F100] =	vst v63  }
0x44: {  	s28 =	simm.s32 @!p0 $0x8100  }
0x45: {  	[spmem:s3] =	stream.indirect.scatter.add.f32 @!p0 [tilespmem:s28], [sflag:$0x1], $0x10, s24, s25, $0xb8;
	[tilespmem:$0x1F100] =	vst v63  }
0x46: {  	s23 =	simm.s32 @!p0 $0x4100  }
0x47: {  	[spmem:s1] =	stream.indirect.scatter.add.f32 @!p0 [tilespmem:s23], [sflag:$0x1], $0x80, s25, s25, $0xb8;
	[tilespmem:$0x1F100] =	vst v63  }
0x48: {  	s23 =	simm.s32 @!p0 $0x1  }
0x49: {  	[spmem:s3] =	stream.indirect.scatter.add.f32 @!p0 [tilespmem:s28], [sflag:$0x1], $0x10, s25, s25, $0xb8;
	[tilespmem:$0x1F100] =	vst v63  }
0x4a: {  	_ =	swait.ge @!p0 [sflag:s23], $0x4000  }
0x4b: {  	[sflag:s23] =	ssyncset.done @!p0 $0x0  }
0x4c: {  	[sflag:s23] =	ssyncadd.s32 @!p0 $0xFFFFC000  }
0x4d: {  	_ =	swait.ge @!p0 [sflag:s23], $0x800  }
0x4e: {  	[sflag:s23] =	ssyncset.done @!p0 $0x0  }
0x4f: {  	[sflag:s23] =	ssyncadd.s32 @!p0 $0xFFFFF800  }
.Ltmp0:
0x50: {  	_ =	swait.ge @!p0 [sflag:s23], $0x4000;
	(pc) =	sbr.rel @p1 .LBB2_2-.Ltmp0, $4  }
0x51: {  	[sflag:s23] =	ssyncset.done @!p0 $0x0  }
0x52: {  	[sflag:s23] =	ssyncadd.s32 @!p0 $0xFFFFC000  }
0x53: {  	s21 =	sadd.s32 $0x400, s21;
	s24 =	sadd.s32 s26, s8;
	_ =	swait.ge @!p0 [sflag:s23], $0x800  }
0x54: {  	s20 =	sadd.s32 $0x20000, s20;
	p2 =	sgt.u32 s24, $0x4E1;
	[sflag:s23] =	ssyncset.done @!p0 $0x0  }
0x55: {  	s22 =	simm.s32 @!p2 $0x0;
	s24 =	simm.s32 @!p2 $0x2;
	[sflag:s23] =	ssyncadd.s32 @!p0 $0xFFFFF800  }
0x56: {  	[tilespmem:s22], [sflag:$0x2] =	stream.linear.gather @!p2 [hbm4b:s21+s22], $0x100, $0x38;
	[tilespmem:$0x1F100] =	vst v63  }
0x57: {  	_ =	swait.ge @!p2 [sflag:s24], $0x100  }
0x58: {  	p0 =	por p2, p2;
	[sflag:s24] =	ssyncset.done @!p2 $0x0  }
0x59: {  	s21 =	simm.s32 @!p0 $0x100;
	[sflag:s24] =	ssyncadd.s32 @!p0 $0xFFFFFF00  }
0x5a: {  	[tilespmem:s21], [sflag:$0x2] =	stream.linear.gather @!p0 [hbm4b:s20+s22], $0x8000, $0x38;
	[tilespmem:$0x1F100] =	vst v63  }
0x5b: {  	_ =	swait.ge @!p0 [sflag:s24], $0x8000  }
0x5c: {  	[sflag:s24] =	ssyncset.done @!p0 $0x0  }
0x5d: {  	s20 =	simm.s32 @!p0 $0x80;
	[sflag:s24] =	ssyncadd.s32 @!p0 $0xFFFF8000  }
0x5e: {  	[spmem:s1] =	stream.indirect.scatter.add.f32 @!p0 [tilespmem:s21], [sflag:$0x1], $0x80, s22, s20, $0xb8;
	[tilespmem:$0x1F100] =	vst v63  }
0x5f: {  	s21 =	simm.s32 @!p0 $0x8100  }
0x60: {  	[spmem:s3] =	stream.indirect.scatter.add.f32 @!p0 [tilespmem:s21], [sflag:$0x1], $0x10, s22, s20, $0xb8;
	[tilespmem:$0x1F100] =	vst v63  }
0x61: {  	s22 =	simm.s32 @!p0 $0x4100  }
0x62: {  	[spmem:s1] =	stream.indirect.scatter.add.f32 @!p0 [tilespmem:s22], [sflag:$0x1], $0x80, s20, s20, $0xb8;
	[tilespmem:$0x1F100] =	vst v63  }
0x63: {  	s22 =	simm.s32 @!p0 $0x1  }
0x64: {  	[spmem:s3] =	stream.indirect.scatter.add.f32 @!p0 [tilespmem:s21], [sflag:$0x1], $0x10, s20, s20, $0xb8;
	[tilespmem:$0x1F100] =	vst v63  }
0x65: {  	_ =	swait.ge @!p0 [sflag:s22], $0x4000  }
0x66: {  	[sflag:s22] =	ssyncset.done @!p0 $0x0  }
0x67: {  	[sflag:s22] =	ssyncadd.s32 @!p0 $0xFFFFC000  }
0x68: {  	_ =	swait.ge @!p0 [sflag:s22], $0x800  }
0x69: {  	[sflag:s22] =	ssyncset.done @!p0 $0x0  }
0x6a: {  	[sflag:s22] =	ssyncadd.s32 @!p0 $0xFFFFF800  }
0x6b: {  	_ =	swait.ge @!p0 [sflag:s22], $0x4000  }
0x6c: {  	[sflag:s22] =	ssyncset.done @!p0 $0x0  }
0x6d: {  	[sflag:s22] =	ssyncadd.s32 @!p0 $0xFFFFC000  }
0x6e: {  	_ =	swait.ge @!p0 [sflag:s22], $0x800  }
0x6f: {  	[sflag:s22] =	ssyncset.done @!p0 $0x0  }
0x70: {  	[sflag:s22] =	ssyncadd.s32 @!p0 $0xFFFFF800  }
0x71: {  	[bflag:$0x0] =	sbarrier.arrive $0xFFFF  }
0x72: {  	[hbm:s10], [sflag:s9] =	dma.local [spmem:s15], $0x2800  }
0x73: {  	s19 =	sadd.s32 $0x1, s19;
	_ =	swait.ge [sflag:s16], $0x2800  }
0x74: {  	p0 =	sne.s32 s19, s12;
	[sflag:s16] =	ssyncset.done $0x0  }
.Ltmp1:
0x75: {  	[sflag:s16] =	ssyncadd.s32 $0xFFFFD800;
	(pc) =	sbr.rel @p0 .LBB2_1-.Ltmp1, $4  }
0x76: {  	[hbm:s11], [sflag:s9] =	dma.local [spmem:s17], $0x500  }
0x77: {  	_ =	swait.ge [sflag:s16], $0x500  }
0x78: {  	[sflag:s16] =	ssyncset.done $0x0  }
0x79: {  	[sflag:s16] =	ssyncadd.s32 $0xFFFFFB00  }
0x7a: {  	_ =	sfence.sel $0x180000  }
0x7b: {  	[bflag:$0x0] =	sbarrier.arrive $0xFFFF  }
0x7c: {  	p0 =	sne.s32 s2, $0x0;
	_ =	strace $0x90000050  }
0x7d: {  	s0 =	sadd.s32 @!p0 $0x100000, s0;
	[bflag:$0x2] =	sbarrier.arrive $0xFFFF  }
0x7e: {  	[sflag:s0] =	ssyncadd.tile.s32 @!p0 $0x1;
	_ =	shalt  }
.Lfunc_end2:
_tile_overlayer_lowered:
.L_overlay_start_2:
0x7f: {  	(tag) =	ssettag $0x2  }
0x80: {  	s0 =	rddreg [dreg:$0x0];
	s2 =	stileid.u32  }
0x81: {  	s1 =	rddreg [dreg:$0x1];
	p0 =	sne.s32 s2, $0x0  }
0x82: {  	s3 =	rddreg [dreg:$0x2];
	[bflag:$0x3] =	sbarrier.arrive $0xFFFF;
	s2 =	simm.s32 @!p0 $0x1C02  }
0x83: {  	[timem:s3], [sflag:s2] =	dma.local @!p0 [hbm:s0], s1  }
0x84: {  	s0 =	simm.s32 @!p0 $0x2  }
0x85: {  	_ =	swait.ge @!p0 [sflag:s0], s1  }
0x86: {  	s1 =	ssub.s32 @!p0 $0x0, s1;
	[sflag:s0] =	ssyncset.done @!p0 $0x0  }
0x87: {  	[sflag:s0] =	ssyncadd.s32 @!p0 s1  }
0x88: {  	[bflag:$0x3] =	sbarrier.arrive $0xFFFF  }
0x89: {  	_ =	shalt  }

// kernel: kernel.28.cloned.1.call-start
scs
__scs_entry_jumppad:
0x0: {  	(pc) =	sbr.rel $0x88, $3  }
0x1: {  	(tag) =	ssettag $0x0;
	lr =	simm.s32 $0x1  }
0x2: {  	[smem:$0x3F86] =	sst lr;
	_ =	strace $0xD0000000  }
0x3: {  	_ = 	snop  }
0x4: {  	_ = 	snop  }
0x5: {  	_ = 	snop  }
0x6: {  	_ = 	snop  }
0x7: {  	_ = 	snop  }
__scs_overlays_trampoline_lowered:
0x8: {  	[smem:$0x3F95] =	sst s0  }
0x9: {  	[smem:$0x3F96] =	sst s1  }
0xa: {  	[smem:$0x3F97] =	sst s2  }
0xb: {  	[smem:$0x3F98] =	sst s3  }
0xc: {  	[smem:$0x3F99] =	sst s4  }
0xd: {  	[smem:$0x3F9A] =	sst s5  }
0xe: {  	[smem:$0x3F9B] =	sst s6  }
0xf: {  	[smem:$0x3F9C] =	sst s7  }
0x10: {  	[smem:$0x3F9D] =	sst s8  }
0x11: {  	[smem:$0x3F9E] =	sst s9;
	s0 =	simm.s32 @!p0 $0x0  }
0x12: {  	s1 =	sld [smem:$0x3F84];
	s0 =	simm.s32 @p0 $0x1  }
0x13: {  	[smem:$0x3F9F] =	sst s0;
	s0 =	simm.s32 @!p1 $0x0  }
0x14: {  	s2 =	sld [smem:$0x3F83];
	s0 =	simm.s32 @p1 $0x1  }
0x15: {  	[smem:$0x3FA0] =	sst s0;
	s0 =	simm.s32 @!p2 $0x0  }
0x16: {  	s3 =	sld [smem:$0x3FDB];
	s0 =	simm.s32 @p2 $0x1  }
0x17: {  	s4 =	simm.s32 $0x1BF5;
	[smem:$0x3FA2] =	sst s0  }
0x18: {  	s0 =	sld [smem:$0x3F85];
	_ =	swait.ge [sflag:s4], $0x0  }
0x19: {  	s7 =	sld [smem:$0x3F86]  }
0x1a: {  	s8 =	sadd.s32 $0xFFFFE003, lr  }
0x1b: {  	s9 =	sadd.s32 $0xFFFFFEF7, lr;
	s5 =	simm.s32 $0xFFFFFFFF;
	p2 =	slt.u32 s8, $0xFFFFF086  }
0x1c: {  	p1 =	slt.u32 s9, $0xF7A;
	s5 =	simm.s32 @!p2 $0x0  }
0x1d: {  	s5 =	simm.s32 @p1 $0x1;
	p0 =	seq.s32 s7, s2  }
0x1e: {  	s7 =	smul.u32 @!p0 $0xF7A, s2;
	p2 =	seq.s32 @!p0 s5, $0x0  }
0x1f: {  	s9 =	smul.u32 $0xF7A, s1;
	s8 =	simm.s32 @!p0 $0x1BF5;
	p2 =	por !p2, p0  }
0x20: {  	[sflag:s8] =	ssyncset.s32 @!p0 $0xFFFFF086;
	s6 =	sadd.s32 @!p0 s3, s7;
	s7 =	simm.s32 @!p0 $0x108  }
0x21: {  	s3 =	sadd.s32 s3, s9;
	s6 =	sadd.s32 @!p0 $0x88, s6;
	s7 =	simm.s32 @p2 $0x1082  }
0x22: {  	[simem:s7], [sflag:s8] =	dma.local @!p0 [hbm:s6], $0xF7A  }
0x23: {  	s9 =	sor.u32 $0xD0000000, s2;
	s6 =	simm.s32 $0x108;
	_ =	swait.ge @!p0 [sflag:s8], $0x0  }
0x24: {  	s3 =	sadd.s32 $0x88, s3;
	s6 =	simm.s32 @!p1 $0x1082;
	[sflag:s4] =	ssyncset.s32 $0xFFFFF086  }
0x25: {  	[simem:s6], [sflag:s4] =	dma.local [hbm:s3], $0xF7A  }
0x26: {  	[smem:$0x3F86] =	sst s1;
	(tag) =	ssettag s2;
	_ =	strace s9  }
0x27: {  	s1 =	sld [smem:$0x3F96]  }
0x28: {  	s2 =	sld [smem:$0x3F97]  }
0x29: {  	s4 =	sld [smem:$0x3F99]  }
0x2a: {  	p0 =	seq.s32 s5, $0x0;
	s5 =	sld [smem:$0x3F9A]  }
0x2b: {  	s6 =	sld [smem:$0x3F9B]  }
0x2c: {  	s7 =	sld [smem:$0x3F9C]  }
0x2d: {  	s3 =	simm.s32 $0x108;
	s8 =	sld [smem:$0x3F9D]  }
0x2e: {  	s3 =	simm.s32 @!p0 $0x1082;
	s9 =	sld [smem:$0x3F9E]  }
0x2f: {  	lr =	sadd.s32 s0, s3;
	s0 =	sld [smem:$0x3F95]  }
0x30: {  	s3 =	sld [smem:$0x3F98]  }
0x31: {  	[smem:$0x3FA1] =	sst s10  }
0x32: {  	s10 =	sld [smem:$0x3F9F];
	_ =	sdelay $0x3  }
0x33: {  	p0 =	seq.s32 s10, $0x1;
	s10 =	sld [smem:$0x3FA1];
	_ =	sdelay $0x3  }
0x34: {  	[smem:$0x3FA1] =	sst s10  }
0x35: {  	s10 =	sld [smem:$0x3FA0];
	_ =	sdelay $0x3  }
0x36: {  	p1 =	seq.s32 s10, $0x1;
	s10 =	sld [smem:$0x3FA1];
	_ =	sdelay $0x3  }
0x37: {  	[smem:$0x3FA1] =	sst s10  }
0x38: {  	s10 =	sld [smem:$0x3FA2]  }
0x39: {  	_ = 	snop;
	(pc) =	sbr.ind lr, $3  }
0x3a: {  	_ = 	snop  }
0x3b: {  	_ = 	snop  }
0x3c: {  	p2 =	seq.s32 s10, $0x1;
	s10 =	sld [smem:$0x3FA1]  }
0x3d: {  	_ =	shalt  }
0x3e: {  	_ =	shalt  }
0x3f: {  	_ =	shalt  }
0x40: {  	_ =	shalt  }
0x41: {  	_ =	shalt  }
0x42: {  	_ =	shalt  }
0x43: {  	_ =	shalt  }
0x44: {  	_ =	shalt  }
0x45: {  	_ =	shalt  }
0x46: {  	_ =	shalt  }
0x47: {  	_ =	shalt  }
0x48: {  	_ =	shalt  }
0x49: {  	_ =	shalt  }
0x4a: {  	_ =	shalt  }
0x4b: {  	_ =	shalt  }
0x4c: {  	_ =	shalt  }
0x4d: {  	_ =	shalt  }
0x4e: {  	_ =	shalt  }
0x4f: {  	_ =	shalt  }
0x50: {  	_ =	shalt  }
0x51: {  	_ =	shalt  }
0x52: {  	_ =	shalt  }
0x53: {  	_ =	shalt  }
0x54: {  	_ =	shalt  }
0x55: {  	_ =	shalt  }
0x56: {  	_ =	shalt  }
0x57: {  	_ =	shalt  }
0x58: {  	_ =	shalt  }
0x59: {  	_ =	shalt  }
0x5a: {  	_ =	shalt  }
0x5b: {  	_ =	shalt  }
0x5c: {  	_ =	shalt  }
0x5d: {  	_ =	shalt  }
0x5e: {  	_ =	shalt  }
0x5f: {  	_ =	shalt  }
0x60: {  	_ =	shalt  }
0x61: {  	_ =	shalt  }
0x62: {  	_ =	shalt  }
0x63: {  	_ =	shalt  }
0x64: {  	_ =	shalt  }
0x65: {  	_ =	shalt  }
0x66: {  	_ =	shalt  }
0x67: {  	_ =	shalt  }
0x68: {  	_ =	shalt  }
0x69: {  	_ =	shalt  }
0x6a: {  	_ =	shalt  }
0x6b: {  	_ =	shalt  }
0x6c: {  	_ =	shalt  }
0x6d: {  	_ =	shalt  }
0x6e: {  	_ =	shalt  }
0x6f: {  	_ =	shalt  }
0x70: {  	_ =	shalt  }
0x71: {  	_ =	shalt  }
0x72: {  	_ =	shalt  }
0x73: {  	_ =	shalt  }
0x74: {  	_ =	shalt  }
0x75: {  	_ =	shalt  }
0x76: {  	_ =	shalt  }
0x77: {  	_ =	shalt  }
0x78: {  	_ =	shalt  }
0x79: {  	_ =	shalt  }
0x7a: {  	_ =	shalt  }
0x7b: {  	_ =	shalt  }
0x7c: {  	_ =	shalt  }
0x7d: {  	_ =	shalt  }
0x7e: {  	_ =	shalt  }
0x7f: {  	_ =	shalt  }
0x80: {  	_ =	shalt  }
0x81: {  	_ =	shalt  }
0x82: {  	_ =	shalt  }
0x83: {  	_ =	shalt  }
0x84: {  	_ =	shalt  }
0x85: {  	_ =	shalt  }
0x86: {  	_ =	shalt  }
0x87: {  	_ =	shalt  }
.Lfunc_end0:
.L_simem_size_0:
called_computation.4_lowered:
.L_overlay_start_0:
0x88: {  	s2 =	sld [smem:$0x3FD9]  }
0x89: {  	s3 =	sld [smem:$0x3FFE];
	_ =	sdelay $0x1  }
0x8a: {  	s1 =	srdreg.scid  }
0x8b: {  	s0 =	sand.u32 $0x1, s1  }
0x8c: {  	s17 =	sshll.u32 s0, $0xA;
	s2 =	sadd.s32 s3, s2  }
0x8d: {  	s2 =	sadd.s32 s2, s17  }
0x8e: {  	[smem:$0x3FAD] =	sst s2  }
0x8f: {  	_ = 	snop  }
0x90: {  	s2 =	sld [smem:$0x3FD0];
	(tm) =	ssettm $0x1  }
0x91: {  	s18 =	sld [smem:$0x3FFB];
	_ =	sdelay $0x3  }
0x92: {  	_ =	strace s18  }
0x93: {  	s3 =	sld [smem:$0x3FFC];
	_ =	sdelay $0x3  }
0x94: {  	_ =	strace s3  }
0x95: {  	s3 =	sld [smem:$0x3FFD];
	_ =	sdelay $0x3  }
0x96: {  	_ =	strace s3  }
0x97: {  	_ =	strace $0x8FFFFFFF  }
0x98: {  	s19 =	sld [smem:$0x3FDB];
	_ =	sdelay $0x1  }
0x99: {  	s4 =	simm.s32 $_scs_section_size  }
0x9a: {  	s5 =	simm.s32 $_size__tile_overlayer_lowered;
	s6 =	simm.s32 $_tile_overlayer_lowered  }
0x9b: {  	s22 =	simm.s32 $0x1BFF;
	s21 =	sshll.u32 s6, $0x1;
	s3 =	sadd.s32 s4, s19  }
0x9c: {  	s7 =	simm.s32 $0x0;
	s20 =	sshll.u32 s5, $0x1;
	s5 =	sadd.s32 s21, s3  }
0x9d: {  	[timem:s7], [sflag:s22] =	dma.local [hbm:s5], s20  }
0x9e: {  	_ =	swait.ge [sflag:s22], s20  }
0x9f: {  	s4 =	ssub.s32 $0x0, s20;
	[sflag:s22] =	ssyncset.done $0x0  }
0xa0: {  	[sflag:s22] =	ssyncadd.s32 s4;
	_ =	sdelay $0x1  }
0xa1: {  	s23 =	simm.s32 $0x1B8B  }
0xa2: {  	_ =	swait.ge [sflag:s23], $0x1  }
0xa3: {  	[sflag:s23] =	ssyncset.done $0x0  }
0xa4: {  	s25 =	simm.s32 $0x1B8E;
	s24 =	sld [smem:$0x3FFE];
	[sflag:s23] =	ssyncadd.s32 $0xFFFFFFFF  }
0xa5: {  	s26 =	simm.s32 $execute0_lowered;
	[smem:$0x3FD2] =	sst s25  }
0xa6: {  	s5 =	sshll.u32 s26, $0x1;
	_ =	strace $0x80000052;
	[dreg:$0x1] =	wrdreg $0xFFFFFFFF  }
0xa7: {  	s28 =	simm.s32 $_size_execute0_lowered;
	s3 =	sadd.s32 s3, s5;
	[dreg:$0x0] =	wrdreg $0x0  }
0xa8: {  	s5 =	sshll.u32 s28, $0x1;
	[dreg:$0x2] =	wrdreg s3  }
0xa9: {  	[dreg:$0x3] =	wrdreg s5  }
0xaa: {  	[dreg:$0x4] =	wrdreg $0xC0  }
0xab: {  	_ =	task [dreg:s7], $0x5FFFF  }
0xac: {  	[dreg:$0x1] =	wrdreg $0xFFFFFFFF  }
0xad: {  	[dreg:$0x0] =	wrdreg $0x60  }
0xae: {  	[dreg:$0x2] =	wrdreg s24  }
0xaf: {  	[dreg:$0x3] =	wrdreg s2  }
0xb0: {  	[dreg:$0x4] =	wrdreg $0x9  }
0xb1: {  	_ =	task.clear_ibuf [dreg:s7], $0x5FFFF;
	_ =	strace $0x90000052  }
0xb2: {  	s29 =	simm.s32 $0x9;
	_ =	strace $0x80000054  }
0xb3: {  	_ =	swait.ge [sflag:s29], $0x1  }
0xb4: {  	[sflag:s29] =	ssyncadd.s32 $0xFFFFFFFF  }
0xb5: {  	_ =	strace $0x90000054  }
0xb6: {  	_ =	sfence  }
0xb7: {  	s30 =	sld [smem:$0x0];
	_ =	sdelay $0x2  }
0xb8: {  	s31 =	sshll.u32 s1, $0xD;
	s1 =	sshrl.u32 s1, $0x2  }
0xb9: {  	s3 =	sand.u32 $0x4000, s31;
	s1 =	sadd.s32 s1, s30  }
0xba: {  	s0 =	sor.u32 s3, s0;
	s1 =	sshll.u32 s1, $0x11  }
0xbb: {  	s0 =	sor.u32 s1, s0  }
0xbc: {  	s0 =	sadd.s32 $0x8F2B, s0  }
0xbd: {  	[sflag:s0] =	ssyncadd.remote.s32 $0x1  }
0xbe: {  	_ =	sfence.sel $0xFFFF  }
0xbf: {  	[dreg:$0x0] =	wrdreg $0xFFFFFFFF;
	(pc) =	sbr.abs _section_cstart, $3  }
0xc0: {  	[dreg:$0x1] =	wrdreg $0xFFFFFFFF  }
0xc1: {  	_ =	task.clear_ibuf [dreg:s7], $0x2FFFF;
	_ =	strace $0x9FFFFFFF  }
0xc2: {  	(tm) =	ssettm $0x7FFFFFFF  }
0xc3: {  	_ =	shalt  }
tec
execute0_lowered:
.L_overlay_start_1:
0x0: {  	(tag) =	ssettag $0x1  }
0x1: {  	s0 =	rddreg [dreg:$0x0]  }
0x2: {  	s1 =	rddreg [dreg:$0x1];
	s3 =	simm.s32 $0x0;
	s2 =	srdreg.scid  }
0x3: {  	s9 =	stileid.u32;
	s11 =	simm.s32 $0x3;
	s12 =	simm.s32 $0x200  }
0x4: {  	s13 =	simm.s32 $0x80;
	s14 =	simm.s32 $0x400;
	s15 =	simm.s32 $0x8400  }
0x5: {  	s16 =	simm.s32 $0x2400;
	s17 =	simm.s32 $0x280;
	s18 =	simm.s32 $0xA400  }
0x6: {  	s19 =	simm.s32 $0x100;
	s20 =	simm.s32 $0x4400;
	s21 =	simm.s32 $0x300  }
0x7: {  	s22 =	simm.s32 $0xC400;
	s28 =	simm.s32 $0x1;
	s29 =	simm.s32 $0x2  }
0x8: {  	s30 =	simm.s32 $0x0;
	[smem:$0x7FF] =	sst s3;
	s5 =	sand.u32 $0x1, s2  }
0x9: {  	s23 =	sshll.u32 s9, $0x7;
	s7 =	sshll.u32 s9, $0xD;
	s4 =	sadd.s32 $0x1CC00, s0  }
0xa: {  	s24 =	sshll.u32 s9, $0x1;
	_ =	strace $0x80000053;
	s6 =	ssub.s32 $0x2, s5  }
0xb: {  	s2 =	sadd.s32 s23, s0;
	s0 =	sadd.s32 s7, s0;
	s25 =	sshll.u32 s5, $0x6  }
0xc: {  	s26 =	sshll.u32 s5, $0xC;
	s10 =	sor.u32 s5, s24;
	s23 =	simm.s32 $0x180  }
.Ltmp0:
0xd: {  	s24 =	simm.s32 $0x6400;
	s8 =	sshrl.u32 s6, $0x1;
	(pc) =	sbr.rel .LBB2_1-.Ltmp0, $4  }
0xe: {  	s2 =	sadd.s32 s25, s2;
	s0 =	sadd.s32 s26, s0;
	s25 =	simm.s32 $0x380  }
0xf: {  	s26 =	simm.s32 $0xE400;
	s6 =	ssub.s32 s6, s8;
	s31 =	sadd.s32 $0x94C00, s0  }
0x10: {  	s7 =	sadd.s32 $0x9000, s2;
	s6 =	smax.u32 s6, $0x1;
	[dreg:$0x4] =	wrdreg s31  }
0x11: {  	s0 =	sadd.s32 $0x529C00, s0;
	[dreg:$0x3] =	wrdreg s6;
	s6 =	sadd.s32 $0x12E00, s2  }
.LBB2_5:
0x12: {  	s30 =	sadd.s32 $0x1, s30;
	s2 =	rddreg [dreg:$0x3]  }
0x13: {  	p0 =	sne.s32 s30, s2  }
.Ltmp1:
0x14: {  	_ = 	snop;
	(pc) =	sbr.rel @!p0 .LBB2_6-.Ltmp1, $1  }
0x15: {  	_ =	sdelay $0x3  }
.LBB2_1:
.Ltmp2:
0x16: {  	(pc) =	sbr.rel .LBB2_2-.Ltmp2, $3  }
0x17: {  	_ =	sdelay $0x1  }
0x18: {  	s31 =	smov.u32 s10  }
0x19: {  	s9 =	smov.u32 s0;
	s8 =	rddreg [dreg:$0x4];
	s5 =	simm.s32 $0x0  }
.LBB2_4:
0x1a: {  	s5 =	sadd.s32 $0x800, s5  }
0x1b: {  	p0 =	sne.s32 s5, $0xA000  }
.Ltmp3:
0x1c: {  	_ = 	snop;
	(pc) =	sbr.rel @!p0 .LBB2_5-.Ltmp3, $2  }
0x1d: {  	_ =	sdelay $0x2  }
0x1e: {  	s8 =	sadd.s32 $0x20000, s8;
	s9 =	sadd.s32 $0x20000, s9;
	s31 =	sadd.s32 $0x20, s31  }
.LBB2_2:
0x1f: {  	p0 =	sgt.u32 s31, $0x270  }
.Ltmp4:
0x20: {  	_ = 	snop;
	(pc) =	sbr.rel @p0 .LBB2_4-.Ltmp4, $1  }
0x21: {  	_ =	sdelay $0x3  }
0x22: {  	s2 =	sadd.s32 s5, s7  }
0x23: {  	[tilespmem:s3], [sflag:$0x3] =	stream.linear.gather [hbm4b:s2+s3], $0x200, $0x38;
	[tilespmem:$0x10400] =	vst v63  }
0x24: {  	_ =	swait.ge [sflag:s11], $0x200  }
0x25: {  	[sflag:s11] =	ssyncset.done $0x0  }
0x26: {  	s2 =	sadd.s32 s5, s6;
	[sflag:s11] =	ssyncadd.s32 $0xFFFFFE00  }
0x27: {  	[tilespmem:s12], [sflag:$0x3] =	stream.linear.gather [hbm4b:s2+s3], $0x200, $0x38;
	[tilespmem:$0x10400] =	vst v63  }
0x28: {  	_ =	swait.ge [sflag:s11], $0x200  }
0x29: {  	[sflag:s11] =	ssyncset.done $0x0  }
0x2a: {  	[sflag:s11] =	ssyncadd.s32 $0xFFFFFE00  }
0x2b: {  	[tilespmem:s14], [sflag:$0x1] =	stream.indirect.gather [hbm4b:s1+s13], $0x40, s3, s13, $0xb8;
	[tilespmem:$0x10400] =	vst v63  }
0x2c: {  	_ = 	snop  }
0x2d: {  	[tilespmem:s15], [sflag:$0x1] =	stream.indirect.gather [hbm4b:s4+s13], $0x40, s12, s13, $0xb8;
	[tilespmem:$0x10400] =	vst v63  }
0x2e: {  	_ = 	snop  }
0x2f: {  	[tilespmem:s16], [sflag:$0x1] =	stream.indirect.gather [hbm4b:s1+s13], $0x40, s13, s13, $0xb8;
	[tilespmem:$0x10400] =	vst v63  }
0x30: {  	_ = 	snop  }
0x31: {  	[tilespmem:s18], [sflag:$0x1] =	stream.indirect.gather [hbm4b:s4+s13], $0x40, s17, s13, $0xb8;
	[tilespmem:$0x10400] =	vst v63  }
0x32: {  	_ = 	snop  }
0x33: {  	[tilespmem:s20], [sflag:$0x1] =	stream.indirect.gather [hbm4b:s1+s13], $0x40, s19, s13, $0xb8;
	[tilespmem:$0x10400] =	vst v63  }
0x34: {  	_ = 	snop  }
0x35: {  	[tilespmem:s22], [sflag:$0x1] =	stream.indirect.gather [hbm4b:s4+s13], $0x40, s21, s13, $0xb8;
	[tilespmem:$0x10400] =	vst v63  }
0x36: {  	_ = 	snop  }
0x37: {  	[tilespmem:s24], [sflag:$0x1] =	stream.indirect.gather [hbm4b:s1+s13], $0x40, s23, s13, $0xb8;
	[tilespmem:$0x10400] =	vst v63  }
0x38: {  	_ = 	snop  }
0x39: {  	[tilespmem:s26], [sflag:$0x1] =	stream.indirect.gather [hbm4b:s4+s13], $0x40, s25, s13, $0xb8;
	[tilespmem:$0x10400] =	vst v63  }
0x3a: {  	_ =	swait.ge [sflag:s28], $0x2000  }
0x3b: {  	[sflag:s28] =	ssyncset.done $0x0  }
0x3c: {  	[sflag:s28] =	ssyncadd.s32 $0xFFFFE000  }
0x3d: {  	_ =	swait.ge [sflag:s28], $0x2000  }
0x3e: {  	[sflag:s28] =	ssyncset.done $0x0  }
0x3f: {  	[sflag:s28] =	ssyncadd.s32 $0xFFFFE000  }
0x40: {  	_ =	swait.ge [sflag:s28], $0x2000  }
0x41: {  	[sflag:s28] =	ssyncset.done $0x0  }
0x42: {  	[sflag:s28] =	ssyncadd.s32 $0xFFFFE000  }
0x43: {  	_ =	swait.ge [sflag:s28], $0x2000  }
0x44: {  	[sflag:s28] =	ssyncset.done $0x0  }
0x45: {  	[sflag:s28] =	ssyncadd.s32 $0xFFFFE000  }
0x46: {  	_ =	swait.ge [sflag:s28], $0x2000  }
0x47: {  	[sflag:s28] =	ssyncset.done $0x0  }
0x48: {  	[sflag:s28] =	ssyncadd.s32 $0xFFFFE000  }
0x49: {  	_ =	swait.ge [sflag:s28], $0x2000  }
0x4a: {  	[sflag:s28] =	ssyncset.done $0x0  }
0x4b: {  	[sflag:s28] =	ssyncadd.s32 $0xFFFFE000  }
0x4c: {  	_ =	swait.ge [sflag:s28], $0x2000  }
0x4d: {  	[sflag:s28] =	ssyncset.done $0x0  }
0x4e: {  	[sflag:s28] =	ssyncadd.s32 $0xFFFFE000  }
0x4f: {  	_ =	swait.ge [sflag:s28], $0x2000  }
0x50: {  	[sflag:s28] =	ssyncset.done $0x0  }
0x51: {  	[sflag:s28] =	ssyncadd.s32 $0xFFFFE000  }
0x52: {  	[hbm4b:s9+s3] =	stream.linear.scatter [tilespmem:s14], [sflag:$0x3], $0x8000, $0x38;
	[tilespmem:$0x10400] =	vst v63  }
0x53: {  	_ =	swait.ge [sflag:s11], $0x8000  }
0x54: {  	[sflag:s11] =	ssyncset.done $0x0  }
.Ltmp5:
0x55: {  	[sflag:s11] =	ssyncadd.s32 $0xFFFF8000;
	(pc) =	sbr.rel .LBB2_4-.Ltmp5, $4  }
0x56: {  	[hbm4b:s8+s3] =	stream.linear.scatter [tilespmem:s15], [sflag:$0x2], $0x8000, $0x38;
	[tilespmem:$0x10400] =	vst v63  }
0x57: {  	_ =	swait.ge [sflag:s29], $0x8000  }
0x58: {  	[sflag:s29] =	ssyncset.done $0x0  }
0x59: {  	[sflag:s29] =	ssyncadd.s32 $0xFFFF8000  }
.LBB2_6:
0x5a: {  	_ =	sfence.sel $0x180000  }
0x5b: {  	[bflag:$0x0] =	sbarrier.arrive $0xFFFF  }
0x5c: {  	_ =	strace $0x90000053  }
0x5d: {  	s0 =	stileid.u32;
	[bflag:$0x2] =	sbarrier.arrive $0xFFFF  }
0x5e: {  	p0 =	sne.s32 s0, $0x0;
	s0 =	rddreg [dreg:$0x2]  }
0x5f: {  	s0 =	sadd.s32 @!p0 $0x100000, s0  }
0x60: {  	[sflag:s0] =	ssyncadd.tile.s32 @!p0 $0x1;
	_ =	shalt  }
.Lfunc_end2:
_tile_overlayer_lowered:
.L_overlay_start_2:
0x61: {  	(tag) =	ssettag $0x2  }
0x62: {  	s0 =	rddreg [dreg:$0x0];
	s2 =	stileid.u32  }
0x63: {  	s1 =	rddreg [dreg:$0x1];
	p0 =	sne.s32 s2, $0x0  }
0x64: {  	s3 =	rddreg [dreg:$0x2];
	[bflag:$0x3] =	sbarrier.arrive $0xFFFF;
	s2 =	simm.s32 @!p0 $0x1C02  }
0x65: {  	[timem:s3], [sflag:s2] =	dma.local @!p0 [hbm:s0], s1  }
0x66: {  	s0 =	simm.s32 @!p0 $0x2  }
0x67: {  	_ =	swait.ge @!p0 [sflag:s0], s1  }
0x68: {  	s1 =	ssub.s32 @!p0 $0x0, s1;
	[sflag:s0] =	ssyncset.done @!p0 $0x0  }
0x69: {  	[sflag:s0] =	ssyncadd.s32 @!p0 s1  }
0x6a: {  	[bflag:$0x3] =	sbarrier.arrive $0xFFFF  }
0x6b: {  	_ =	shalt  }

// kernel: kernel.31.cloned.1.call-start
scs
__scs_entry_jumppad:
0x0: {  	(pc) =	sbr.rel $0x88, $3  }
0x1: {  	(tag) =	ssettag $0x0;
	lr =	simm.s32 $0x1  }
0x2: {  	[smem:$0x3F86] =	sst lr;
	_ =	strace $0xD0000000  }
0x3: {  	_ = 	snop  }
0x4: {  	_ = 	snop  }
0x5: {  	_ = 	snop  }
0x6: {  	_ = 	snop  }
0x7: {  	_ = 	snop  }
__scs_overlays_trampoline_lowered:
0x8: {  	[smem:$0x3F95] =	sst s0  }
0x9: {  	[smem:$0x3F96] =	sst s1  }
0xa: {  	[smem:$0x3F97] =	sst s2  }
0xb: {  	[smem:$0x3F98] =	sst s3  }
0xc: {  	[smem:$0x3F99] =	sst s4  }
0xd: {  	[smem:$0x3F9A] =	sst s5  }
0xe: {  	[smem:$0x3F9B] =	sst s6  }
0xf: {  	[smem:$0x3F9C] =	sst s7  }
0x10: {  	[smem:$0x3F9D] =	sst s8  }
0x11: {  	[smem:$0x3F9E] =	sst s9;
	s0 =	simm.s32 @!p0 $0x0  }
0x12: {  	s1 =	sld [smem:$0x3F84];
	s0 =	simm.s32 @p0 $0x1  }
0x13: {  	[smem:$0x3F9F] =	sst s0;
	s0 =	simm.s32 @!p1 $0x0  }
0x14: {  	s2 =	sld [smem:$0x3F83];
	s0 =	simm.s32 @p1 $0x1  }
0x15: {  	[smem:$0x3FA0] =	sst s0;
	s0 =	simm.s32 @!p2 $0x0  }
0x16: {  	s3 =	sld [smem:$0x3FDB];
	s0 =	simm.s32 @p2 $0x1  }
0x17: {  	s4 =	simm.s32 $0x1BF5;
	[smem:$0x3FA2] =	sst s0  }
0x18: {  	s0 =	sld [smem:$0x3F85];
	_ =	swait.ge [sflag:s4], $0x0  }
0x19: {  	s7 =	sld [smem:$0x3F86]  }
0x1a: {  	s8 =	sadd.s32 $0xFFFFE003, lr  }
0x1b: {  	s9 =	sadd.s32 $0xFFFFFEF7, lr;
	s5 =	simm.s32 $0xFFFFFFFF;
	p2 =	slt.u32 s8, $0xFFFFF086  }
0x1c: {  	p1 =	slt.u32 s9, $0xF7A;
	s5 =	simm.s32 @!p2 $0x0  }
0x1d: {  	s5 =	simm.s32 @p1 $0x1;
	p0 =	seq.s32 s7, s2  }
0x1e: {  	s7 =	smul.u32 @!p0 $0xF7A, s2;
	p2 =	seq.s32 @!p0 s5, $0x0  }
0x1f: {  	s9 =	smul.u32 $0xF7A, s1;
	s8 =	simm.s32 @!p0 $0x1BF5;
	p2 =	por !p2, p0  }
0x20: {  	[sflag:s8] =	ssyncset.s32 @!p0 $0xFFFFF086;
	s6 =	sadd.s32 @!p0 s3, s7;
	s7 =	simm.s32 @!p0 $0x108  }
0x21: {  	s3 =	sadd.s32 s3, s9;
	s6 =	sadd.s32 @!p0 $0x88, s6;
	s7 =	simm.s32 @p2 $0x1082  }
0x22: {  	[simem:s7], [sflag:s8] =	dma.local @!p0 [hbm:s6], $0xF7A  }
0x23: {  	s9 =	sor.u32 $0xD0000000, s2;
	s6 =	simm.s32 $0x108;
	_ =	swait.ge @!p0 [sflag:s8], $0x0  }
0x24: {  	s3 =	sadd.s32 $0x88, s3;
	s6 =	simm.s32 @!p1 $0x1082;
	[sflag:s4] =	ssyncset.s32 $0xFFFFF086  }
0x25: {  	[simem:s6], [sflag:s4] =	dma.local [hbm:s3], $0xF7A  }
0x26: {  	[smem:$0x3F86] =	sst s1;
	(tag) =	ssettag s2;
	_ =	strace s9  }
0x27: {  	s1 =	sld [smem:$0x3F96]  }
0x28: {  	s2 =	sld [smem:$0x3F97]  }
0x29: {  	s4 =	sld [smem:$0x3F99]  }
0x2a: {  	p0 =	seq.s32 s5, $0x0;
	s5 =	sld [smem:$0x3F9A]  }
0x2b: {  	s6 =	sld [smem:$0x3F9B]  }
0x2c: {  	s7 =	sld [smem:$0x3F9C]  }
0x2d: {  	s3 =	simm.s32 $0x108;
	s8 =	sld [smem:$0x3F9D]  }
0x2e: {  	s3 =	simm.s32 @!p0 $0x1082;
	s9 =	sld [smem:$0x3F9E]  }
0x2f: {  	lr =	sadd.s32 s0, s3;
	s0 =	sld [smem:$0x3F95]  }
0x30: {  	s3 =	sld [smem:$0x3F98]  }
0x31: {  	[smem:$0x3FA1] =	sst s10  }
0x32: {  	s10 =	sld [smem:$0x3F9F];
	_ =	sdelay $0x3  }
0x33: {  	p0 =	seq.s32 s10, $0x1;
	s10 =	sld [smem:$0x3FA1];
	_ =	sdelay $0x3  }
0x34: {  	[smem:$0x3FA1] =	sst s10  }
0x35: {  	s10 =	sld [smem:$0x3FA0];
	_ =	sdelay $0x3  }
0x36: {  	p1 =	seq.s32 s10, $0x1;
	s10 =	sld [smem:$0x3FA1];
	_ =	sdelay $0x3  }
0x37: {  	[smem:$0x3FA1] =	sst s10  }
0x38: {  	s10 =	sld [smem:$0x3FA2]  }
0x39: {  	_ = 	snop;
	(pc) =	sbr.ind lr, $3  }
0x3a: {  	_ = 	snop  }
0x3b: {  	_ = 	snop  }
0x3c: {  	p2 =	seq.s32 s10, $0x1;
	s10 =	sld [smem:$0x3FA1]  }
0x3d: {  	_ =	shalt  }
0x3e: {  	_ =	shalt  }
0x3f: {  	_ =	shalt  }
0x40: {  	_ =	shalt  }
0x41: {  	_ =	shalt  }
0x42: {  	_ =	shalt  }
0x43: {  	_ =	shalt  }
0x44: {  	_ =	shalt  }
0x45: {  	_ =	shalt  }
0x46: {  	_ =	shalt  }
0x47: {  	_ =	shalt  }
0x48: {  	_ =	shalt  }
0x49: {  	_ =	shalt  }
0x4a: {  	_ =	shalt  }
0x4b: {  	_ =	shalt  }
0x4c: {  	_ =	shalt  }
0x4d: {  	_ =	shalt  }
0x4e: {  	_ =	shalt  }
0x4f: {  	_ =	shalt  }
0x50: {  	_ =	shalt  }
0x51: {  	_ =	shalt  }
0x52: {  	_ =	shalt  }
0x53: {  	_ =	shalt  }
0x54: {  	_ =	shalt  }
0x55: {  	_ =	shalt  }
0x56: {  	_ =	shalt  }
0x57: {  	_ =	shalt  }
0x58: {  	_ =	shalt  }
0x59: {  	_ =	shalt  }
0x5a: {  	_ =	shalt  }
0x5b: {  	_ =	shalt  }
0x5c: {  	_ =	shalt  }
0x5d: {  	_ =	shalt  }
0x5e: {  	_ =	shalt  }
0x5f: {  	_ =	shalt  }
0x60: {  	_ =	shalt  }
0x61: {  	_ =	shalt  }
0x62: {  	_ =	shalt  }
0x63: {  	_ =	shalt  }
0x64: {  	_ =	shalt  }
0x65: {  	_ =	shalt  }
0x66: {  	_ =	shalt  }
0x67: {  	_ =	shalt  }
0x68: {  	_ =	shalt  }
0x69: {  	_ =	shalt  }
0x6a: {  	_ =	shalt  }
0x6b: {  	_ =	shalt  }
0x6c: {  	_ =	shalt  }
0x6d: {  	_ =	shalt  }
0x6e: {  	_ =	shalt  }
0x6f: {  	_ =	shalt  }
0x70: {  	_ =	shalt  }
0x71: {  	_ =	shalt  }
0x72: {  	_ =	shalt  }
0x73: {  	_ =	shalt  }
0x74: {  	_ =	shalt  }
0x75: {  	_ =	shalt  }
0x76: {  	_ =	shalt  }
0x77: {  	_ =	shalt  }
0x78: {  	_ =	shalt  }
0x79: {  	_ =	shalt  }
0x7a: {  	_ =	shalt  }
0x7b: {  	_ =	shalt  }
0x7c: {  	_ =	shalt  }
0x7d: {  	_ =	shalt  }
0x7e: {  	_ =	shalt  }
0x7f: {  	_ =	shalt  }
0x80: {  	_ =	shalt  }
0x81: {  	_ =	shalt  }
0x82: {  	_ =	shalt  }
0x83: {  	_ =	shalt  }
0x84: {  	_ =	shalt  }
0x85: {  	_ =	shalt  }
0x86: {  	_ =	shalt  }
0x87: {  	_ =	shalt  }
.Lfunc_end0:
.L_simem_size_0:
called_computation.5_lowered:
.L_overlay_start_0:
0x88: {  	s2 =	sld [smem:$0x3FD9]  }
0x89: {  	s3 =	sld [smem:$0x3FFE];
	_ =	sdelay $0x1  }
0x8a: {  	s1 =	srdreg.scid  }
0x8b: {  	s0 =	sand.u32 $0x1, s1  }
0x8c: {  	s17 =	sshll.u32 s0, $0xA;
	s2 =	sadd.s32 s3, s2  }
0x8d: {  	s2 =	sadd.s32 s2, s17  }
0x8e: {  	[smem:$0x3FAD] =	sst s2  }
0x8f: {  	_ = 	snop  }
0x90: {  	s2 =	sld [smem:$0x3FD0];
	(tm) =	ssettm $0x1  }
0x91: {  	s18 =	sld [smem:$0x3FFB];
	_ =	sdelay $0x3  }
0x92: {  	_ =	strace s18  }
0x93: {  	s3 =	sld [smem:$0x3FFC];
	_ =	sdelay $0x3  }
0x94: {  	_ =	strace s3  }
0x95: {  	s3 =	sld [smem:$0x3FFD];
	_ =	sdelay $0x3  }
0x96: {  	_ =	strace s3  }
0x97: {  	_ =	strace $0x8FFFFFFF  }
0x98: {  	s19 =	sld [smem:$0x3FDB];
	_ =	sdelay $0x1  }
0x99: {  	s4 =	simm.s32 $_scs_section_size  }
0x9a: {  	s5 =	simm.s32 $_size__tile_overlayer_lowered;
	s6 =	simm.s32 $_tile_overlayer_lowered  }
0x9b: {  	s22 =	simm.s32 $0x1BFF;
	s21 =	sshll.u32 s6, $0x1;
	s3 =	sadd.s32 s4, s19  }
0x9c: {  	s7 =	simm.s32 $0x0;
	s20 =	sshll.u32 s5, $0x1;
	s5 =	sadd.s32 s21, s3  }
0x9d: {  	[timem:s7], [sflag:s22] =	dma.local [hbm:s5], s20  }
0x9e: {  	_ =	swait.ge [sflag:s22], s20  }
0x9f: {  	s4 =	ssub.s32 $0x0, s20;
	[sflag:s22] =	ssyncset.done $0x0  }
0xa0: {  	[sflag:s22] =	ssyncadd.s32 s4;
	_ =	sdelay $0x1  }
0xa1: {  	s23 =	simm.s32 $0x1B8B  }
0xa2: {  	_ =	swait.ge [sflag:s23], $0x1  }
0xa3: {  	[sflag:s23] =	ssyncset.done $0x0  }
0xa4: {  	s25 =	simm.s32 $0x1B8E;
	s24 =	sld [smem:$0x3FFE];
	[sflag:s23] =	ssyncadd.s32 $0xFFFFFFFF  }
0xa5: {  	s26 =	simm.s32 $execute0_lowered;
	[smem:$0x3FD2] =	sst s25  }
0xa6: {  	s5 =	sshll.u32 s26, $0x1;
	_ =	strace $0x80000055;
	[dreg:$0x1] =	wrdreg $0xFFFFFFFF  }
0xa7: {  	s28 =	simm.s32 $_size_execute0_lowered;
	s3 =	sadd.s32 s3, s5;
	[dreg:$0x0] =	wrdreg $0x0  }
0xa8: {  	s5 =	sshll.u32 s28, $0x1;
	[dreg:$0x2] =	wrdreg s3  }
0xa9: {  	[dreg:$0x3] =	wrdreg s5  }
0xaa: {  	[dreg:$0x4] =	wrdreg $0xC0  }
0xab: {  	_ =	task [dreg:s7], $0x5FFFF  }
0xac: {  	[dreg:$0x1] =	wrdreg $0xFFFFFFFF  }
0xad: {  	[dreg:$0x0] =	wrdreg $0x60  }
0xae: {  	[dreg:$0x2] =	wrdreg s24  }
0xaf: {  	[dreg:$0x3] =	wrdreg s2  }
0xb0: {  	[dreg:$0x4] =	wrdreg $0x89000  }
0xb1: {  	[dreg:$0x5] =	wrdreg $0x1C9000  }
0xb2: {  	[dreg:$0x6] =	wrdreg $0x9  }
0xb3: {  	_ =	task.clear_ibuf [dreg:s7], $0x7FFFF;
	_ =	strace $0x90000055  }
0xb4: {  	s29 =	simm.s32 $0x9;
	_ =	strace $0x80000057  }
0xb5: {  	_ =	swait.ge [sflag:s29], $0x1  }
0xb6: {  	[sflag:s29] =	ssyncadd.s32 $0xFFFFFFFF  }
0xb7: {  	_ =	strace $0x90000057  }
0xb8: {  	_ =	sfence  }
0xb9: {  	s30 =	sld [smem:$0x0];
	_ =	sdelay $0x2  }
0xba: {  	s31 =	sshll.u32 s1, $0xD;
	s1 =	sshrl.u32 s1, $0x2  }
0xbb: {  	s3 =	sand.u32 $0x4000, s31;
	s1 =	sadd.s32 s1, s30  }
0xbc: {  	s0 =	sor.u32 s3, s0;
	s1 =	sshll.u32 s1, $0x11  }
0xbd: {  	s0 =	sor.u32 s1, s0  }
0xbe: {  	s0 =	sadd.s32 $0x8F2B, s0  }
0xbf: {  	[sflag:s0] =	ssyncadd.remote.s32 $0x1  }
0xc0: {  	_ =	sfence.sel $0xFFFF  }
0xc1: {  	[dreg:$0x0] =	wrdreg $0xFFFFFFFF;
	(pc) =	sbr.abs _section_cstart, $3  }
0xc2: {  	[dreg:$0x1] =	wrdreg $0xFFFFFFFF  }
0xc3: {  	_ =	task.clear_ibuf [dreg:s7], $0x2FFFF;
	_ =	strace $0x9FFFFFFF  }
0xc4: {  	(tm) =	ssettm $0x7FFFFFFF  }
0xc5: {  	_ =	shalt  }
tec
execute0_lowered:
.L_overlay_start_1:
0x0: {  	(tag) =	ssettag $0x1  }
0x1: {  	s8 =	rddreg [dreg:$0x0]  }
0x2: {  	s11 =	rddreg [dreg:$0x1]  }
0x3: {  	s1 =	rddreg [dreg:$0x2]  }
0x4: {  	s3 =	rddreg [dreg:$0x3];
	s4 =	simm.s32 $0x0;
	s5 =	srdreg.scid  }
0x5: {  	s2 =	stileid.u32;
	[smem:$0x7FF] =	sst s4;
	s12 =	sand.u32 $0x1, s5  }
0x6: {  	s9 =	smul.u32 $0x14000, s2;
	s25 =	sshll.u32 s2, $0xD;
	s5 =	sadd.s32 $0x526C00, s8  }
0x7: {  	s0 =	rddreg [dreg:$0x4];
	s6 =	sadd.s32 $0x529400, s8;
	s7 =	sadd.s32 $0x529A00, s8  }
0x8: {  	s10 =	sshll.u32 s2, $0x6;
	s17 =	smul.u32 $0x2800, s2;
	_ =	strace $0x80000056  }
0x9: {  	s13 =	smul.u32 $0x140000, s12;
	s14 =	sadd.s32 s25, s8;
	s15 =	sadd.s32 s10, s8  }
0xa: {  	s16 =	ssub.s32 $0x2, s12;
	s18 =	smul.u32 $0x28000, s12;
	s29 =	sshll.u32 s12, $0xC  }
0xb: {  	s31 =	sshll.u32 s12, $0x5;
	s26 =	sshrl.u32 s16, $0x1;
	s19 =	sadd.s32 s9, s1  }
0xc: {  	s20 =	sadd.s32 s17, s3;
	s30 =	sadd.s32 s29, s14;
	s14 =	sadd.s32 s31, s15  }
0xd: {  	s13 =	sadd.s32 s9, s13;
	s16 =	ssub.s32 s16, s26;
	s9 =	sor.u32 $0x1C02, s10  }
0xe: {  	s17 =	sadd.s32 s17, s18;
	s14 =	sadd.s32 $0x12E00, s14;
	s15 =	sshrl.u32 s19, $0x3  }
0xf: {  	s18 =	simm.s32 $0x8100;
	s19 =	simm.s32 $0x0;
	s13 =	sshrl.u32 s13, $0x3  }
0x10: {  	s28 =	sshrl.u32 s17, $0x3;
	s12 =	smax.u32 s16, $0x1;
	s16 =	simm.s32 $0x2  }
0x11: {  	s17 =	sshrl.u32 s20, $0x3;
	s13 =	sadd.s32 s13, s8;
	s8 =	sshll.u32 s2, $0x1  }
0x12: {  	s11 =	sadd.s32 s11, s28;
	s10 =	sadd.s32 $0x94C00, s13;
	s13 =	sadd.s32 $0x18C2C00, s30  }
.LBB2_1:
0x13: {  	[spmem:s15], [sflag:s9] =	dma.local [hbm:s5], $0x2800  }
0x14: {  	_ =	swait.ge [sflag:s16], $0x2800  }
0x15: {  	[sflag:s16] =	ssyncset.done $0x0  }
0x16: {  	[sflag:s16] =	ssyncadd.s32 $0xFFFFD800  }
0x17: {  	[spmem:s17], [sflag:s9] =	dma.local [hbm:s6], $0x500  }
0x18: {  	_ =	swait.ge [sflag:s16], $0x500  }
0x19: {  	[sflag:s16] =	ssyncset.done $0x0  }
0x1a: {  	[sflag:s16] =	ssyncadd.s32 $0xFFFFFB00  }
0x1b: {  	[tilespmem:s18], [sflag:$0x2] =	stream.linear.gather [hbm4b:s7+s4], $0x800, $0x38;
	[tilespmem:$0x1F100] =	vst v63  }
0x1c: {  	_ =	swait.ge [sflag:s16], $0x800  }
0x1d: {  	s20 =	sadd.s32 $0x0, s8;
	[sflag:s16] =	ssyncset.done $0x0  }
0x1e: {  	p0 =	sgt.u32 s20, $0x4E1;
	[sflag:s16] =	ssyncadd.s32 $0xFFFFF800  }
0x1f: {  	s20 =	simm.s32 @!p0 $0x0;
	s21 =	simm.s32 @!p0 $0x2;
	[bflag:$0x0] =	sbarrier.arrive $0xFFFF  }
0x20: {  	[tilespmem:s20], [sflag:$0x2] =	stream.linear.gather @!p0 [hbm4b:s14+s20], $0x100, $0x38;
	[tilespmem:$0x1F100] =	vst v63  }
0x21: {  	_ =	swait.ge @!p0 [sflag:s21], $0x100  }
0x22: {  	[sflag:s21] =	ssyncset.done @!p0 $0x0;
	p0 =	por p0, p0  }
0x23: {  	[sflag:s21] =	ssyncadd.s32 @!p0 $0xFFFFFF00;
	s22 =	simm.s32 @!p0 $0x100  }
0x24: {  	[tilespmem:s22], [sflag:$0x2] =	stream.linear.gather @!p0 [hbm4b:s13+s20], $0x8000, $0x38;
	[tilespmem:$0x1F100] =	vst v63  }
0x25: {  	_ =	swait.ge @!p0 [sflag:s21], $0x8000  }
0x26: {  	[sflag:s21] =	ssyncset.done @!p0 $0x0  }
0x27: {  	[sflag:s21] =	ssyncadd.s32 @!p0 $0xFFFF8000;
	s21 =	simm.s32 @!p0 $0x80  }
0x28: {  	[spmem:s1] =	stream.indirect.scatter.add.f32 @!p0 [tilespmem:s22], [sflag:$0x1], $0x80, s20, s21, $0xb8;
	[tilespmem:$0x1F100] =	vst v63  }
0x29: {  	s22 =	simm.s32 @!p0 $0x8100  }
0x2a: {  	[spmem:s3] =	stream.indirect.scatter.add.f32 @!p0 [tilespmem:s22], [sflag:$0x1], $0x10, s20, s21, $0xb8;
	[tilespmem:$0x1F100] =	vst v63  }
0x2b: {  	s20 =	simm.s32 @!p0 $0x4100  }
0x2c: {  	[spmem:s1] =	stream.indirect.scatter.add.f32 @!p0 [tilespmem:s20], [sflag:$0x1], $0x80, s21, s21, $0xb8;
	[tilespmem:$0x1F100] =	vst v63  }
0x2d: {  	s23 =	simm.s32 @!p0 $0x1  }
0x2e: {  	[spmem:s3] =	stream.indirect.scatter.add.f32 @!p0 [tilespmem:s22], [sflag:$0x1], $0x10, s21, s21, $0xb8;
	[tilespmem:$0x1F100] =	vst v63  }
0x2f: {  	_ =	swait.ge @!p0 [sflag:s23], $0x4000  }
0x30: {  	[sflag:s23] =	ssyncset.done @!p0 $0x0  }
0x31: {  	[sflag:s23] =	ssyncadd.s32 @!p0 $0xFFFFC000  }
0x32: {  	_ =	swait.ge @!p0 [sflag:s23], $0x800  }
0x33: {  	[sflag:s23] =	ssyncset.done @!p0 $0x0  }
0x34: {  	[sflag:s23] =	ssyncadd.s32 @!p0 $0xFFFFF800  }
0x35: {  	_ =	swait.ge @!p0 [sflag:s23], $0x4000  }
0x36: {  	[sflag:s23] =	ssyncset.done @!p0 $0x0  }
0x37: {  	s31 =	sadd.s32 $0x20, s8;
	[sflag:s23] =	ssyncadd.s32 @!p0 $0xFFFFC000  }
0x38: {  	p2 =	sgt.u32 s31, $0x4E1;
	s20 =	sadd.s32 $0x20000, s13;
	_ =	swait.ge @!p0 [sflag:s23], $0x800  }
0x39: {  	s22 =	simm.s32 $0x40;
	s21 =	sadd.s32 $0x400, s14;
	[sflag:s23] =	ssyncset.done @!p0 $0x0  }
.LBB2_2:
0x3a: {  	s24 =	simm.s32 @!p2 $0x0;
	s25 =	simm.s32 @!p2 $0x2;
	[sflag:s23] =	ssyncadd.s32 @!p0 $0xFFFFF800  }
0x3b: {  	[tilespmem:s24], [sflag:$0x2] =	stream.linear.gather @!p2 [hbm4b:s21+s24], $0x100, $0x38;
	[tilespmem:$0x1F100] =	vst v63  }
0x3c: {  	s26 =	smov.u32 s22;
	s22 =	sadd.s32 $0x20, s22;
	_ =	swait.ge @!p2 [sflag:s25], $0x100  }
0x3d: {  	p0 =	por p2, p2;
	p1 =	sne.s32 s22, $0x500;
	[sflag:s25] =	ssyncset.done @!p2 $0x0  }
0x3e: {  	s23 =	simm.s32 @!p0 $0x100;
	[sflag:s25] =	ssyncadd.s32 @!p0 $0xFFFFFF00  }
0x3f: {  	[tilespmem:s23], [sflag:$0x2] =	stream.linear.gather @!p0 [hbm4b:s20+s24], $0x8000, $0x38;
	[tilespmem:$0x1F100] =	vst v63  }
0x40: {  	_ =	swait.ge @!p0 [sflag:s25], $0x8000  }
0x41: {  	[sflag:s25] =	ssyncset.done @!p0 $0x0  }
0x42: {  	[sflag:s25] =	ssyncadd.s32 @!p0 $0xFFFF8000;
	s25 =	simm.s32 @!p0 $0x80  }
0x43: {  	[spmem:s1] =	stream.indirect.scatter.add.f32 @!p0 [tilespmem:s23], [sflag:$0x1], $0x80, s24, s25, $0xb8;
	[tilespmem:$0x1F100] =	vst v63  }
0x44: {  	s28 =	simm.s32 @!p0 $0x8100  }
0x45: {  	[spmem:s3] =	stream.indirect.scatter.add.f32 @!p0 [tilespmem:s28], [sflag:$0x1], $0x10, s24, s25, $0xb8;
	[tilespmem:$0x1F100] =	vst v63  }
0x46: {  	s23 =	simm.s32 @!p0 $0x4100  }
0x47: {  	[spmem:s1] =	stream.indirect.scatter.add.f32 @!p0 [tilespmem:s23], [sflag:$0x1], $0x80, s25, s25, $0xb8;
	[tilespmem:$0x1F100] =	vst v63  }
0x48: {  	s23 =	simm.s32 @!p0 $0x1  }
0x49: {  	[spmem:s3] =	stream.indirect.scatter.add.f32 @!p0 [tilespmem:s28], [sflag:$0x1], $0x10, s25, s25, $0xb8;
	[tilespmem:$0x1F100] =	vst v63  }
0x4a: {  	_ =	swait.ge @!p0 [sflag:s23], $0x4000  }
0x4b: {  	[sflag:s23] =	ssyncset.done @!p0 $0x0  }
0x4c: {  	[sflag:s23] =	ssyncadd.s32 @!p0 $0xFFFFC000  }
0x4d: {  	_ =	swait.ge @!p0 [sflag:s23], $0x800  }
0x4e: {  	[sflag:s23] =	ssyncset.done @!p0 $0x0  }
0x4f: {  	[sflag:s23] =	ssyncadd.s32 @!p0 $0xFFFFF800  }
.Ltmp0:
0x50: {  	_ =	swait.ge @!p0 [sflag:s23], $0x4000;
	(pc) =	sbr.rel @p1 .LBB2_2-.Ltmp0, $4  }
0x51: {  	[sflag:s23] =	ssyncset.done @!p0 $0x0  }
0x52: {  	[sflag:s23] =	ssyncadd.s32 @!p0 $0xFFFFC000  }
0x53: {  	s21 =	sadd.s32 $0x400, s21;
	s24 =	sadd.s32 s26, s8;
	_ =	swait.ge @!p0 [sflag:s23], $0x800  }
0x54: {  	s20 =	sadd.s32 $0x20000, s20;
	p2 =	sgt.u32 s24, $0x4E1;
	[sflag:s23] =	ssyncset.done @!p0 $0x0  }
0x55: {  	s22 =	simm.s32 @!p2 $0x0;
	s24 =	simm.s32 @!p2 $0x2;
	[sflag:s23] =	ssyncadd.s32 @!p0 $0xFFFFF800  }
0x56: {  	[tilespmem:s22], [sflag:$0x2] =	stream.linear.gather @!p2 [hbm4b:s21+s22], $0x100, $0x38;
	[tilespmem:$0x1F100] =	vst v63  }
0x57: {  	_ =	swait.ge @!p2 [sflag:s24], $0x100  }
0x58: {  	p0 =	por p2, p2;
	[sflag:s24] =	ssyncset.done @!p2 $0x0  }
0x59: {  	s21 =	simm.s32 @!p0 $0x100;
	[sflag:s24] =	ssyncadd.s32 @!p0 $0xFFFFFF00  }
0x5a: {  	[tilespmem:s21], [sflag:$0x2] =	stream.linear.gather @!p0 [hbm4b:s20+s22], $0x8000, $0x38;
	[tilespmem:$0x1F100] =	vst v63  }
0x5b: {  	_ =	swait.ge @!p0 [sflag:s24], $0x8000  }
0x5c: {  	[sflag:s24] =	ssyncset.done @!p0 $0x0  }
0x5d: {  	s20 =	simm.s32 @!p0 $0x80;
	[sflag:s24] =	ssyncadd.s32 @!p0 $0xFFFF8000  }
0x5e: {  	[spmem:s1] =	stream.indirect.scatter.add.f32 @!p0 [tilespmem:s21], [sflag:$0x1], $0x80, s22, s20, $0xb8;
	[tilespmem:$0x1F100] =	vst v63  }
0x5f: {  	s21 =	simm.s32 @!p0 $0x8100  }
0x60: {  	[spmem:s3] =	stream.indirect.scatter.add.f32 @!p0 [tilespmem:s21], [sflag:$0x1], $0x10, s22, s20, $0xb8;
	[tilespmem:$0x1F100] =	vst v63  }
0x61: {  	s22 =	simm.s32 @!p0 $0x4100  }
0x62: {  	[spmem:s1] =	stream.indirect.scatter.add.f32 @!p0 [tilespmem:s22], [sflag:$0x1], $0x80, s20, s20, $0xb8;
	[tilespmem:$0x1F100] =	vst v63  }
0x63: {  	s22 =	simm.s32 @!p0 $0x1  }
0x64: {  	[spmem:s3] =	stream.indirect.scatter.add.f32 @!p0 [tilespmem:s21], [sflag:$0x1], $0x10, s20, s20, $0xb8;
	[tilespmem:$0x1F100] =	vst v63  }
0x65: {  	_ =	swait.ge @!p0 [sflag:s22], $0x4000  }
0x66: {  	[sflag:s22] =	ssyncset.done @!p0 $0x0  }
0x67: {  	[sflag:s22] =	ssyncadd.s32 @!p0 $0xFFFFC000  }
0x68: {  	_ =	swait.ge @!p0 [sflag:s22], $0x800  }
0x69: {  	[sflag:s22] =	ssyncset.done @!p0 $0x0  }
0x6a: {  	[sflag:s22] =	ssyncadd.s32 @!p0 $0xFFFFF800  }
0x6b: {  	_ =	swait.ge @!p0 [sflag:s22], $0x4000  }
0x6c: {  	[sflag:s22] =	ssyncset.done @!p0 $0x0  }
0x6d: {  	[sflag:s22] =	ssyncadd.s32 @!p0 $0xFFFFC000  }
0x6e: {  	_ =	swait.ge @!p0 [sflag:s22], $0x800  }
0x6f: {  	[sflag:s22] =	ssyncset.done @!p0 $0x0  }
0x70: {  	[sflag:s22] =	ssyncadd.s32 @!p0 $0xFFFFF800  }
0x71: {  	[bflag:$0x0] =	sbarrier.arrive $0xFFFF  }
0x72: {  	[hbm:s10], [sflag:s9] =	dma.local [spmem:s15], $0x2800  }
0x73: {  	s19 =	sadd.s32 $0x1, s19;
	_ =	swait.ge [sflag:s16], $0x2800  }
0x74: {  	p0 =	sne.s32 s19, s12;
	[sflag:s16] =	ssyncset.done $0x0  }
.Ltmp1:
0x75: {  	[sflag:s16] =	ssyncadd.s32 $0xFFFFD800;
	(pc) =	sbr.rel @p0 .LBB2_1-.Ltmp1, $4  }
0x76: {  	[hbm:s11], [sflag:s9] =	dma.local [spmem:s17], $0x500  }
0x77: {  	_ =	swait.ge [sflag:s16], $0x500  }
0x78: {  	[sflag:s16] =	ssyncset.done $0x0  }
0x79: {  	[sflag:s16] =	ssyncadd.s32 $0xFFFFFB00  }
0x7a: {  	_ =	sfence.sel $0x180000  }
0x7b: {  	[bflag:$0x0] =	sbarrier.arrive $0xFFFF  }
0x7c: {  	p0 =	sne.s32 s2, $0x0;
	_ =	strace $0x90000056  }
0x7d: {  	s0 =	sadd.s32 @!p0 $0x100000, s0;
	[bflag:$0x2] =	sbarrier.arrive $0xFFFF  }
0x7e: {  	[sflag:s0] =	ssyncadd.tile.s32 @!p0 $0x1;
	_ =	shalt  }
.Lfunc_end2:
_tile_overlayer_lowered:
.L_overlay_start_2:
0x7f: {  	(tag) =	ssettag $0x2  }
0x80: {  	s0 =	rddreg [dreg:$0x0];
	s2 =	stileid.u32  }
0x81: {  	s1 =	rddreg [dreg:$0x1];
	p0 =	sne.s32 s2, $0x0  }
0x82: {  	s3 =	rddreg [dreg:$0x2];
	[bflag:$0x3] =	sbarrier.arrive $0xFFFF;
	s2 =	simm.s32 @!p0 $0x1C02  }
0x83: {  	[timem:s3], [sflag:s2] =	dma.local @!p0 [hbm:s0], s1  }
0x84: {  	s0 =	simm.s32 @!p0 $0x2  }
0x85: {  	_ =	swait.ge @!p0 [sflag:s0], s1  }
0x86: {  	s1 =	ssub.s32 @!p0 $0x0, s1;
	[sflag:s0] =	ssyncset.done @!p0 $0x0  }
0x87: {  	[sflag:s0] =	ssyncadd.s32 @!p0 s1  }
0x88: {  	[bflag:$0x3] =	sbarrier.arrive $0xFFFF  }
0x89: {  	_ =	shalt  }

</sc_bundles>
